<compile_context>
chip_gen: v7x
topology: tpu7x:2x2x1
jax: 0.10.2.dev20260603
libtpu: 0.0.44.dev20260713+nightly
codegen_flags: <defaults>
</compile_context>

<pallas_src>
import functools

import jax
import jax.numpy as jnp
from jax import lax
from jax.experimental import pallas as pl
from jax.experimental.pallas import tpu as pltpu
from jax.experimental.pallas import tpu_sc as plsc

N = 10000
E = 320000
D = 128
G = 64
OUT = 10
L = 3

NC = 2
NS = 16
NW = NC * NS
EPT = E // NW
K = 80
CH = EPT // K
BLK = 80
NB = N // BLK


def _sc_segment_sum(h, src_r, dst_r):
    mesh = plsc.VectorSubcoreMesh(core_axis_name="c", subcore_axis_name="s")

    @functools.partial(
        pl.kernel,
        mesh=mesh,
        out_type=jax.ShapeDtypeStruct((NC, N, D), jnp.float32),
        scratch_types=[
            pltpu.VMEM((EPT,), jnp.int32),
            pltpu.VMEM((CH, K), jnp.int32),
            pltpu.VMEM((K, D), jnp.float32),
            pltpu.VMEM((K, D), jnp.float32),
            pltpu.VMEM_SHARED((N, D), jnp.float32),
            pltpu.SemaphoreType.DMA,
            pltpu.SemaphoreType.DMA,
        ],
    )
    def seg_sum(h_hbm, src_hbm, dst_hbm, out_hbm,
                src_v, dst_v, rows0, rows1, acc_sh, gsem0, gsem1):
        c = lax.axis_index("c")
        s = lax.axis_index("s")
        wid = c * NS + s

        zero16 = jnp.zeros((16,), jnp.float32)

        def zrow(i, carry):
            def zcol(k2, carry2):
                rows0[i, pl.ds(k2 * 16, 16)] = zero16
                return carry2
            return lax.fori_loop(0, D // 16, zcol, carry)

        lax.fori_loop(0, BLK, zrow, 0)

        def zcopy(j, carry):
            b = j * NS + s

            @pl.when(b < NB)
            def _():
                pltpu.sync_copy(rows0, acc_sh.at[pl.ds(b * BLK, BLK)])
            return carry

        lax.fori_loop(0, (NB + NS - 1) // NS, zcopy, 0)

        pltpu.sync_copy(src_hbm.at[wid], src_v)
        pltpu.sync_copy(dst_hbm.at[wid], dst_v)
        plsc.subcore_barrier()

        def start_gather(j, buf, gsem):
            pltpu.async_copy(h_hbm.at[src_v.at[pl.ds(j * K, K)]], buf, gsem)

        def wait_gather(buf, gsem):
            pltpu.make_async_copy(h_hbm.at[src_v.at[pl.ds(0, K)]],
                                  buf, gsem).wait()

        start_gather(0, rows0, gsem0)
        start_gather(1, rows1, gsem1)

        def body(i, carry):
            wait_gather(rows0, gsem0)
            pltpu.sync_copy(rows0, acc_sh.at[dst_v.at[2 * i]], add=True)

            @pl.when(2 * i + 2 < CH)
            def _():
                start_gather(2 * i + 2, rows0, gsem0)

            wait_gather(rows1, gsem1)
            pltpu.sync_copy(rows1, acc_sh.at[dst_v.at[2 * i + 1]], add=True)

            @pl.when(2 * i + 3 < CH)
            def _():
                start_gather(2 * i + 3, rows1, gsem1)
            return carry

        lax.fori_loop(0, CH // 2, body, 0)
        if CH % 2:
            wait_gather(rows0, gsem0)
            pltpu.sync_copy(rows0, acc_sh.at[dst_v.at[CH - 1]], add=True)
        plsc.subcore_barrier()

        def ocopy(j, carry):
            b = j * NS + s

            @pl.when(b < NB)
            def _():
                pltpu.sync_copy(acc_sh.at[pl.ds(b * BLK, BLK)],
                                out_hbm.at[c].at[pl.ds(b * BLK, BLK)])
            return carry

        lax.fori_loop(0, (NB + NS - 1) // NS, ocopy, 0)

    return seg_sum(h, src_r, dst_r)


def _tc_mlp(h, parts, wa, ba, ga, bea, wb, bb, gb, beb):

    def mlp_kernel(h_ref, p_ref, wa_ref, ba_ref, ga_ref, bea_ref,
                   wb_ref, bb_ref, gb_ref, beb_ref, o_ref):
        z = h_ref[...] + p_ref[0] + p_ref[1]
        z = jnp.dot(z, wa_ref[...], preferred_element_type=jnp.float32)
        z = z + ba_ref[...]
        mu = jnp.mean(z, axis=0, keepdims=True)
        var = jnp.mean((z - mu) * (z - mu), axis=0, keepdims=True)
        z = (z - mu) * lax.rsqrt(var + 1e-5) * ga_ref[...] + bea_ref[...]
        z = jnp.maximum(z, 0.0)
        z = jnp.dot(z, wb_ref[...], preferred_element_type=jnp.float32)
        z = z + bb_ref[...]
        mu = jnp.mean(z, axis=0, keepdims=True)
        var = jnp.mean((z - mu) * (z - mu), axis=0, keepdims=True)
        z = (z - mu) * lax.rsqrt(var + 1e-5) * gb_ref[...] + beb_ref[...]
        o_ref[...] = jnp.maximum(z, 0.0)

    return pl.pallas_call(
        mlp_kernel,
        out_shape=jax.ShapeDtypeStruct((N, D), jnp.float32),
    )(h, parts, wa, ba, ga, bea, wb, bb, gb, beb)


PB = 8
NPB = N // PB


def _tc_mlp_pool(h, parts, wa, ba, ga, bea, wb, bb, gb, beb,
                 batch_col, batch8, wl, bl):

    def mlp_pool_kernel(h_ref, p_ref, wa_ref, ba_ref, ga_ref, bea_ref,
                        wb_ref, bb_ref, gb_ref, beb_ref,
                        b_ref, b8_ref, wl_ref, bl_ref, o_ref,
                        hs_ref, pooled_ref, bm_ref, blk0_ref, blk1_ref):
        z = h_ref[...] + p_ref[0] + p_ref[1]
        z = jnp.dot(z, wa_ref[...], preferred_element_type=jnp.float32)
        z = z + ba_ref[...]
        mu = jnp.mean(z, axis=0, keepdims=True)
        var = jnp.mean((z - mu) * (z - mu), axis=0, keepdims=True)
        z = (z - mu) * lax.rsqrt(var + 1e-5) * ga_ref[...] + bea_ref[...]
        z = jnp.maximum(z, 0.0)
        z = jnp.dot(z, wb_ref[...], preferred_element_type=jnp.float32)
        z = z + bb_ref[...]
        mu = jnp.mean(z, axis=0, keepdims=True)
        var = jnp.mean((z - mu) * (z - mu), axis=0, keepdims=True)
        z = (z - mu) * lax.rsqrt(var + 1e-5) * gb_ref[...] + beb_ref[...]
        z = jnp.maximum(z, 0.0)
        hs_ref[...] = z

        bm_ref[...] = jnp.max(z.reshape(NPB, PB, D), axis=1)
        bmin = b8_ref[:, 0:1]
        bmax = b8_ref[:, 7:8]
        bv = b_ref[...]
        bmv = bm_ref[...]
        neg = jnp.float32(-jnp.inf)

        gid = lax.broadcasted_iota(jnp.int32, (1, G), 1)
        onehot = (bv == gid).astype(jnp.float32)
        counts = jnp.sum(onehot, axis=0, keepdims=True)
        krow = lax.broadcasted_iota(jnp.int32, (G, G), 0)
        gcol = lax.broadcasted_iota(jnp.int32, (G, G), 1)
        lt = (krow < gcol).astype(jnp.float32)
        eye = (krow == gcol).astype(jnp.float32)
        starts = jnp.dot(counts, lt, preferred_element_type=jnp.float32)
        ends = starts + counts
        dn = (((1,), (1,)), ((), ()))
        starts_c = lax.dot_general(eye, starts, dn,
                                   preferred_element_type=jnp.float32)
        ends_c = lax.dot_general(eye, ends, dn,
                                 preferred_element_type=jnp.float32)
        blk0_ref[...] = (
            jnp.minimum(starts_c, N - 1).astype(jnp.int32) // PB)
        blk1_ref[...] = (
            jnp.maximum(ends_c - 1, 0).astype(jnp.int32) // PB)

        def body(g, carry):
            mpure = (bmin == g) & (bmax == g)
            m0 = jnp.max(jnp.where(mpure, bmv, neg), axis=0)
            blk0 = jnp.sum(blk0_ref[pl.ds(g, 1), :])
            blk1 = jnp.sum(blk1_ref[pl.ds(g, 1), :])

            def edge_max(blk):
                rows = hs_ref[pl.ds(blk * PB, PB), :]
                m = b_ref[pl.ds(blk * PB, PB), :] == g
                return jnp.max(jnp.where(m, rows, neg), axis=0)

            best = jnp.maximum(m0, jnp.maximum(edge_max(blk0), edge_max(blk1)))
            pooled_ref[pl.ds(g, 1), :] = best.reshape(1, D)
            return carry

        lax.fori_loop(0, G, body, 0)
        o_ref[...] = (
            jnp.dot(pooled_ref[...], wl_ref[...],
                    preferred_element_type=jnp.float32)
            + bl_ref[...]
        )

    return pl.pallas_call(
        mlp_pool_kernel,
        out_shape=jax.ShapeDtypeStruct((G, OUT), jnp.float32),
        scratch_shapes=[pltpu.VMEM((N, D), jnp.float32),
                        pltpu.VMEM((G, D), jnp.float32),
                        pltpu.VMEM((NPB, D), jnp.float32),
                        pltpu.VMEM((G, 1), jnp.int32),
                        pltpu.VMEM((G, 1), jnp.int32)],
    )(h, parts, wa, ba, ga, bea, wb, bb, gb, beb, batch_col, batch8, wl, bl)


def kernel(x, edge_index, batch, Wa, ba, ga, bea, Wb, bb, gb, beb, Wl, bl):
    src_r = edge_index[0].reshape(NW, EPT)
    dst_r = edge_index[1].reshape(NW, CH, K)
    batch_col = batch.reshape(N, 1)
    h = x
    for i in range(L - 1):
        parts = _sc_segment_sum(h, src_r, dst_r)
        h = _tc_mlp(
            h, parts, Wa[i],
            ba[i].reshape(1, D), ga[i].reshape(1, D), bea[i].reshape(1, D),
            Wb[i],
            bb[i].reshape(1, D), gb[i].reshape(1, D), beb[i].reshape(1, D),
        )
    i = L - 1
    parts = _sc_segment_sum(h, src_r, dst_r)
    return _tc_mlp_pool(
        h, parts, Wa[i],
        ba[i].reshape(1, D), ga[i].reshape(1, D), bea[i].reshape(1, D),
        Wb[i],
        bb[i].reshape(1, D), gb[i].reshape(1, D), beb[i].reshape(1, D),
        batch_col, batch.reshape(NPB, PB), Wl, bl.reshape(1, OUT))

# --- scband reference (transcript-rebuilt; emitter-appended) ---
"""Pipeline reference for scband-cluster-net-homogeneous-74947179315776 (READ-ONLY COPY).

The authoritative reference and input builder live on the scoring server;
editing this copy changes nothing except your own understanding.
"""

import jax, jax.numpy as jnp
import numpy as np

N = 10000
E = 320000
D = 128
G = 64
OUT = 10
L = 3


def setup_inputs(seed: int = 0) -> dict:
    key = jax.random.key(seed)
    ks = jax.random.split(key, 16)
    inp = {}
    inp["x"] = jax.random.normal(ks[0], (N, D), dtype=jnp.float32)
    inp["edge_index"] = jax.random.randint(ks[1], (2, E), 0, N, dtype=jnp.int32)
    inp["batch"] = jnp.sort(jax.random.randint(ks[2], (N,), 0, G, dtype=jnp.int32))
    # Stacked GIN-MLP parameters: 3 layers, each MLP = [Linear(D,D)+BN+ReLU, Linear(D,D)+BN+ReLU] (plain_last=False)
    inp["Wa"] = jax.random.normal(ks[3], (L, D, D), dtype=jnp.float32) * 0.05
    inp["ba"] = jnp.zeros((L, D), dtype=jnp.float32)
    inp["ga"] = jnp.ones((L, D), dtype=jnp.float32)
    inp["bea"] = jnp.zeros((L, D), dtype=jnp.float32)
    inp["Wb"] = jax.random.normal(ks[4], (L, D, D), dtype=jnp.float32) * 0.05
    inp["bb"] = jnp.zeros((L, D), dtype=jnp.float32)
    inp["gb"] = jnp.ones((L, D), dtype=jnp.float32)
    inp["beb"] = jnp.zeros((L, D), dtype=jnp.float32)
    inp["Wl"] = jax.random.normal(ks[5], (D, OUT), dtype=jnp.float32) * 0.05
    inp["bl"] = jnp.zeros((OUT,), dtype=jnp.float32)
    return inp


def _bn(h, g, b):
    mu = jnp.mean(h, axis=0)
    var = jnp.var(h, axis=0)
    return (h - mu) / jnp.sqrt(var + 1e-5) * g + b


def reference(x, edge_index, batch, Wa, ba, ga, bea, Wb, bb, gb, beb, Wl, bl):
    src = edge_index[0]
    dst = edge_index[1]
    h = x
    for i in range(L):
        # GINConv with eps=0: h_i' = MLP(h_i + sum_{j->i} h_j)
        agg = jax.ops.segment_sum(h[src], dst, num_segments=N)
        z = h + agg
        z = z @ Wa[i] + ba[i]
        z = jax.nn.relu(_bn(z, ga[i], bea[i]))
        z = z @ Wb[i] + bb[i]
        z = jax.nn.relu(_bn(z, gb[i], beb[i]))
        h = z
    pooled = jax.ops.segment_max(h, batch, num_segments=G)
    return pooled @ Wl + bl

if __name__ == "__main__":
    import jax
    _d = setup_inputs()
    print(jax.jit(kernel)(*tuple(_d.values())))

</pallas_src>

<mosaic_0001>
#map = affine_map<(d0, d1) -> (0, 0)>
#map1 = affine_map<(d0, d1) -> (0, 0, 0)>
module attributes {stable_mosaic.version = 14 : i64} {
  func.func @seg_sum(%arg0: i32, %arg1: i32, %arg2: memref<10000x128xf32, #tpu.memory_space<hbm>>, %arg3: memref<32x10000xi32, #tpu.memory_space<hbm>>, %arg4: memref<32x125x80xi32, #tpu.memory_space<hbm>>, %arg5: memref<2x10000x128xf32, #tpu.memory_space<hbm>>, %arg6: memref<10000xi32, #tpu.memory_space<vmem>>, %arg7: memref<125x80xi32, #tpu.memory_space<vmem>>, %arg8: memref<80x128xf32, #tpu.memory_space<vmem>>, %arg9: memref<80x128xf32, #tpu.memory_space<vmem>>, %arg10: memref<10000x128xf32, #tpu.memory_space<vmem_shared>>, %arg11: memref<!tpu.dma_semaphore, #tpu.memory_space<semaphore_mem>>, %arg12: memref<!tpu.dma_semaphore, #tpu.memory_space<semaphore_mem>>) attributes {dimension_semantics = [#tpu.dimension_semantics<core_parallel>, #tpu.dimension_semantics<subcore_parallel>], iteration_bounds = array<i64: 2, 16>, scalar_prefetch = 0 : i64, scratch_operands = 7 : i64, tpu.core_type = #tpu.core_type<sc_vector_subcore>, window_params = [{transform_indices = #map}, {transform_indices = #map}, {transform_indices = #map1}, {transform_indices = #map1}]} {
    %mul3A = arith.constant 16 : i32
    %mul3A_0 = arith.muli %arg0, %mul3A : i32
    %add3A = arith.addi %mul3A_0, %arg1 : i32
    %broadcast_in_dim3A = arith.constant 0.000000e+00 : f32
    %broadcast_in_dim3A_1 = vector.broadcast %broadcast_in_dim3A : f32 to vector<16xf32>
    %scan3A = arith.constant 0 : i32
    %scan3A_2 = arith.constant 0 : i32
    %scan3A_3 = arith.constant 80 : i32
    %scan3A_4 = arith.addi %scan3A_2, %scan3A_3 : i32
    %scan3A_5 = arith.constant 1 : i32
    scf.for %scan3A_39 = %scan3A_2 to %scan3A_4 step %scan3A_5  : i32 {
      %scan3A_40 = arith.constant 0 : i32
      %scan3A_41 = arith.constant 8 : i32
      %scan3A_42 = arith.addi %scan3A_40, %scan3A_41 : i32
      %scan3A_43 = arith.constant 1 : i32
      scf.for %scan3A_45 = %scan3A_40 to %scan3A_42 step %scan3A_43  : i32 {
        %mul3A_46 = arith.constant 16 : i32
        %mul3A_47 = arith.muli %scan3A_45, %mul3A_46 : i32
        %swap3A = arith.index_cast %scan3A_39 : i32 to index
        %swap3A_48 = arith.index_cast %mul3A_47 : i32 to index
        %swap3A_49 = tpu.vector_load %arg8[%swap3A, %swap3A_48] {strides = array<i32>} : memref<80x128xf32, #tpu.memory_space<vmem>>, vector<1x16xf32>,
        %swap3A_50 = vector.shape_cast %swap3A_49 : vector<1x16xf32> to vector<16xf32>
        %swap3A_51 = vector.shape_cast %broadcast_in_dim3A_1 : vector<16xf32> to vector<1x16xf32>
        tpu.vector_store %arg8[%swap3A, %swap3A_48], %swap3A_51 {strides = array<i32>} : memref<80x128xf32, #tpu.memory_space<vmem>>, vector<1x16xf32>,
      }
      %scan3A_44 = arith.constant 8 : i32
    }
    %scan3A_6 = arith.constant 80 : i32
    %scan3A_7 = arith.constant 0 : i32
    %scan3A_8 = arith.constant 0 : i32
    %scan3A_9 = arith.constant 8 : i32
    %scan3A_10 = arith.addi %scan3A_8, %scan3A_9 : i32
    %scan3A_11 = arith.constant 1 : i32
    scf.for %scan3A_39 = %scan3A_8 to %scan3A_10 step %scan3A_11  : i32 {
      %mul3A_40 = arith.constant 16 : i32
      %mul3A_41 = arith.muli %scan3A_39, %mul3A_40 : i32
      %add3A_42 = arith.addi %mul3A_41, %arg1 : i32
      %lt3A = arith.constant 125 : i32
      %lt3A_43 = arith.cmpi slt, %add3A_42, %lt3A : i32
      %convert_element_type3A = arith.extui %lt3A_43 : i1 to i32
      %cond3A = arith.constant 0 : i32
      %cond3A_44 = arith.cmpi ne, %convert_element_type3A, %cond3A : i32
      scf.if %cond3A_44 {
        %mul3A_45 = arith.constant 80 : i32
        %mul3A_46 = arith.muli %add3A_42, %mul3A_45 : i32
        "tpu.region"() ({
          %run_scoped3A_47 = tpu.sem_alloc : memref<!tpu.dma_semaphore, #tpu.memory_space<semaphore_mem>>
          %dma_start3A_48 = arith.constant 0 : i32
          %dma_start3A_49 = tpu.memref_slice %arg10[%mul3A_46, %dma_start3A_48] : memref<10000x128xf32, #tpu.memory_space<vmem_shared>> -> memref<80x128xf32, #tpu.memory_space<vmem_shared>>
          %dma_start3A_50 = arith.constant 0 : i32
          %dma_start3A_51 = tpu.memref_slice %arg10[%mul3A_46, %dma_start3A_50] : memref<10000x128xf32, #tpu.memory_space<vmem_shared>> -> memref<80x128xf32, #tpu.memory_space<vmem_shared>>
          tpu.enqueue_dma source(%arg8 : memref<80x128xf32, #tpu.memory_space<vmem>>) target(%dma_start3A_51 : memref<80x128xf32, #tpu.memory_space<vmem_shared>>) target_semaphore(%run_scoped3A_47 : memref<!tpu.dma_semaphore, #tpu.memory_space<semaphore_mem>>)
          %dma_wait3A_52 = arith.constant 0 : i32
          %dma_wait3A_53 = tpu.memref_slice %arg10[%mul3A_46, %dma_wait3A_52] : memref<10000x128xf32, #tpu.memory_space<vmem_shared>> -> memref<80x128xf32, #tpu.memory_space<vmem_shared>>
          %dma_wait3A_54 = arith.constant 0 : i32
          %dma_wait3A_55 = tpu.memref_slice %arg10[%mul3A_46, %dma_wait3A_54] : memref<10000x128xf32, #tpu.memory_space<vmem_shared>> -> memref<80x128xf32, #tpu.memory_space<vmem_shared>>
          tpu.wait_dma2 semaphore(%run_scoped3A_47 : memref<!tpu.dma_semaphore, #tpu.memory_space<semaphore_mem>>) src(%arg8 : memref<80x128xf32, #tpu.memory_space<vmem>>) dst(%dma_wait3A_55 : memref<80x128xf32, #tpu.memory_space<vmem_shared>>)
          tpu.yield
        }) : () -> ()
      } else {
      }
    }
    %scan3A_12 = arith.constant 8 : i32
    "tpu.region"() ({
      %run_scoped3A_39 = tpu.sem_alloc : memref<!tpu.dma_semaphore, #tpu.memory_space<semaphore_mem>>
      %dma_start3A_40 = arith.constant 0 : i32
      %dma_start3A_41 = tpu.memref_slice %arg3[%add3A, %dma_start3A_40] : memref<32x10000xi32, #tpu.memory_space<hbm>> -> memref<1x10000xi32, #tpu.memory_space<hbm>>
      %dma_start3A_42 = tpu.memref_squeeze %dma_start3A_41 : memref<1x10000xi32, #tpu.memory_space<hbm>> -> memref<10000xi32, #tpu.memory_space<hbm>>
      %dma_start3A_43 = arith.constant 0 : i32
      %dma_start3A_44 = tpu.memref_slice %arg3[%add3A, %dma_start3A_43] : memref<32x10000xi32, #tpu.memory_space<hbm>> -> memref<1x10000xi32, #tpu.memory_space<hbm>>
      %dma_start3A_45 = tpu.memref_squeeze %dma_start3A_44 : memref<1x10000xi32, #tpu.memory_space<hbm>> -> memref<10000xi32, #tpu.memory_space<hbm>>
      tpu.enqueue_dma source(%dma_start3A_45 : memref<10000xi32, #tpu.memory_space<hbm>>) target(%arg6 : memref<10000xi32, #tpu.memory_space<vmem>>) target_semaphore(%run_scoped3A_39 : memref<!tpu.dma_semaphore, #tpu.memory_space<semaphore_mem>>)
      %dma_wait3A_46 = arith.constant 0 : i32
      %dma_wait3A_47 = tpu.memref_slice %arg3[%add3A, %dma_wait3A_46] : memref<32x10000xi32, #tpu.memory_space<hbm>> -> memref<1x10000xi32, #tpu.memory_space<hbm>>
      %dma_wait3A_48 = tpu.memref_squeeze %dma_wait3A_47 : memref<1x10000xi32, #tpu.memory_space<hbm>> -> memref<10000xi32, #tpu.memory_space<hbm>>
      %dma_wait3A_49 = arith.constant 0 : i32
      %dma_wait3A_50 = tpu.memref_slice %arg3[%add3A, %dma_wait3A_49] : memref<32x10000xi32, #tpu.memory_space<hbm>> -> memref<1x10000xi32, #tpu.memory_space<hbm>>
      %dma_wait3A_51 = tpu.memref_squeeze %dma_wait3A_50 : memref<1x10000xi32, #tpu.memory_space<hbm>> -> memref<10000xi32, #tpu.memory_space<hbm>>
      tpu.wait_dma2 semaphore(%run_scoped3A_39 : memref<!tpu.dma_semaphore, #tpu.memory_space<semaphore_mem>>) src(%dma_wait3A_51 : memref<10000xi32, #tpu.memory_space<hbm>>) dst(%arg6 : memref<10000xi32, #tpu.memory_space<vmem>>)
      tpu.yield
    }) : () -> ()
    "tpu.region"() ({
      %run_scoped3A_39 = tpu.sem_alloc : memref<!tpu.dma_semaphore, #tpu.memory_space<semaphore_mem>>
      %dma_start3A_40 = arith.constant 0 : i32
      %dma_start3A_41 = arith.constant 0 : i32
      %dma_start3A_42 = tpu.memref_slice %arg4[%add3A, %dma_start3A_40, %dma_start3A_41] : memref<32x125x80xi32, #tpu.memory_space<hbm>> -> memref<1x125x80xi32, #tpu.memory_space<hbm>>
      %dma_start3A_43 = tpu.memref_squeeze %dma_start3A_42 : memref<1x125x80xi32, #tpu.memory_space<hbm>> -> memref<125x80xi32, #tpu.memory_space<hbm>>
      %dma_start3A_44 = arith.constant 0 : i32
      %dma_start3A_45 = arith.constant 0 : i32
      %dma_start3A_46 = tpu.memref_slice %arg4[%add3A, %dma_start3A_44, %dma_start3A_45] : memref<32x125x80xi32, #tpu.memory_space<hbm>> -> memref<1x125x80xi32, #tpu.memory_space<hbm>>
      %dma_start3A_47 = tpu.memref_squeeze %dma_start3A_46 : memref<1x125x80xi32, #tpu.memory_space<hbm>> -> memref<125x80xi32, #tpu.memory_space<hbm>>
      tpu.enqueue_dma source(%dma_start3A_47 : memref<125x80xi32, #tpu.memory_space<hbm>>) target(%arg7 : memref<125x80xi32, #tpu.memory_space<vmem>>) target_semaphore(%run_scoped3A_39 : memref<!tpu.dma_semaphore, #tpu.memory_space<semaphore_mem>>)
      %dma_wait3A_48 = arith.constant 0 : i32
      %dma_wait3A_49 = arith.constant 0 : i32
      %dma_wait3A_50 = tpu.memref_slice %arg4[%add3A, %dma_wait3A_48, %dma_wait3A_49] : memref<32x125x80xi32, #tpu.memory_space<hbm>> -> memref<1x125x80xi32, #tpu.memory_space<hbm>>
      %dma_wait3A_51 = tpu.memref_squeeze %dma_wait3A_50 : memref<1x125x80xi32, #tpu.memory_space<hbm>> -> memref<125x80xi32, #tpu.memory_space<hbm>>
      %dma_wait3A_52 = arith.constant 0 : i32
      %dma_wait3A_53 = arith.constant 0 : i32
      %dma_wait3A_54 = tpu.memref_slice %arg4[%add3A, %dma_wait3A_52, %dma_wait3A_53] : memref<32x125x80xi32, #tpu.memory_space<hbm>> -> memref<1x125x80xi32, #tpu.memory_space<hbm>>
      %dma_wait3A_55 = tpu.memref_squeeze %dma_wait3A_54 : memref<1x125x80xi32, #tpu.memory_space<hbm>> -> memref<125x80xi32, #tpu.memory_space<hbm>>
      tpu.wait_dma2 semaphore(%run_scoped3A_39 : memref<!tpu.dma_semaphore, #tpu.memory_space<semaphore_mem>>) src(%dma_wait3A_55 : memref<125x80xi32, #tpu.memory_space<hbm>>) dst(%arg7 : memref<125x80xi32, #tpu.memory_space<vmem>>)
      tpu.yield
    }) : () -> ()
    %barrier3A = arith.constant 0 : index
    tpu.barrier barrier_id(%barrier3A)
    %dma_start3A = arith.constant 0 : i32
    %dma_start3A_13 = tpu.memref_slice %arg6[%dma_start3A] : memref<10000xi32, #tpu.memory_space<vmem>> -> memref<80xi32, #tpu.memory_space<vmem>>
    %dma_start3A_14 = arith.constant 0 : i32
    %dma_start3A_15 = arith.constant 0 : i32
    %dma_start3A_16 = tpu.memref_slice %arg2[%dma_start3A_14, %dma_start3A_15] : memref<10000x128xf32, #tpu.memory_space<hbm>> -> memref<10000x128xf32, #tpu.memory_space<hbm>>
    tpu.enqueue_indirect_dma source(%dma_start3A_16 : memref<10000x128xf32, #tpu.memory_space<hbm>>) target(%arg8 : memref<80x128xf32, #tpu.memory_space<vmem>>) offsets(%dma_start3A_13 : memref<80xi32, #tpu.memory_space<vmem>>) semaphore(%arg11 : memref<!tpu.dma_semaphore, #tpu.memory_space<semaphore_mem>>)
    %dma_start3A_17 = arith.constant 80 : i32
    %dma_start3A_18 = tpu.memref_slice %arg6[%dma_start3A_17] : memref<10000xi32, #tpu.memory_space<vmem>> -> memref<80xi32, #tpu.memory_space<vmem>>
    %dma_start3A_19 = arith.constant 0 : i32
    %dma_start3A_20 = arith.constant 0 : i32
    %dma_start3A_21 = tpu.memref_slice %arg2[%dma_start3A_19, %dma_start3A_20] : memref<10000x128xf32, #tpu.memory_space<hbm>> -> memref<10000x128xf32, #tpu.memory_space<hbm>>
    tpu.enqueue_indirect_dma source(%dma_start3A_21 : memref<10000x128xf32, #tpu.memory_space<hbm>>) target(%arg9 : memref<80x128xf32, #tpu.memory_space<vmem>>) offsets(%dma_start3A_18 : memref<80xi32, #tpu.memory_space<vmem>>) semaphore(%arg12 : memref<!tpu.dma_semaphore, #tpu.memory_space<semaphore_mem>>)
    %scan3A_22 = arith.constant 0 : i32
    %scan3A_23 = arith.constant 0 : i32
    %scan3A_24 = arith.constant 62 : i32
    %scan3A_25 = arith.addi %scan3A_23, %scan3A_24 : i32
    %scan3A_26 = arith.constant 1 : i32
    scf.for %scan3A_39 = %scan3A_23 to %scan3A_25 step %scan3A_26  : i32 {
      %dma_wait3A_40 = arith.constant 0 : i32
      %dma_wait3A_41 = tpu.memref_slice %arg6[%dma_wait3A_40] : memref<10000xi32, #tpu.memory_space<vmem>> -> memref<80xi32, #tpu.memory_space<vmem>>
      %dma_wait3A_42 = arith.constant 0 : i32
      %dma_wait3A_43 = arith.constant 0 : i32
      %dma_wait3A_44 = tpu.memref_slice %arg2[%dma_wait3A_42, %dma_wait3A_43] : memref<10000x128xf32, #tpu.memory_space<hbm>> -> memref<10000x128xf32, #tpu.memory_space<hbm>>
      tpu.wait_indirect_dma semaphore(%arg11 : memref<!tpu.dma_semaphore, #tpu.memory_space<semaphore_mem>>) src(%dma_wait3A_44 : memref<10000x128xf32, #tpu.memory_space<hbm>>) dst(%arg8 : memref<80x128xf32, #tpu.memory_space<vmem>>)
      %mul3A_45 = arith.constant 2 : i32
      %mul3A_46 = arith.muli %mul3A_45, %scan3A_39 : i32
      "tpu.region"() ({
        %run_scoped3A_71 = tpu.sem_alloc : memref<!tpu.dma_semaphore, #tpu.memory_space<semaphore_mem>>
        %dma_start3A_72 = arith.constant 0 : i32
        %dma_start3A_73 = tpu.memref_slice %arg7[%mul3A_46, %dma_start3A_72] : memref<125x80xi32, #tpu.memory_space<vmem>> -> memref<1x80xi32, #tpu.memory_space<vmem>>
        %dma_start3A_74 = tpu.memref_squeeze %dma_start3A_73 : memref<1x80xi32, #tpu.memory_space<vmem>> -> memref<80xi32, #tpu.memory_space<vmem>>
        %dma_start3A_75 = arith.constant 0 : i32
        %dma_start3A_76 = arith.constant 0 : i32
        %dma_start3A_77 = tpu.memref_slice %arg10[%dma_start3A_75, %dma_start3A_76] : memref<10000x128xf32, #tpu.memory_space<vmem_shared>> -> memref<10000x128xf32, #tpu.memory_space<vmem_shared>>
        tpu.enqueue_indirect_dma source(%arg8 : memref<80x128xf32, #tpu.memory_space<vmem>>) target(%dma_start3A_77 : memref<10000x128xf32, #tpu.memory_space<vmem_shared>>) offsets(%dma_start3A_74 : memref<80xi32, #tpu.memory_space<vmem>>) semaphore(%run_scoped3A_71 : memref<!tpu.dma_semaphore, #tpu.memory_space<semaphore_mem>>) {add = true}
        %dma_wait3A_78 = arith.constant 0 : i32
        %dma_wait3A_79 = tpu.memref_slice %arg7[%mul3A_46, %dma_wait3A_78] : memref<125x80xi32, #tpu.memory_space<vmem>> -> memref<1x80xi32, #tpu.memory_space<vmem>>
        %dma_wait3A_80 = tpu.memref_squeeze %dma_wait3A_79 : memref<1x80xi32, #tpu.memory_space<vmem>> -> memref<80xi32, #tpu.memory_space<vmem>>
        %dma_wait3A_81 = arith.constant 0 : i32
        %dma_wait3A_82 = arith.constant 0 : i32
        %dma_wait3A_83 = tpu.memref_slice %arg10[%dma_wait3A_81, %dma_wait3A_82] : memref<10000x128xf32, #tpu.memory_space<vmem_shared>> -> memref<10000x128xf32, #tpu.memory_space<vmem_shared>>
        tpu.wait_indirect_dma semaphore(%run_scoped3A_71 : memref<!tpu.dma_semaphore, #tpu.memory_space<semaphore_mem>>) src(%arg8 : memref<80x128xf32, #tpu.memory_space<vmem>>) dst(%dma_wait3A_83 : memref<10000x128xf32, #tpu.memory_space<vmem_shared>>)
        tpu.yield
      }) : () -> ()
      %mul3A_47 = arith.constant 2 : i32
      %mul3A_48 = arith.muli %mul3A_47, %scan3A_39 : i32
      %add3A_49 = arith.constant 2 : i32
      %add3A_50 = arith.addi %mul3A_48, %add3A_49 : i32
      %lt3A = arith.constant 125 : i32
      %lt3A_51 = arith.cmpi slt, %add3A_50, %lt3A : i32
      %convert_element_type3A = arith.extui %lt3A_51 : i1 to i32
      %cond3A = arith.constant 0 : i32
      %cond3A_52 = arith.cmpi ne, %convert_element_type3A, %cond3A : i32
      scf.if %cond3A_52 {
        %mul3A_71 = arith.constant 2 : i32
        %mul3A_72 = arith.muli %mul3A_71, %scan3A_39 : i32
        %add3A_73 = arith.constant 2 : i32
        %add3A_74 = arith.addi %mul3A_72, %add3A_73 : i32
        %mul3A_75 = arith.constant 80 : i32
        %mul3A_76 = arith.muli %add3A_74, %mul3A_75 : i32
        %dma_start3A_77 = tpu.memref_slice %arg6[%mul3A_76] : memref<10000xi32, #tpu.memory_space<vmem>> -> memref<80xi32, #tpu.memory_space<vmem>>
        %dma_start3A_78 = arith.constant 0 : i32
        %dma_start3A_79 = arith.constant 0 : i32
        %dma_start3A_80 = tpu.memref_slice %arg2[%dma_start3A_78, %dma_start3A_79] : memref<10000x128xf32, #tpu.memory_space<hbm>> -> memref<10000x128xf32, #tpu.memory_space<hbm>>
        tpu.enqueue_indirect_dma source(%dma_start3A_80 : memref<10000x128xf32, #tpu.memory_space<hbm>>) target(%arg8 : memref<80x128xf32, #tpu.memory_space<vmem>>) offsets(%dma_start3A_77 : memref<80xi32, #tpu.memory_space<vmem>>) semaphore(%arg11 : memref<!tpu.dma_semaphore, #tpu.memory_space<semaphore_mem>>)
      } else {
      }
      %dma_wait3A_53 = arith.constant 0 : i32
      %dma_wait3A_54 = tpu.memref_slice %arg6[%dma_wait3A_53] : memref<10000xi32, #tpu.memory_space<vmem>> -> memref<80xi32, #tpu.memory_space<vmem>>
      %dma_wait3A_55 = arith.constant 0 : i32
      %dma_wait3A_56 = arith.constant 0 : i32
      %dma_wait3A_57 = tpu.memref_slice %arg2[%dma_wait3A_55, %dma_wait3A_56] : memref<10000x128xf32, #tpu.memory_space<hbm>> -> memref<10000x128xf32, #tpu.memory_space<hbm>>
      tpu.wait_indirect_dma semaphore(%arg12 : memref<!tpu.dma_semaphore, #tpu.memory_space<semaphore_mem>>) src(%dma_wait3A_57 : memref<10000x128xf32, #tpu.memory_space<hbm>>) dst(%arg9 : memref<80x128xf32, #tpu.memory_space<vmem>>)
      %mul3A_58 = arith.constant 2 : i32
      %mul3A_59 = arith.muli %mul3A_58, %scan3A_39 : i32
      %add3A_60 = arith.constant 1 : i32
      %add3A_61 = arith.addi %mul3A_59, %add3A_60 : i32
      "tpu.region"() ({
        %run_scoped3A_71 = tpu.sem_alloc : memref<!tpu.dma_semaphore, #tpu.memory_space<semaphore_mem>>
        %dma_start3A_72 = arith.constant 0 : i32
        %dma_start3A_73 = tpu.memref_slice %arg7[%add3A_61, %dma_start3A_72] : memref<125x80xi32, #tpu.memory_space<vmem>> -> memref<1x80xi32, #tpu.memory_space<vmem>>
        %dma_start3A_74 = tpu.memref_squeeze %dma_start3A_73 : memref<1x80xi32, #tpu.memory_space<vmem>> -> memref<80xi32, #tpu.memory_space<vmem>>
        %dma_start3A_75 = arith.constant 0 : i32
        %dma_start3A_76 = arith.constant 0 : i32
        %dma_start3A_77 = tpu.memref_slice %arg10[%dma_start3A_75, %dma_start3A_76] : memref<10000x128xf32, #tpu.memory_space<vmem_shared>> -> memref<10000x128xf32, #tpu.memory_space<vmem_shared>>
        tpu.enqueue_indirect_dma source(%arg9 : memref<80x128xf32, #tpu.memory_space<vmem>>) target(%dma_start3A_77 : memref<10000x128xf32, #tpu.memory_space<vmem_shared>>) offsets(%dma_start3A_74 : memref<80xi32, #tpu.memory_space<vmem>>) semaphore(%run_scoped3A_71 : memref<!tpu.dma_semaphore, #tpu.memory_space<semaphore_mem>>) {add = true}
        %dma_wait3A_78 = arith.constant 0 : i32
        %dma_wait3A_79 = tpu.memref_slice %arg7[%add3A_61, %dma_wait3A_78] : memref<125x80xi32, #tpu.memory_space<vmem>> -> memref<1x80xi32, #tpu.memory_space<vmem>>
        %dma_wait3A_80 = tpu.memref_squeeze %dma_wait3A_79 : memref<1x80xi32, #tpu.memory_space<vmem>> -> memref<80xi32, #tpu.memory_space<vmem>>
        %dma_wait3A_81 = arith.constant 0 : i32
        %dma_wait3A_82 = arith.constant 0 : i32
        %dma_wait3A_83 = tpu.memref_slice %arg10[%dma_wait3A_81, %dma_wait3A_82] : memref<10000x128xf32, #tpu.memory_space<vmem_shared>> -> memref<10000x128xf32, #tpu.memory_space<vmem_shared>>
        tpu.wait_indirect_dma semaphore(%run_scoped3A_71 : memref<!tpu.dma_semaphore, #tpu.memory_space<semaphore_mem>>) src(%arg9 : memref<80x128xf32, #tpu.memory_space<vmem>>) dst(%dma_wait3A_83 : memref<10000x128xf32, #tpu.memory_space<vmem_shared>>)
        tpu.yield
      }) : () -> ()
      %mul3A_62 = arith.constant 2 : i32
      %mul3A_63 = arith.muli %mul3A_62, %scan3A_39 : i32
      %add3A_64 = arith.constant 3 : i32
      %add3A_65 = arith.addi %mul3A_63, %add3A_64 : i32
      %lt3A_66 = arith.constant 125 : i32
      %lt3A_67 = arith.cmpi slt, %add3A_65, %lt3A_66 : i32
      %convert_element_type3A_68 = arith.extui %lt3A_67 : i1 to i32
      %cond3A_69 = arith.constant 0 : i32
      %cond3A_70 = arith.cmpi ne, %convert_element_type3A_68, %cond3A_69 : i32
      scf.if %cond3A_70 {
        %mul3A_71 = arith.constant 2 : i32
        %mul3A_72 = arith.muli %mul3A_71, %scan3A_39 : i32
        %add3A_73 = arith.constant 3 : i32
        %add3A_74 = arith.addi %mul3A_72, %add3A_73 : i32
        %mul3A_75 = arith.constant 80 : i32
        %mul3A_76 = arith.muli %add3A_74, %mul3A_75 : i32
        %dma_start3A_77 = tpu.memref_slice %arg6[%mul3A_76] : memref<10000xi32, #tpu.memory_space<vmem>> -> memref<80xi32, #tpu.memory_space<vmem>>
        %dma_start3A_78 = arith.constant 0 : i32
        %dma_start3A_79 = arith.constant 0 : i32
        %dma_start3A_80 = tpu.memref_slice %arg2[%dma_start3A_78, %dma_start3A_79] : memref<10000x128xf32, #tpu.memory_space<hbm>> -> memref<10000x128xf32, #tpu.memory_space<hbm>>
        tpu.enqueue_indirect_dma source(%dma_start3A_80 : memref<10000x128xf32, #tpu.memory_space<hbm>>) target(%arg9 : memref<80x128xf32, #tpu.memory_space<vmem>>) offsets(%dma_start3A_77 : memref<80xi32, #tpu.memory_space<vmem>>) semaphore(%arg12 : memref<!tpu.dma_semaphore, #tpu.memory_space<semaphore_mem>>)
      } else {
      }
    }
    %scan3A_27 = arith.constant 62 : i32
    %dma_wait3A = arith.constant 0 : i32
    %dma_wait3A_28 = tpu.memref_slice %arg6[%dma_wait3A] : memref<10000xi32, #tpu.memory_space<vmem>> -> memref<80xi32, #tpu.memory_space<vmem>>
    %dma_wait3A_29 = arith.constant 0 : i32
    %dma_wait3A_30 = arith.constant 0 : i32
    %dma_wait3A_31 = tpu.memref_slice %arg2[%dma_wait3A_29, %dma_wait3A_30] : memref<10000x128xf32, #tpu.memory_space<hbm>> -> memref<10000x128xf32, #tpu.memory_space<hbm>>
    tpu.wait_indirect_dma semaphore(%arg11 : memref<!tpu.dma_semaphore, #tpu.memory_space<semaphore_mem>>) src(%dma_wait3A_31 : memref<10000x128xf32, #tpu.memory_space<hbm>>) dst(%arg8 : memref<80x128xf32, #tpu.memory_space<vmem>>)
    %run_scoped3A = arith.constant 124 : i32
    "tpu.region"() ({
      %run_scoped3A_39 = tpu.sem_alloc : memref<!tpu.dma_semaphore, #tpu.memory_space<semaphore_mem>>
      %dma_start3A_40 = arith.constant 0 : i32
      %dma_start3A_41 = tpu.memref_slice %arg7[%run_scoped3A, %dma_start3A_40] : memref<125x80xi32, #tpu.memory_space<vmem>> -> memref<1x80xi32, #tpu.memory_space<vmem>>
      %dma_start3A_42 = tpu.memref_squeeze %dma_start3A_41 : memref<1x80xi32, #tpu.memory_space<vmem>> -> memref<80xi32, #tpu.memory_space<vmem>>
      %dma_start3A_43 = arith.constant 0 : i32
      %dma_start3A_44 = arith.constant 0 : i32
      %dma_start3A_45 = tpu.memref_slice %arg10[%dma_start3A_43, %dma_start3A_44] : memref<10000x128xf32, #tpu.memory_space<vmem_shared>> -> memref<10000x128xf32, #tpu.memory_space<vmem_shared>>
      tpu.enqueue_indirect_dma source(%arg8 : memref<80x128xf32, #tpu.memory_space<vmem>>) target(%dma_start3A_45 : memref<10000x128xf32, #tpu.memory_space<vmem_shared>>) offsets(%dma_start3A_42 : memref<80xi32, #tpu.memory_space<vmem>>) semaphore(%run_scoped3A_39 : memref<!tpu.dma_semaphore, #tpu.memory_space<semaphore_mem>>) {add = true}
      %dma_wait3A_46 = arith.constant 0 : i32
      %dma_wait3A_47 = tpu.memref_slice %arg7[%run_scoped3A, %dma_wait3A_46] : memref<125x80xi32, #tpu.memory_space<vmem>> -> memref<1x80xi32, #tpu.memory_space<vmem>>
      %dma_wait3A_48 = tpu.memref_squeeze %dma_wait3A_47 : memref<1x80xi32, #tpu.memory_space<vmem>> -> memref<80xi32, #tpu.memory_space<vmem>>
      %dma_wait3A_49 = arith.constant 0 : i32
      %dma_wait3A_50 = arith.constant 0 : i32
      %dma_wait3A_51 = tpu.memref_slice %arg10[%dma_wait3A_49, %dma_wait3A_50] : memref<10000x128xf32, #tpu.memory_space<vmem_shared>> -> memref<10000x128xf32, #tpu.memory_space<vmem_shared>>
      tpu.wait_indirect_dma semaphore(%run_scoped3A_39 : memref<!tpu.dma_semaphore, #tpu.memory_space<semaphore_mem>>) src(%arg8 : memref<80x128xf32, #tpu.memory_space<vmem>>) dst(%dma_wait3A_51 : memref<10000x128xf32, #tpu.memory_space<vmem_shared>>)
      tpu.yield
    }) : () -> ()
    %barrier3A_32 = arith.constant 0 : index
    tpu.barrier barrier_id(%barrier3A_32)
    %scan3A_33 = arith.constant 0 : i32
    %scan3A_34 = arith.constant 0 : i32
    %scan3A_35 = arith.constant 8 : i32
    %scan3A_36 = arith.addi %scan3A_34, %scan3A_35 : i32
    %scan3A_37 = arith.constant 1 : i32
    scf.for %scan3A_39 = %scan3A_34 to %scan3A_36 step %scan3A_37  : i32 {
      %mul3A_40 = arith.constant 16 : i32
      %mul3A_41 = arith.muli %scan3A_39, %mul3A_40 : i32
      %add3A_42 = arith.addi %mul3A_41, %arg1 : i32
      %lt3A = arith.constant 125 : i32
      %lt3A_43 = arith.cmpi slt, %add3A_42, %lt3A : i32
      %convert_element_type3A = arith.extui %lt3A_43 : i1 to i32
      %cond3A = arith.constant 0 : i32
      %cond3A_44 = arith.cmpi ne, %convert_element_type3A, %cond3A : i32
      scf.if %cond3A_44 {
        %mul3A_45 = arith.constant 80 : i32
        %mul3A_46 = arith.muli %add3A_42, %mul3A_45 : i32
        %mul3A_47 = arith.constant 80 : i32
        %mul3A_48 = arith.muli %add3A_42, %mul3A_47 : i32
        "tpu.region"() ({
          %run_scoped3A_49 = tpu.sem_alloc : memref<!tpu.dma_semaphore, #tpu.memory_space<semaphore_mem>>
          %dma_start3A_50 = arith.constant 0 : i32
          %dma_start3A_51 = arith.constant 0 : i32
          %dma_start3A_52 = tpu.memref_slice %arg5[%arg0, %dma_start3A_50, %dma_start3A_51] : memref<2x10000x128xf32, #tpu.memory_space<hbm>> -> memref<1x10000x128xf32, #tpu.memory_space<hbm>>
          %dma_start3A_53 = tpu.memref_squeeze %dma_start3A_52 : memref<1x10000x128xf32, #tpu.memory_space<hbm>> -> memref<10000x128xf32, #tpu.memory_space<hbm>>
          %dma_start3A_54 = arith.constant 0 : i32
          %dma_start3A_55 = tpu.memref_slice %dma_start3A_53[%mul3A_48, %dma_start3A_54] : memref<10000x128xf32, #tpu.memory_space<hbm>> -> memref<80x128xf32, #tpu.memory_space<hbm>>
          %dma_start3A_56 = arith.constant 0 : i32
          %dma_start3A_57 = tpu.memref_slice %arg10[%mul3A_46, %dma_start3A_56] : memref<10000x128xf32, #tpu.memory_space<vmem_shared>> -> memref<80x128xf32, #tpu.memory_space<vmem_shared>>
          tpu.enqueue_dma source(%dma_start3A_57 : memref<80x128xf32, #tpu.memory_space<vmem_shared>>) target(%dma_start3A_55 : memref<80x128xf32, #tpu.memory_space<hbm>>) target_semaphore(%run_scoped3A_49 : memref<!tpu.dma_semaphore, #tpu.memory_space<semaphore_mem>>)
          %dma_wait3A_58 = arith.constant 0 : i32
          %dma_wait3A_59 = arith.constant 0 : i32
          %dma_wait3A_60 = tpu.memref_slice %arg5[%arg0, %dma_wait3A_58, %dma_wait3A_59] : memref<2x10000x128xf32, #tpu.memory_space<hbm>> -> memref<1x10000x128xf32, #tpu.memory_space<hbm>>
          %dma_wait3A_61 = tpu.memref_squeeze %dma_wait3A_60 : memref<1x10000x128xf32, #tpu.memory_space<hbm>> -> memref<10000x128xf32, #tpu.memory_space<hbm>>
          %dma_wait3A_62 = arith.constant 0 : i32
          %dma_wait3A_63 = tpu.memref_slice %dma_wait3A_61[%mul3A_48, %dma_wait3A_62] : memref<10000x128xf32, #tpu.memory_space<hbm>> -> memref<80x128xf32, #tpu.memory_space<hbm>>
          %dma_wait3A_64 = arith.constant 0 : i32
          %dma_wait3A_65 = tpu.memref_slice %arg10[%mul3A_46, %dma_wait3A_64] : memref<10000x128xf32, #tpu.memory_space<vmem_shared>> -> memref<80x128xf32, #tpu.memory_space<vmem_shared>>
          tpu.wait_dma2 semaphore(%run_scoped3A_49 : memref<!tpu.dma_semaphore, #tpu.memory_space<semaphore_mem>>) src(%dma_wait3A_65 : memref<80x128xf32, #tpu.memory_space<vmem_shared>>) dst(%dma_wait3A_63 : memref<80x128xf32, #tpu.memory_space<hbm>>)
          tpu.yield
        }) : () -> ()
      } else {
      }
    }
    %scan3A_38 = arith.constant 8 : i32
    return
  }
}

#map = affine_map<(d0, d1) -> (0, 0)>
#map1 = affine_map<(d0, d1) -> (0, 0, 0)>
module attributes {stable_mosaic.version = 14 : i64} {
  func.func @seg_sum(%arg0: i32, %arg1: i32, %arg2: memref<10000x128xf32, #tpu.memory_space<hbm>>, %arg3: memref<32x10000xi32, #tpu.memory_space<hbm>>, %arg4: memref<32x125x80xi32, #tpu.memory_space<hbm>>, %arg5: memref<2x10000x128xf32, #tpu.memory_space<hbm>>, %arg6: memref<10000xi32, #tpu.memory_space<vmem>>, %arg7: memref<125x80xi32, #tpu.memory_space<vmem>>, %arg8: memref<80x128xf32, #tpu.memory_space<vmem>>, %arg9: memref<80x128xf32, #tpu.memory_space<vmem>>, %arg10: memref<10000x128xf32, #tpu.memory_space<vmem_shared>>, %arg11: memref<!tpu.dma_semaphore, #tpu.memory_space<semaphore_mem>>, %arg12: memref<!tpu.dma_semaphore, #tpu.memory_space<semaphore_mem>>) attributes {dimension_semantics = [#tpu.dimension_semantics<core_parallel>, #tpu.dimension_semantics<subcore_parallel>], iteration_bounds = array<i64: 2, 16>, scalar_prefetch = 0 : i64, scratch_operands = 7 : i64, tpu.core_type = #tpu.core_type<sc_vector_subcore>, window_params = [{transform_indices = #map}, {transform_indices = #map}, {transform_indices = #map1}, {transform_indices = #map1}]} {
    %mul3A = arith.constant 16 : i32
    %mul3A_0 = arith.muli %arg0, %mul3A : i32
    %add3A = arith.addi %mul3A_0, %arg1 : i32
    %broadcast_in_dim3A = arith.constant 0.000000e+00 : f32
    %broadcast_in_dim3A_1 = vector.broadcast %broadcast_in_dim3A : f32 to vector<16xf32>
    %scan3A = arith.constant 0 : i32
    %scan3A_2 = arith.constant 0 : i32
    %scan3A_3 = arith.constant 80 : i32
    %scan3A_4 = arith.addi %scan3A_2, %scan3A_3 : i32
    %scan3A_5 = arith.constant 1 : i32
    scf.for %scan3A_39 = %scan3A_2 to %scan3A_4 step %scan3A_5  : i32 {
      %scan3A_40 = arith.constant 0 : i32
      %scan3A_41 = arith.constant 8 : i32
      %scan3A_42 = arith.addi %scan3A_40, %scan3A_41 : i32
      %scan3A_43 = arith.constant 1 : i32
      scf.for %scan3A_45 = %scan3A_40 to %scan3A_42 step %scan3A_43  : i32 {
        %mul3A_46 = arith.constant 16 : i32
        %mul3A_47 = arith.muli %scan3A_45, %mul3A_46 : i32
        %swap3A = arith.index_cast %scan3A_39 : i32 to index
        %swap3A_48 = arith.index_cast %mul3A_47 : i32 to index
        %swap3A_49 = tpu.vector_load %arg8[%swap3A, %swap3A_48] {strides = array<i32>} : memref<80x128xf32, #tpu.memory_space<vmem>>, vector<1x16xf32>,
        %swap3A_50 = vector.shape_cast %swap3A_49 : vector<1x16xf32> to vector<16xf32>
        %swap3A_51 = vector.shape_cast %broadcast_in_dim3A_1 : vector<16xf32> to vector<1x16xf32>
        tpu.vector_store %arg8[%swap3A, %swap3A_48], %swap3A_51 {strides = array<i32>} : memref<80x128xf32, #tpu.memory_space<vmem>>, vector<1x16xf32>,
      }
      %scan3A_44 = arith.constant 8 : i32
    }
    %scan3A_6 = arith.constant 80 : i32
    %scan3A_7 = arith.constant 0 : i32
    %scan3A_8 = arith.constant 0 : i32
    %scan3A_9 = arith.constant 8 : i32
    %scan3A_10 = arith.addi %scan3A_8, %scan3A_9 : i32
    %scan3A_11 = arith.constant 1 : i32
    scf.for %scan3A_39 = %scan3A_8 to %scan3A_10 step %scan3A_11  : i32 {
      %mul3A_40 = arith.constant 16 : i32
      %mul3A_41 = arith.muli %scan3A_39, %mul3A_40 : i32
      %add3A_42 = arith.addi %mul3A_41, %arg1 : i32
      %lt3A = arith.constant 125 : i32
      %lt3A_43 = arith.cmpi slt, %add3A_42, %lt3A : i32
      %convert_element_type3A = arith.extui %lt3A_43 : i1 to i32
      %cond3A = arith.constant 0 : i32
      %cond3A_44 = arith.cmpi ne, %convert_element_type3A, %cond3A : i32
      scf.if %cond3A_44 {
        %mul3A_45 = arith.constant 80 : i32
        %mul3A_46 = arith.muli %add3A_42, %mul3A_45 : i32
        "tpu.region"() ({
          %run_scoped3A_47 = tpu.sem_alloc : memref<!tpu.dma_semaphore, #tpu.memory_space<semaphore_mem>>
          %dma_start3A_48 = arith.constant 0 : i32
          %dma_start3A_49 = tpu.memref_slice %arg10[%mul3A_46, %dma_start3A_48] : memref<10000x128xf32, #tpu.memory_space<vmem_shared>> -> memref<80x128xf32, #tpu.memory_space<vmem_shared>>
          %dma_start3A_50 = arith.constant 0 : i32
          %dma_start3A_51 = tpu.memref_slice %arg10[%mul3A_46, %dma_start3A_50] : memref<10000x128xf32, #tpu.memory_space<vmem_shared>> -> memref<80x128xf32, #tpu.memory_space<vmem_shared>>
          tpu.enqueue_dma source(%arg8 : memref<80x128xf32, #tpu.memory_space<vmem>>) target(%dma_start3A_51 : memref<80x128xf32, #tpu.memory_space<vmem_shared>>) target_semaphore(%run_scoped3A_47 : memref<!tpu.dma_semaphore, #tpu.memory_space<semaphore_mem>>)
          %dma_wait3A_52 = arith.constant 0 : i32
          %dma_wait3A_53 = tpu.memref_slice %arg10[%mul3A_46, %dma_wait3A_52] : memref<10000x128xf32, #tpu.memory_space<vmem_shared>> -> memref<80x128xf32, #tpu.memory_space<vmem_shared>>
          %dma_wait3A_54 = arith.constant 0 : i32
          %dma_wait3A_55 = tpu.memref_slice %arg10[%mul3A_46, %dma_wait3A_54] : memref<10000x128xf32, #tpu.memory_space<vmem_shared>> -> memref<80x128xf32, #tpu.memory_space<vmem_shared>>
          tpu.wait_dma2 semaphore(%run_scoped3A_47 : memref<!tpu.dma_semaphore, #tpu.memory_space<semaphore_mem>>) src(%arg8 : memref<80x128xf32, #tpu.memory_space<vmem>>) dst(%dma_wait3A_55 : memref<80x128xf32, #tpu.memory_space<vmem_shared>>)
          tpu.yield
        }) : () -> ()
      } else {
      }
    }
    %scan3A_12 = arith.constant 8 : i32
    "tpu.region"() ({
      %run_scoped3A_39 = tpu.sem_alloc : memref<!tpu.dma_semaphore, #tpu.memory_space<semaphore_mem>>
      %dma_start3A_40 = arith.constant 0 : i32
      %dma_start3A_41 = tpu.memref_slice %arg3[%add3A, %dma_start3A_40] : memref<32x10000xi32, #tpu.memory_space<hbm>> -> memref<1x10000xi32, #tpu.memory_space<hbm>>
      %dma_start3A_42 = tpu.memref_squeeze %dma_start3A_41 : memref<1x10000xi32, #tpu.memory_space<hbm>> -> memref<10000xi32, #tpu.memory_space<hbm>>
      %dma_start3A_43 = arith.constant 0 : i32
      %dma_start3A_44 = tpu.memref_slice %arg3[%add3A, %dma_start3A_43] : memref<32x10000xi32, #tpu.memory_space<hbm>> -> memref<1x10000xi32, #tpu.memory_space<hbm>>
      %dma_start3A_45 = tpu.memref_squeeze %dma_start3A_44 : memref<1x10000xi32, #tpu.memory_space<hbm>> -> memref<10000xi32, #tpu.memory_space<hbm>>
      tpu.enqueue_dma source(%dma_start3A_45 : memref<10000xi32, #tpu.memory_space<hbm>>) target(%arg6 : memref<10000xi32, #tpu.memory_space<vmem>>) target_semaphore(%run_scoped3A_39 : memref<!tpu.dma_semaphore, #tpu.memory_space<semaphore_mem>>)
      %dma_wait3A_46 = arith.constant 0 : i32
      %dma_wait3A_47 = tpu.memref_slice %arg3[%add3A, %dma_wait3A_46] : memref<32x10000xi32, #tpu.memory_space<hbm>> -> memref<1x10000xi32, #tpu.memory_space<hbm>>
      %dma_wait3A_48 = tpu.memref_squeeze %dma_wait3A_47 : memref<1x10000xi32, #tpu.memory_space<hbm>> -> memref<10000xi32, #tpu.memory_space<hbm>>
      %dma_wait3A_49 = arith.constant 0 : i32
      %dma_wait3A_50 = tpu.memref_slice %arg3[%add3A, %dma_wait3A_49] : memref<32x10000xi32, #tpu.memory_space<hbm>> -> memref<1x10000xi32, #tpu.memory_space<hbm>>
      %dma_wait3A_51 = tpu.memref_squeeze %dma_wait3A_50 : memref<1x10000xi32, #tpu.memory_space<hbm>> -> memref<10000xi32, #tpu.memory_space<hbm>>
      tpu.wait_dma2 semaphore(%run_scoped3A_39 : memref<!tpu.dma_semaphore, #tpu.memory_space<semaphore_mem>>) src(%dma_wait3A_51 : memref<10000xi32, #tpu.memory_space<hbm>>) dst(%arg6 : memref<10000xi32, #tpu.memory_space<vmem>>)
      tpu.yield
    }) : () -> ()
    "tpu.region"() ({
      %run_scoped3A_39 = tpu.sem_alloc : memref<!tpu.dma_semaphore, #tpu.memory_space<semaphore_mem>>
      %dma_start3A_40 = arith.constant 0 : i32
      %dma_start3A_41 = arith.constant 0 : i32
      %dma_start3A_42 = tpu.memref_slice %arg4[%add3A, %dma_start3A_40, %dma_start3A_41] : memref<32x125x80xi32, #tpu.memory_space<hbm>> -> memref<1x125x80xi32, #tpu.memory_space<hbm>>
      %dma_start3A_43 = tpu.memref_squeeze %dma_start3A_42 : memref<1x125x80xi32, #tpu.memory_space<hbm>> -> memref<125x80xi32, #tpu.memory_space<hbm>>
      %dma_start3A_44 = arith.constant 0 : i32
      %dma_start3A_45 = arith.constant 0 : i32
      %dma_start3A_46 = tpu.memref_slice %arg4[%add3A, %dma_start3A_44, %dma_start3A_45] : memref<32x125x80xi32, #tpu.memory_space<hbm>> -> memref<1x125x80xi32, #tpu.memory_space<hbm>>
      %dma_start3A_47 = tpu.memref_squeeze %dma_start3A_46 : memref<1x125x80xi32, #tpu.memory_space<hbm>> -> memref<125x80xi32, #tpu.memory_space<hbm>>
      tpu.enqueue_dma source(%dma_start3A_47 : memref<125x80xi32, #tpu.memory_space<hbm>>) target(%arg7 : memref<125x80xi32, #tpu.memory_space<vmem>>) target_semaphore(%run_scoped3A_39 : memref<!tpu.dma_semaphore, #tpu.memory_space<semaphore_mem>>)
      %dma_wait3A_48 = arith.constant 0 : i32
      %dma_wait3A_49 = arith.constant 0 : i32
      %dma_wait3A_50 = tpu.memref_slice %arg4[%add3A, %dma_wait3A_48, %dma_wait3A_49] : memref<32x125x80xi32, #tpu.memory_space<hbm>> -> memref<1x125x80xi32, #tpu.memory_space<hbm>>
      %dma_wait3A_51 = tpu.memref_squeeze %dma_wait3A_50 : memref<1x125x80xi32, #tpu.memory_space<hbm>> -> memref<125x80xi32, #tpu.memory_space<hbm>>
      %dma_wait3A_52 = arith.constant 0 : i32
      %dma_wait3A_53 = arith.constant 0 : i32
      %dma_wait3A_54 = tpu.memref_slice %arg4[%add3A, %dma_wait3A_52, %dma_wait3A_53] : memref<32x125x80xi32, #tpu.memory_space<hbm>> -> memref<1x125x80xi32, #tpu.memory_space<hbm>>
      %dma_wait3A_55 = tpu.memref_squeeze %dma_wait3A_54 : memref<1x125x80xi32, #tpu.memory_space<hbm>> -> memref<125x80xi32, #tpu.memory_space<hbm>>
      tpu.wait_dma2 semaphore(%run_scoped3A_39 : memref<!tpu.dma_semaphore, #tpu.memory_space<semaphore_mem>>) src(%dma_wait3A_55 : memref<125x80xi32, #tpu.memory_space<hbm>>) dst(%arg7 : memref<125x80xi32, #tpu.memory_space<vmem>>)
      tpu.yield
    }) : () -> ()
    %barrier3A = arith.constant 0 : index
    tpu.barrier barrier_id(%barrier3A)
    %dma_start3A = arith.constant 0 : i32
    %dma_start3A_13 = tpu.memref_slice %arg6[%dma_start3A] : memref<10000xi32, #tpu.memory_space<vmem>> -> memref<80xi32, #tpu.memory_space<vmem>>
    %dma_start3A_14 = arith.constant 0 : i32
    %dma_start3A_15 = arith.constant 0 : i32
    %dma_start3A_16 = tpu.memref_slice %arg2[%dma_start3A_14, %dma_start3A_15] : memref<10000x128xf32, #tpu.memory_space<hbm>> -> memref<10000x128xf32, #tpu.memory_space<hbm>>
    tpu.enqueue_indirect_dma source(%dma_start3A_16 : memref<10000x128xf32, #tpu.memory_space<hbm>>) target(%arg8 : memref<80x128xf32, #tpu.memory_space<vmem>>) offsets(%dma_start3A_13 : memref<80xi32, #tpu.memory_space<vmem>>) semaphore(%arg11 : memref<!tpu.dma_semaphore, #tpu.memory_space<semaphore_mem>>)
    %dma_start3A_17 = arith.constant 80 : i32
    %dma_start3A_18 = tpu.memref_slice %arg6[%dma_start3A_17] : memref<10000xi32, #tpu.memory_space<vmem>> -> memref<80xi32, #tpu.memory_space<vmem>>
    %dma_start3A_19 = arith.constant 0 : i32
    %dma_start3A_20 = arith.constant 0 : i32
    %dma_start3A_21 = tpu.memref_slice %arg2[%dma_start3A_19, %dma_start3A_20] : memref<10000x128xf32, #tpu.memory_space<hbm>> -> memref<10000x128xf32, #tpu.memory_space<hbm>>
    tpu.enqueue_indirect_dma source(%dma_start3A_21 : memref<10000x128xf32, #tpu.memory_space<hbm>>) target(%arg9 : memref<80x128xf32, #tpu.memory_space<vmem>>) offsets(%dma_start3A_18 : memref<80xi32, #tpu.memory_space<vmem>>) semaphore(%arg12 : memref<!tpu.dma_semaphore, #tpu.memory_space<semaphore_mem>>)
    %scan3A_22 = arith.constant 0 : i32
    %scan3A_23 = arith.constant 0 : i32
    %scan3A_24 = arith.constant 62 : i32
    %scan3A_25 = arith.addi %scan3A_23, %scan3A_24 : i32
    %scan3A_26 = arith.constant 1 : i32
    scf.for %scan3A_39 = %scan3A_23 to %scan3A_25 step %scan3A_26  : i32 {
      %dma_wait3A_40 = arith.constant 0 : i32
      %dma_wait3A_41 = tpu.memref_slice %arg6[%dma_wait3A_40] : memref<10000xi32, #tpu.memory_space<vmem>> -> memref<80xi32, #tpu.memory_space<vmem>>
      %dma_wait3A_42 = arith.constant 0 : i32
      %dma_wait3A_43 = arith.constant 0 : i32
      %dma_wait3A_44 = tpu.memref_slice %arg2[%dma_wait3A_42, %dma_wait3A_43] : memref<10000x128xf32, #tpu.memory_space<hbm>> -> memref<10000x128xf32, #tpu.memory_space<hbm>>
      tpu.wait_indirect_dma semaphore(%arg11 : memref<!tpu.dma_semaphore, #tpu.memory_space<semaphore_mem>>) src(%dma_wait3A_44 : memref<10000x128xf32, #tpu.memory_space<hbm>>) dst(%arg8 : memref<80x128xf32, #tpu.memory_space<vmem>>)
      %mul3A_45 = arith.constant 2 : i32
      %mul3A_46 = arith.muli %mul3A_45, %scan3A_39 : i32
      "tpu.region"() ({
        %run_scoped3A_71 = tpu.sem_alloc : memref<!tpu.dma_semaphore, #tpu.memory_space<semaphore_mem>>
        %dma_start3A_72 = arith.constant 0 : i32
        %dma_start3A_73 = tpu.memref_slice %arg7[%mul3A_46, %dma_start3A_72] : memref<125x80xi32, #tpu.memory_space<vmem>> -> memref<1x80xi32, #tpu.memory_space<vmem>>
        %dma_start3A_74 = tpu.memref_squeeze %dma_start3A_73 : memref<1x80xi32, #tpu.memory_space<vmem>> -> memref<80xi32, #tpu.memory_space<vmem>>
        %dma_start3A_75 = arith.constant 0 : i32
        %dma_start3A_76 = arith.constant 0 : i32
        %dma_start3A_77 = tpu.memref_slice %arg10[%dma_start3A_75, %dma_start3A_76] : memref<10000x128xf32, #tpu.memory_space<vmem_shared>> -> memref<10000x128xf32, #tpu.memory_space<vmem_shared>>
        tpu.enqueue_indirect_dma source(%arg8 : memref<80x128xf32, #tpu.memory_space<vmem>>) target(%dma_start3A_77 : memref<10000x128xf32, #tpu.memory_space<vmem_shared>>) offsets(%dma_start3A_74 : memref<80xi32, #tpu.memory_space<vmem>>) semaphore(%run_scoped3A_71 : memref<!tpu.dma_semaphore, #tpu.memory_space<semaphore_mem>>) {add = true}
        %dma_wait3A_78 = arith.constant 0 : i32
        %dma_wait3A_79 = tpu.memref_slice %arg7[%mul3A_46, %dma_wait3A_78] : memref<125x80xi32, #tpu.memory_space<vmem>> -> memref<1x80xi32, #tpu.memory_space<vmem>>
        %dma_wait3A_80 = tpu.memref_squeeze %dma_wait3A_79 : memref<1x80xi32, #tpu.memory_space<vmem>> -> memref<80xi32, #tpu.memory_space<vmem>>
        %dma_wait3A_81 = arith.constant 0 : i32
        %dma_wait3A_82 = arith.constant 0 : i32
        %dma_wait3A_83 = tpu.memref_slice %arg10[%dma_wait3A_81, %dma_wait3A_82] : memref<10000x128xf32, #tpu.memory_space<vmem_shared>> -> memref<10000x128xf32, #tpu.memory_space<vmem_shared>>
        tpu.wait_indirect_dma semaphore(%run_scoped3A_71 : memref<!tpu.dma_semaphore, #tpu.memory_space<semaphore_mem>>) src(%arg8 : memref<80x128xf32, #tpu.memory_space<vmem>>) dst(%dma_wait3A_83 : memref<10000x128xf32, #tpu.memory_space<vmem_shared>>)
        tpu.yield
      }) : () -> ()
      %mul3A_47 = arith.constant 2 : i32
      %mul3A_48 = arith.muli %mul3A_47, %scan3A_39 : i32
      %add3A_49 = arith.constant 2 : i32
      %add3A_50 = arith.addi %mul3A_48, %add3A_49 : i32
      %lt3A = arith.constant 125 : i32
      %lt3A_51 = arith.cmpi slt, %add3A_50, %lt3A : i32
      %convert_element_type3A = arith.extui %lt3A_51 : i1 to i32
      %cond3A = arith.constant 0 : i32
      %cond3A_52 = arith.cmpi ne, %convert_element_type3A, %cond3A : i32
      scf.if %cond3A_52 {
        %mul3A_71 = arith.constant 2 : i32
        %mul3A_72 = arith.muli %mul3A_71, %scan3A_39 : i32
        %add3A_73 = arith.constant 2 : i32
        %add3A_74 = arith.addi %mul3A_72, %add3A_73 : i32
        %mul3A_75 = arith.constant 80 : i32
        %mul3A_76 = arith.muli %add3A_74, %mul3A_75 : i32
        %dma_start3A_77 = tpu.memref_slice %arg6[%mul3A_76] : memref<10000xi32, #tpu.memory_space<vmem>> -> memref<80xi32, #tpu.memory_space<vmem>>
        %dma_start3A_78 = arith.constant 0 : i32
        %dma_start3A_79 = arith.constant 0 : i32
        %dma_start3A_80 = tpu.memref_slice %arg2[%dma_start3A_78, %dma_start3A_79] : memref<10000x128xf32, #tpu.memory_space<hbm>> -> memref<10000x128xf32, #tpu.memory_space<hbm>>
        tpu.enqueue_indirect_dma source(%dma_start3A_80 : memref<10000x128xf32, #tpu.memory_space<hbm>>) target(%arg8 : memref<80x128xf32, #tpu.memory_space<vmem>>) offsets(%dma_start3A_77 : memref<80xi32, #tpu.memory_space<vmem>>) semaphore(%arg11 : memref<!tpu.dma_semaphore, #tpu.memory_space<semaphore_mem>>)
      } else {
      }
      %dma_wait3A_53 = arith.constant 0 : i32
      %dma_wait3A_54 = tpu.memref_slice %arg6[%dma_wait3A_53] : memref<10000xi32, #tpu.memory_space<vmem>> -> memref<80xi32, #tpu.memory_space<vmem>>
      %dma_wait3A_55 = arith.constant 0 : i32
      %dma_wait3A_56 = arith.constant 0 : i32
      %dma_wait3A_57 = tpu.memref_slice %arg2[%dma_wait3A_55, %dma_wait3A_56] : memref<10000x128xf32, #tpu.memory_space<hbm>> -> memref<10000x128xf32, #tpu.memory_space<hbm>>
      tpu.wait_indirect_dma semaphore(%arg12 : memref<!tpu.dma_semaphore, #tpu.memory_space<semaphore_mem>>) src(%dma_wait3A_57 : memref<10000x128xf32, #tpu.memory_space<hbm>>) dst(%arg9 : memref<80x128xf32, #tpu.memory_space<vmem>>)
      %mul3A_58 = arith.constant 2 : i32
      %mul3A_59 = arith.muli %mul3A_58, %scan3A_39 : i32
      %add3A_60 = arith.constant 1 : i32
      %add3A_61 = arith.addi %mul3A_59, %add3A_60 : i32
      "tpu.region"() ({
        %run_scoped3A_71 = tpu.sem_alloc : memref<!tpu.dma_semaphore, #tpu.memory_space<semaphore_mem>>
        %dma_start3A_72 = arith.constant 0 : i32
        %dma_start3A_73 = tpu.memref_slice %arg7[%add3A_61, %dma_start3A_72] : memref<125x80xi32, #tpu.memory_space<vmem>> -> memref<1x80xi32, #tpu.memory_space<vmem>>
        %dma_start3A_74 = tpu.memref_squeeze %dma_start3A_73 : memref<1x80xi32, #tpu.memory_space<vmem>> -> memref<80xi32, #tpu.memory_space<vmem>>
        %dma_start3A_75 = arith.constant 0 : i32
        %dma_start3A_76 = arith.constant 0 : i32
        %dma_start3A_77 = tpu.memref_slice %arg10[%dma_start3A_75, %dma_start3A_76] : memref<10000x128xf32, #tpu.memory_space<vmem_shared>> -> memref<10000x128xf32, #tpu.memory_space<vmem_shared>>
        tpu.enqueue_indirect_dma source(%arg9 : memref<80x128xf32, #tpu.memory_space<vmem>>) target(%dma_start3A_77 : memref<10000x128xf32, #tpu.memory_space<vmem_shared>>) offsets(%dma_start3A_74 : memref<80xi32, #tpu.memory_space<vmem>>) semaphore(%run_scoped3A_71 : memref<!tpu.dma_semaphore, #tpu.memory_space<semaphore_mem>>) {add = true}
        %dma_wait3A_78 = arith.constant 0 : i32
        %dma_wait3A_79 = tpu.memref_slice %arg7[%add3A_61, %dma_wait3A_78] : memref<125x80xi32, #tpu.memory_space<vmem>> -> memref<1x80xi32, #tpu.memory_space<vmem>>
        %dma_wait3A_80 = tpu.memref_squeeze %dma_wait3A_79 : memref<1x80xi32, #tpu.memory_space<vmem>> -> memref<80xi32, #tpu.memory_space<vmem>>
        %dma_wait3A_81 = arith.constant 0 : i32
        %dma_wait3A_82 = arith.constant 0 : i32
        %dma_wait3A_83 = tpu.memref_slice %arg10[%dma_wait3A_81, %dma_wait3A_82] : memref<10000x128xf32, #tpu.memory_space<vmem_shared>> -> memref<10000x128xf32, #tpu.memory_space<vmem_shared>>
        tpu.wait_indirect_dma semaphore(%run_scoped3A_71 : memref<!tpu.dma_semaphore, #tpu.memory_space<semaphore_mem>>) src(%arg9 : memref<80x128xf32, #tpu.memory_space<vmem>>) dst(%dma_wait3A_83 : memref<10000x128xf32, #tpu.memory_space<vmem_shared>>)
        tpu.yield
      }) : () -> ()
      %mul3A_62 = arith.constant 2 : i32
      %mul3A_63 = arith.muli %mul3A_62, %scan3A_39 : i32
      %add3A_64 = arith.constant 3 : i32
      %add3A_65 = arith.addi %mul3A_63, %add3A_64 : i32
      %lt3A_66 = arith.constant 125 : i32
      %lt3A_67 = arith.cmpi slt, %add3A_65, %lt3A_66 : i32
      %convert_element_type3A_68 = arith.extui %lt3A_67 : i1 to i32
      %cond3A_69 = arith.constant 0 : i32
      %cond3A_70 = arith.cmpi ne, %convert_element_type3A_68, %cond3A_69 : i32
      scf.if %cond3A_70 {
        %mul3A_71 = arith.constant 2 : i32
        %mul3A_72 = arith.muli %mul3A_71, %scan3A_39 : i32
        %add3A_73 = arith.constant 3 : i32
        %add3A_74 = arith.addi %mul3A_72, %add3A_73 : i32
        %mul3A_75 = arith.constant 80 : i32
        %mul3A_76 = arith.muli %add3A_74, %mul3A_75 : i32
        %dma_start3A_77 = tpu.memref_slice %arg6[%mul3A_76] : memref<10000xi32, #tpu.memory_space<vmem>> -> memref<80xi32, #tpu.memory_space<vmem>>
        %dma_start3A_78 = arith.constant 0 : i32
        %dma_start3A_79 = arith.constant 0 : i32
        %dma_start3A_80 = tpu.memref_slice %arg2[%dma_start3A_78, %dma_start3A_79] : memref<10000x128xf32, #tpu.memory_space<hbm>> -> memref<10000x128xf32, #tpu.memory_space<hbm>>
        tpu.enqueue_indirect_dma source(%dma_start3A_80 : memref<10000x128xf32, #tpu.memory_space<hbm>>) target(%arg9 : memref<80x128xf32, #tpu.memory_space<vmem>>) offsets(%dma_start3A_77 : memref<80xi32, #tpu.memory_space<vmem>>) semaphore(%arg12 : memref<!tpu.dma_semaphore, #tpu.memory_space<semaphore_mem>>)
      } else {
      }
    }
    %scan3A_27 = arith.constant 62 : i32
    %dma_wait3A = arith.constant 0 : i32
    %dma_wait3A_28 = tpu.memref_slice %arg6[%dma_wait3A] : memref<10000xi32, #tpu.memory_space<vmem>> -> memref<80xi32, #tpu.memory_space<vmem>>
    %dma_wait3A_29 = arith.constant 0 : i32
    %dma_wait3A_30 = arith.constant 0 : i32
    %dma_wait3A_31 = tpu.memref_slice %arg2[%dma_wait3A_29, %dma_wait3A_30] : memref<10000x128xf32, #tpu.memory_space<hbm>> -> memref<10000x128xf32, #tpu.memory_space<hbm>>
    tpu.wait_indirect_dma semaphore(%arg11 : memref<!tpu.dma_semaphore, #tpu.memory_space<semaphore_mem>>) src(%dma_wait3A_31 : memref<10000x128xf32, #tpu.memory_space<hbm>>) dst(%arg8 : memref<80x128xf32, #tpu.memory_space<vmem>>)
    %run_scoped3A = arith.constant 124 : i32
    "tpu.region"() ({
      %run_scoped3A_39 = tpu.sem_alloc : memref<!tpu.dma_semaphore, #tpu.memory_space<semaphore_mem>>
      %dma_start3A_40 = arith.constant 0 : i32
      %dma_start3A_41 = tpu.memref_slice %arg7[%run_scoped3A, %dma_start3A_40] : memref<125x80xi32, #tpu.memory_space<vmem>> -> memref<1x80xi32, #tpu.memory_space<vmem>>
      %dma_start3A_42 = tpu.memref_squeeze %dma_start3A_41 : memref<1x80xi32, #tpu.memory_space<vmem>> -> memref<80xi32, #tpu.memory_space<vmem>>
      %dma_start3A_43 = arith.constant 0 : i32
      %dma_start3A_44 = arith.constant 0 : i32
      %dma_start3A_45 = tpu.memref_slice %arg10[%dma_start3A_43, %dma_start3A_44] : memref<10000x128xf32, #tpu.memory_space<vmem_shared>> -> memref<10000x128xf32, #tpu.memory_space<vmem_shared>>
      tpu.enqueue_indirect_dma source(%arg8 : memref<80x128xf32, #tpu.memory_space<vmem>>) target(%dma_start3A_45 : memref<10000x128xf32, #tpu.memory_space<vmem_shared>>) offsets(%dma_start3A_42 : memref<80xi32, #tpu.memory_space<vmem>>) semaphore(%run_scoped3A_39 : memref<!tpu.dma_semaphore, #tpu.memory_space<semaphore_mem>>) {add = true}
      %dma_wait3A_46 = arith.constant 0 : i32
      %dma_wait3A_47 = tpu.memref_slice %arg7[%run_scoped3A, %dma_wait3A_46] : memref<125x80xi32, #tpu.memory_space<vmem>> -> memref<1x80xi32, #tpu.memory_space<vmem>>
      %dma_wait3A_48 = tpu.memref_squeeze %dma_wait3A_47 : memref<1x80xi32, #tpu.memory_space<vmem>> -> memref<80xi32, #tpu.memory_space<vmem>>
      %dma_wait3A_49 = arith.constant 0 : i32
      %dma_wait3A_50 = arith.constant 0 : i32
      %dma_wait3A_51 = tpu.memref_slice %arg10[%dma_wait3A_49, %dma_wait3A_50] : memref<10000x128xf32, #tpu.memory_space<vmem_shared>> -> memref<10000x128xf32, #tpu.memory_space<vmem_shared>>
      tpu.wait_indirect_dma semaphore(%run_scoped3A_39 : memref<!tpu.dma_semaphore, #tpu.memory_space<semaphore_mem>>) src(%arg8 : memref<80x128xf32, #tpu.memory_space<vmem>>) dst(%dma_wait3A_51 : memref<10000x128xf32, #tpu.memory_space<vmem_shared>>)
      tpu.yield
    }) : () -> ()
    %barrier3A_32 = arith.constant 0 : index
    tpu.barrier barrier_id(%barrier3A_32)
    %scan3A_33 = arith.constant 0 : i32
    %scan3A_34 = arith.constant 0 : i32
    %scan3A_35 = arith.constant 8 : i32
    %scan3A_36 = arith.addi %scan3A_34, %scan3A_35 : i32
    %scan3A_37 = arith.constant 1 : i32
    scf.for %scan3A_39 = %scan3A_34 to %scan3A_36 step %scan3A_37  : i32 {
      %mul3A_40 = arith.constant 16 : i32
      %mul3A_41 = arith.muli %scan3A_39, %mul3A_40 : i32
      %add3A_42 = arith.addi %mul3A_41, %arg1 : i32
      %lt3A = arith.constant 125 : i32
      %lt3A_43 = arith.cmpi slt, %add3A_42, %lt3A : i32
      %convert_element_type3A = arith.extui %lt3A_43 : i1 to i32
      %cond3A = arith.constant 0 : i32
      %cond3A_44 = arith.cmpi ne, %convert_element_type3A, %cond3A : i32
      scf.if %cond3A_44 {
        %mul3A_45 = arith.constant 80 : i32
        %mul3A_46 = arith.muli %add3A_42, %mul3A_45 : i32
        %mul3A_47 = arith.constant 80 : i32
        %mul3A_48 = arith.muli %add3A_42, %mul3A_47 : i32
        "tpu.region"() ({
          %run_scoped3A_49 = tpu.sem_alloc : memref<!tpu.dma_semaphore, #tpu.memory_space<semaphore_mem>>
          %dma_start3A_50 = arith.constant 0 : i32
          %dma_start3A_51 = arith.constant 0 : i32
          %dma_start3A_52 = tpu.memref_slice %arg5[%arg0, %dma_start3A_50, %dma_start3A_51] : memref<2x10000x128xf32, #tpu.memory_space<hbm>> -> memref<1x10000x128xf32, #tpu.memory_space<hbm>>
          %dma_start3A_53 = tpu.memref_squeeze %dma_start3A_52 : memref<1x10000x128xf32, #tpu.memory_space<hbm>> -> memref<10000x128xf32, #tpu.memory_space<hbm>>
          %dma_start3A_54 = arith.constant 0 : i32
          %dma_start3A_55 = tpu.memref_slice %dma_start3A_53[%mul3A_48, %dma_start3A_54] : memref<10000x128xf32, #tpu.memory_space<hbm>> -> memref<80x128xf32, #tpu.memory_space<hbm>>
          %dma_start3A_56 = arith.constant 0 : i32
          %dma_start3A_57 = tpu.memref_slice %arg10[%mul3A_46, %dma_start3A_56] : memref<10000x128xf32, #tpu.memory_space<vmem_shared>> -> memref<80x128xf32, #tpu.memory_space<vmem_shared>>
          tpu.enqueue_dma source(%dma_start3A_57 : memref<80x128xf32, #tpu.memory_space<vmem_shared>>) target(%dma_start3A_55 : memref<80x128xf32, #tpu.memory_space<hbm>>) target_semaphore(%run_scoped3A_49 : memref<!tpu.dma_semaphore, #tpu.memory_space<semaphore_mem>>)
          %dma_wait3A_58 = arith.constant 0 : i32
          %dma_wait3A_59 = arith.constant 0 : i32
          %dma_wait3A_60 = tpu.memref_slice %arg5[%arg0, %dma_wait3A_58, %dma_wait3A_59] : memref<2x10000x128xf32, #tpu.memory_space<hbm>> -> memref<1x10000x128xf32, #tpu.memory_space<hbm>>
          %dma_wait3A_61 = tpu.memref_squeeze %dma_wait3A_60 : memref<1x10000x128xf32, #tpu.memory_space<hbm>> -> memref<10000x128xf32, #tpu.memory_space<hbm>>
          %dma_wait3A_62 = arith.constant 0 : i32
          %dma_wait3A_63 = tpu.memref_slice %dma_wait3A_61[%mul3A_48, %dma_wait3A_62] : memref<10000x128xf32, #tpu.memory_space<hbm>> -> memref<80x128xf32, #tpu.memory_space<hbm>>
          %dma_wait3A_64 = arith.constant 0 : i32
          %dma_wait3A_65 = tpu.memref_slice %arg10[%mul3A_46, %dma_wait3A_64] : memref<10000x128xf32, #tpu.memory_space<vmem_shared>> -> memref<80x128xf32, #tpu.memory_space<vmem_shared>>
          tpu.wait_dma2 semaphore(%run_scoped3A_49 : memref<!tpu.dma_semaphore, #tpu.memory_space<semaphore_mem>>) src(%dma_wait3A_65 : memref<80x128xf32, #tpu.memory_space<vmem_shared>>) dst(%dma_wait3A_63 : memref<80x128xf32, #tpu.memory_space<hbm>>)
          tpu.yield
        }) : () -> ()
      } else {
      }
    }
    %scan3A_38 = arith.constant 8 : i32
    return
  }
}

#map = affine_map<(d0, d1) -> (0, 0)>
#map1 = affine_map<(d0, d1) -> (0, 0, 0)>
module attributes {stable_mosaic.version = 14 : i64} {
  func.func @seg_sum(%arg0: i32, %arg1: i32, %arg2: memref<10000x128xf32, #tpu.memory_space<hbm>>, %arg3: memref<32x10000xi32, #tpu.memory_space<hbm>>, %arg4: memref<32x125x80xi32, #tpu.memory_space<hbm>>, %arg5: memref<2x10000x128xf32, #tpu.memory_space<hbm>>, %arg6: memref<10000xi32, #tpu.memory_space<vmem>>, %arg7: memref<125x80xi32, #tpu.memory_space<vmem>>, %arg8: memref<80x128xf32, #tpu.memory_space<vmem>>, %arg9: memref<80x128xf32, #tpu.memory_space<vmem>>, %arg10: memref<10000x128xf32, #tpu.memory_space<vmem_shared>>, %arg11: memref<!tpu.dma_semaphore, #tpu.memory_space<semaphore_mem>>, %arg12: memref<!tpu.dma_semaphore, #tpu.memory_space<semaphore_mem>>) attributes {dimension_semantics = [#tpu.dimension_semantics<core_parallel>, #tpu.dimension_semantics<subcore_parallel>], iteration_bounds = array<i64: 2, 16>, scalar_prefetch = 0 : i64, scratch_operands = 7 : i64, tpu.core_type = #tpu.core_type<sc_vector_subcore>, window_params = [{transform_indices = #map}, {transform_indices = #map}, {transform_indices = #map1}, {transform_indices = #map1}]} {
    %mul3A = arith.constant 16 : i32
    %mul3A_0 = arith.muli %arg0, %mul3A : i32
    %add3A = arith.addi %mul3A_0, %arg1 : i32
    %broadcast_in_dim3A = arith.constant 0.000000e+00 : f32
    %broadcast_in_dim3A_1 = vector.broadcast %broadcast_in_dim3A : f32 to vector<16xf32>
    %scan3A = arith.constant 0 : i32
    %scan3A_2 = arith.constant 0 : i32
    %scan3A_3 = arith.constant 80 : i32
    %scan3A_4 = arith.addi %scan3A_2, %scan3A_3 : i32
    %scan3A_5 = arith.constant 1 : i32
    scf.for %scan3A_39 = %scan3A_2 to %scan3A_4 step %scan3A_5  : i32 {
      %scan3A_40 = arith.constant 0 : i32
      %scan3A_41 = arith.constant 8 : i32
      %scan3A_42 = arith.addi %scan3A_40, %scan3A_41 : i32
      %scan3A_43 = arith.constant 1 : i32
      scf.for %scan3A_45 = %scan3A_40 to %scan3A_42 step %scan3A_43  : i32 {
        %mul3A_46 = arith.constant 16 : i32
        %mul3A_47 = arith.muli %scan3A_45, %mul3A_46 : i32
        %swap3A = arith.index_cast %scan3A_39 : i32 to index
        %swap3A_48 = arith.index_cast %mul3A_47 : i32 to index
        %swap3A_49 = tpu.vector_load %arg8[%swap3A, %swap3A_48] {strides = array<i32>} : memref<80x128xf32, #tpu.memory_space<vmem>>, vector<1x16xf32>,
        %swap3A_50 = vector.shape_cast %swap3A_49 : vector<1x16xf32> to vector<16xf32>
        %swap3A_51 = vector.shape_cast %broadcast_in_dim3A_1 : vector<16xf32> to vector<1x16xf32>
        tpu.vector_store %arg8[%swap3A, %swap3A_48], %swap3A_51 {strides = array<i32>} : memref<80x128xf32, #tpu.memory_space<vmem>>, vector<1x16xf32>,
      }
      %scan3A_44 = arith.constant 8 : i32
    }
    %scan3A_6 = arith.constant 80 : i32
    %scan3A_7 = arith.constant 0 : i32
    %scan3A_8 = arith.constant 0 : i32
    %scan3A_9 = arith.constant 8 : i32
    %scan3A_10 = arith.addi %scan3A_8, %scan3A_9 : i32
    %scan3A_11 = arith.constant 1 : i32
    scf.for %scan3A_39 = %scan3A_8 to %scan3A_10 step %scan3A_11  : i32 {
      %mul3A_40 = arith.constant 16 : i32
      %mul3A_41 = arith.muli %scan3A_39, %mul3A_40 : i32
      %add3A_42 = arith.addi %mul3A_41, %arg1 : i32
      %lt3A = arith.constant 125 : i32
      %lt3A_43 = arith.cmpi slt, %add3A_42, %lt3A : i32
      %convert_element_type3A = arith.extui %lt3A_43 : i1 to i32
      %cond3A = arith.constant 0 : i32
      %cond3A_44 = arith.cmpi ne, %convert_element_type3A, %cond3A : i32
      scf.if %cond3A_44 {
        %mul3A_45 = arith.constant 80 : i32
        %mul3A_46 = arith.muli %add3A_42, %mul3A_45 : i32
        "tpu.region"() ({
          %run_scoped3A_47 = tpu.sem_alloc : memref<!tpu.dma_semaphore, #tpu.memory_space<semaphore_mem>>
          %dma_start3A_48 = arith.constant 0 : i32
          %dma_start3A_49 = tpu.memref_slice %arg10[%mul3A_46, %dma_start3A_48] : memref<10000x128xf32, #tpu.memory_space<vmem_shared>> -> memref<80x128xf32, #tpu.memory_space<vmem_shared>>
          %dma_start3A_50 = arith.constant 0 : i32
          %dma_start3A_51 = tpu.memref_slice %arg10[%mul3A_46, %dma_start3A_50] : memref<10000x128xf32, #tpu.memory_space<vmem_shared>> -> memref<80x128xf32, #tpu.memory_space<vmem_shared>>
          tpu.enqueue_dma source(%arg8 : memref<80x128xf32, #tpu.memory_space<vmem>>) target(%dma_start3A_51 : memref<80x128xf32, #tpu.memory_space<vmem_shared>>) target_semaphore(%run_scoped3A_47 : memref<!tpu.dma_semaphore, #tpu.memory_space<semaphore_mem>>)
          %dma_wait3A_52 = arith.constant 0 : i32
          %dma_wait3A_53 = tpu.memref_slice %arg10[%mul3A_46, %dma_wait3A_52] : memref<10000x128xf32, #tpu.memory_space<vmem_shared>> -> memref<80x128xf32, #tpu.memory_space<vmem_shared>>
          %dma_wait3A_54 = arith.constant 0 : i32
          %dma_wait3A_55 = tpu.memref_slice %arg10[%mul3A_46, %dma_wait3A_54] : memref<10000x128xf32, #tpu.memory_space<vmem_shared>> -> memref<80x128xf32, #tpu.memory_space<vmem_shared>>
          tpu.wait_dma2 semaphore(%run_scoped3A_47 : memref<!tpu.dma_semaphore, #tpu.memory_space<semaphore_mem>>) src(%arg8 : memref<80x128xf32, #tpu.memory_space<vmem>>) dst(%dma_wait3A_55 : memref<80x128xf32, #tpu.memory_space<vmem_shared>>)
          tpu.yield
        }) : () -> ()
      } else {
      }
    }
    %scan3A_12 = arith.constant 8 : i32
    "tpu.region"() ({
      %run_scoped3A_39 = tpu.sem_alloc : memref<!tpu.dma_semaphore, #tpu.memory_space<semaphore_mem>>
      %dma_start3A_40 = arith.constant 0 : i32
      %dma_start3A_41 = tpu.memref_slice %arg3[%add3A, %dma_start3A_40] : memref<32x10000xi32, #tpu.memory_space<hbm>> -> memref<1x10000xi32, #tpu.memory_space<hbm>>
      %dma_start3A_42 = tpu.memref_squeeze %dma_start3A_41 : memref<1x10000xi32, #tpu.memory_space<hbm>> -> memref<10000xi32, #tpu.memory_space<hbm>>
      %dma_start3A_43 = arith.constant 0 : i32
      %dma_start3A_44 = tpu.memref_slice %arg3[%add3A, %dma_start3A_43] : memref<32x10000xi32, #tpu.memory_space<hbm>> -> memref<1x10000xi32, #tpu.memory_space<hbm>>
      %dma_start3A_45 = tpu.memref_squeeze %dma_start3A_44 : memref<1x10000xi32, #tpu.memory_space<hbm>> -> memref<10000xi32, #tpu.memory_space<hbm>>
      tpu.enqueue_dma source(%dma_start3A_45 : memref<10000xi32, #tpu.memory_space<hbm>>) target(%arg6 : memref<10000xi32, #tpu.memory_space<vmem>>) target_semaphore(%run_scoped3A_39 : memref<!tpu.dma_semaphore, #tpu.memory_space<semaphore_mem>>)
      %dma_wait3A_46 = arith.constant 0 : i32
      %dma_wait3A_47 = tpu.memref_slice %arg3[%add3A, %dma_wait3A_46] : memref<32x10000xi32, #tpu.memory_space<hbm>> -> memref<1x10000xi32, #tpu.memory_space<hbm>>
      %dma_wait3A_48 = tpu.memref_squeeze %dma_wait3A_47 : memref<1x10000xi32, #tpu.memory_space<hbm>> -> memref<10000xi32, #tpu.memory_space<hbm>>
      %dma_wait3A_49 = arith.constant 0 : i32
      %dma_wait3A_50 = tpu.memref_slice %arg3[%add3A, %dma_wait3A_49] : memref<32x10000xi32, #tpu.memory_space<hbm>> -> memref<1x10000xi32, #tpu.memory_space<hbm>>
      %dma_wait3A_51 = tpu.memref_squeeze %dma_wait3A_50 : memref<1x10000xi32, #tpu.memory_space<hbm>> -> memref<10000xi32, #tpu.memory_space<hbm>>
      tpu.wait_dma2 semaphore(%run_scoped3A_39 : memref<!tpu.dma_semaphore, #tpu.memory_space<semaphore_mem>>) src(%dma_wait3A_51 : memref<10000xi32, #tpu.memory_space<hbm>>) dst(%arg6 : memref<10000xi32, #tpu.memory_space<vmem>>)
      tpu.yield
    }) : () -> ()
    "tpu.region"() ({
      %run_scoped3A_39 = tpu.sem_alloc : memref<!tpu.dma_semaphore, #tpu.memory_space<semaphore_mem>>
      %dma_start3A_40 = arith.constant 0 : i32
      %dma_start3A_41 = arith.constant 0 : i32
      %dma_start3A_42 = tpu.memref_slice %arg4[%add3A, %dma_start3A_40, %dma_start3A_41] : memref<32x125x80xi32, #tpu.memory_space<hbm>> -> memref<1x125x80xi32, #tpu.memory_space<hbm>>
      %dma_start3A_43 = tpu.memref_squeeze %dma_start3A_42 : memref<1x125x80xi32, #tpu.memory_space<hbm>> -> memref<125x80xi32, #tpu.memory_space<hbm>>
      %dma_start3A_44 = arith.constant 0 : i32
      %dma_start3A_45 = arith.constant 0 : i32
      %dma_start3A_46 = tpu.memref_slice %arg4[%add3A, %dma_start3A_44, %dma_start3A_45] : memref<32x125x80xi32, #tpu.memory_space<hbm>> -> memref<1x125x80xi32, #tpu.memory_space<hbm>>
      %dma_start3A_47 = tpu.memref_squeeze %dma_start3A_46 : memref<1x125x80xi32, #tpu.memory_space<hbm>> -> memref<125x80xi32, #tpu.memory_space<hbm>>
      tpu.enqueue_dma source(%dma_start3A_47 : memref<125x80xi32, #tpu.memory_space<hbm>>) target(%arg7 : memref<125x80xi32, #tpu.memory_space<vmem>>) target_semaphore(%run_scoped3A_39 : memref<!tpu.dma_semaphore, #tpu.memory_space<semaphore_mem>>)
      %dma_wait3A_48 = arith.constant 0 : i32
      %dma_wait3A_49 = arith.constant 0 : i32
      %dma_wait3A_50 = tpu.memref_slice %arg4[%add3A, %dma_wait3A_48, %dma_wait3A_49] : memref<32x125x80xi32, #tpu.memory_space<hbm>> -> memref<1x125x80xi32, #tpu.memory_space<hbm>>
      %dma_wait3A_51 = tpu.memref_squeeze %dma_wait3A_50 : memref<1x125x80xi32, #tpu.memory_space<hbm>> -> memref<125x80xi32, #tpu.memory_space<hbm>>
      %dma_wait3A_52 = arith.constant 0 : i32
      %dma_wait3A_53 = arith.constant 0 : i32
      %dma_wait3A_54 = tpu.memref_slice %arg4[%add3A, %dma_wait3A_52, %dma_wait3A_53] : memref<32x125x80xi32, #tpu.memory_space<hbm>> -> memref<1x125x80xi32, #tpu.memory_space<hbm>>
      %dma_wait3A_55 = tpu.memref_squeeze %dma_wait3A_54 : memref<1x125x80xi32, #tpu.memory_space<hbm>> -> memref<125x80xi32, #tpu.memory_space<hbm>>
      tpu.wait_dma2 semaphore(%run_scoped3A_39 : memref<!tpu.dma_semaphore, #tpu.memory_space<semaphore_mem>>) src(%dma_wait3A_55 : memref<125x80xi32, #tpu.memory_space<hbm>>) dst(%arg7 : memref<125x80xi32, #tpu.memory_space<vmem>>)
      tpu.yield
    }) : () -> ()
    %barrier3A = arith.constant 0 : index
    tpu.barrier barrier_id(%barrier3A)
    %dma_start3A = arith.constant 0 : i32
    %dma_start3A_13 = tpu.memref_slice %arg6[%dma_start3A] : memref<10000xi32, #tpu.memory_space<vmem>> -> memref<80xi32, #tpu.memory_space<vmem>>
    %dma_start3A_14 = arith.constant 0 : i32
    %dma_start3A_15 = arith.constant 0 : i32
    %dma_start3A_16 = tpu.memref_slice %arg2[%dma_start3A_14, %dma_start3A_15] : memref<10000x128xf32, #tpu.memory_space<hbm>> -> memref<10000x128xf32, #tpu.memory_space<hbm>>
    tpu.enqueue_indirect_dma source(%dma_start3A_16 : memref<10000x128xf32, #tpu.memory_space<hbm>>) target(%arg8 : memref<80x128xf32, #tpu.memory_space<vmem>>) offsets(%dma_start3A_13 : memref<80xi32, #tpu.memory_space<vmem>>) semaphore(%arg11 : memref<!tpu.dma_semaphore, #tpu.memory_space<semaphore_mem>>)
    %dma_start3A_17 = arith.constant 80 : i32
    %dma_start3A_18 = tpu.memref_slice %arg6[%dma_start3A_17] : memref<10000xi32, #tpu.memory_space<vmem>> -> memref<80xi32, #tpu.memory_space<vmem>>
    %dma_start3A_19 = arith.constant 0 : i32
    %dma_start3A_20 = arith.constant 0 : i32
    %dma_start3A_21 = tpu.memref_slice %arg2[%dma_start3A_19, %dma_start3A_20] : memref<10000x128xf32, #tpu.memory_space<hbm>> -> memref<10000x128xf32, #tpu.memory_space<hbm>>
    tpu.enqueue_indirect_dma source(%dma_start3A_21 : memref<10000x128xf32, #tpu.memory_space<hbm>>) target(%arg9 : memref<80x128xf32, #tpu.memory_space<vmem>>) offsets(%dma_start3A_18 : memref<80xi32, #tpu.memory_space<vmem>>) semaphore(%arg12 : memref<!tpu.dma_semaphore, #tpu.memory_space<semaphore_mem>>)
    %scan3A_22 = arith.constant 0 : i32
    %scan3A_23 = arith.constant 0 : i32
    %scan3A_24 = arith.constant 62 : i32
    %scan3A_25 = arith.addi %scan3A_23, %scan3A_24 : i32
    %scan3A_26 = arith.constant 1 : i32
    scf.for %scan3A_39 = %scan3A_23 to %scan3A_25 step %scan3A_26  : i32 {
      %dma_wait3A_40 = arith.constant 0 : i32
      %dma_wait3A_41 = tpu.memref_slice %arg6[%dma_wait3A_40] : memref<10000xi32, #tpu.memory_space<vmem>> -> memref<80xi32, #tpu.memory_space<vmem>>
      %dma_wait3A_42 = arith.constant 0 : i32
      %dma_wait3A_43 = arith.constant 0 : i32
      %dma_wait3A_44 = tpu.memref_slice %arg2[%dma_wait3A_42, %dma_wait3A_43] : memref<10000x128xf32, #tpu.memory_space<hbm>> -> memref<10000x128xf32, #tpu.memory_space<hbm>>
      tpu.wait_indirect_dma semaphore(%arg11 : memref<!tpu.dma_semaphore, #tpu.memory_space<semaphore_mem>>) src(%dma_wait3A_44 : memref<10000x128xf32, #tpu.memory_space<hbm>>) dst(%arg8 : memref<80x128xf32, #tpu.memory_space<vmem>>)
      %mul3A_45 = arith.constant 2 : i32
      %mul3A_46 = arith.muli %mul3A_45, %scan3A_39 : i32
      "tpu.region"() ({
        %run_scoped3A_71 = tpu.sem_alloc : memref<!tpu.dma_semaphore, #tpu.memory_space<semaphore_mem>>
        %dma_start3A_72 = arith.constant 0 : i32
        %dma_start3A_73 = tpu.memref_slice %arg7[%mul3A_46, %dma_start3A_72] : memref<125x80xi32, #tpu.memory_space<vmem>> -> memref<1x80xi32, #tpu.memory_space<vmem>>
        %dma_start3A_74 = tpu.memref_squeeze %dma_start3A_73 : memref<1x80xi32, #tpu.memory_space<vmem>> -> memref<80xi32, #tpu.memory_space<vmem>>
        %dma_start3A_75 = arith.constant 0 : i32
        %dma_start3A_76 = arith.constant 0 : i32
        %dma_start3A_77 = tpu.memref_slice %arg10[%dma_start3A_75, %dma_start3A_76] : memref<10000x128xf32, #tpu.memory_space<vmem_shared>> -> memref<10000x128xf32, #tpu.memory_space<vmem_shared>>
        tpu.enqueue_indirect_dma source(%arg8 : memref<80x128xf32, #tpu.memory_space<vmem>>) target(%dma_start3A_77 : memref<10000x128xf32, #tpu.memory_space<vmem_shared>>) offsets(%dma_start3A_74 : memref<80xi32, #tpu.memory_space<vmem>>) semaphore(%run_scoped3A_71 : memref<!tpu.dma_semaphore, #tpu.memory_space<semaphore_mem>>) {add = true}
        %dma_wait3A_78 = arith.constant 0 : i32
        %dma_wait3A_79 = tpu.memref_slice %arg7[%mul3A_46, %dma_wait3A_78] : memref<125x80xi32, #tpu.memory_space<vmem>> -> memref<1x80xi32, #tpu.memory_space<vmem>>
        %dma_wait3A_80 = tpu.memref_squeeze %dma_wait3A_79 : memref<1x80xi32, #tpu.memory_space<vmem>> -> memref<80xi32, #tpu.memory_space<vmem>>
        %dma_wait3A_81 = arith.constant 0 : i32
        %dma_wait3A_82 = arith.constant 0 : i32
        %dma_wait3A_83 = tpu.memref_slice %arg10[%dma_wait3A_81, %dma_wait3A_82] : memref<10000x128xf32, #tpu.memory_space<vmem_shared>> -> memref<10000x128xf32, #tpu.memory_space<vmem_shared>>
        tpu.wait_indirect_dma semaphore(%run_scoped3A_71 : memref<!tpu.dma_semaphore, #tpu.memory_space<semaphore_mem>>) src(%arg8 : memref<80x128xf32, #tpu.memory_space<vmem>>) dst(%dma_wait3A_83 : memref<10000x128xf32, #tpu.memory_space<vmem_shared>>)
        tpu.yield
      }) : () -> ()
      %mul3A_47 = arith.constant 2 : i32
      %mul3A_48 = arith.muli %mul3A_47, %scan3A_39 : i32
      %add3A_49 = arith.constant 2 : i32
      %add3A_50 = arith.addi %mul3A_48, %add3A_49 : i32
      %lt3A = arith.constant 125 : i32
      %lt3A_51 = arith.cmpi slt, %add3A_50, %lt3A : i32
      %convert_element_type3A = arith.extui %lt3A_51 : i1 to i32
      %cond3A = arith.constant 0 : i32
      %cond3A_52 = arith.cmpi ne, %convert_element_type3A, %cond3A : i32
      scf.if %cond3A_52 {
        %mul3A_71 = arith.constant 2 : i32
        %mul3A_72 = arith.muli %mul3A_71, %scan3A_39 : i32
        %add3A_73 = arith.constant 2 : i32
        %add3A_74 = arith.addi %mul3A_72, %add3A_73 : i32
        %mul3A_75 = arith.constant 80 : i32
        %mul3A_76 = arith.muli %add3A_74, %mul3A_75 : i32
        %dma_start3A_77 = tpu.memref_slice %arg6[%mul3A_76] : memref<10000xi32, #tpu.memory_space<vmem>> -> memref<80xi32, #tpu.memory_space<vmem>>
        %dma_start3A_78 = arith.constant 0 : i32
        %dma_start3A_79 = arith.constant 0 : i32
        %dma_start3A_80 = tpu.memref_slice %arg2[%dma_start3A_78, %dma_start3A_79] : memref<10000x128xf32, #tpu.memory_space<hbm>> -> memref<10000x128xf32, #tpu.memory_space<hbm>>
        tpu.enqueue_indirect_dma source(%dma_start3A_80 : memref<10000x128xf32, #tpu.memory_space<hbm>>) target(%arg8 : memref<80x128xf32, #tpu.memory_space<vmem>>) offsets(%dma_start3A_77 : memref<80xi32, #tpu.memory_space<vmem>>) semaphore(%arg11 : memref<!tpu.dma_semaphore, #tpu.memory_space<semaphore_mem>>)
      } else {
      }
      %dma_wait3A_53 = arith.constant 0 : i32
      %dma_wait3A_54 = tpu.memref_slice %arg6[%dma_wait3A_53] : memref<10000xi32, #tpu.memory_space<vmem>> -> memref<80xi32, #tpu.memory_space<vmem>>
      %dma_wait3A_55 = arith.constant 0 : i32
      %dma_wait3A_56 = arith.constant 0 : i32
      %dma_wait3A_57 = tpu.memref_slice %arg2[%dma_wait3A_55, %dma_wait3A_56] : memref<10000x128xf32, #tpu.memory_space<hbm>> -> memref<10000x128xf32, #tpu.memory_space<hbm>>
      tpu.wait_indirect_dma semaphore(%arg12 : memref<!tpu.dma_semaphore, #tpu.memory_space<semaphore_mem>>) src(%dma_wait3A_57 : memref<10000x128xf32, #tpu.memory_space<hbm>>) dst(%arg9 : memref<80x128xf32, #tpu.memory_space<vmem>>)
      %mul3A_58 = arith.constant 2 : i32
      %mul3A_59 = arith.muli %mul3A_58, %scan3A_39 : i32
      %add3A_60 = arith.constant 1 : i32
      %add3A_61 = arith.addi %mul3A_59, %add3A_60 : i32
      "tpu.region"() ({
        %run_scoped3A_71 = tpu.sem_alloc : memref<!tpu.dma_semaphore, #tpu.memory_space<semaphore_mem>>
        %dma_start3A_72 = arith.constant 0 : i32
        %dma_start3A_73 = tpu.memref_slice %arg7[%add3A_61, %dma_start3A_72] : memref<125x80xi32, #tpu.memory_space<vmem>> -> memref<1x80xi32, #tpu.memory_space<vmem>>
        %dma_start3A_74 = tpu.memref_squeeze %dma_start3A_73 : memref<1x80xi32, #tpu.memory_space<vmem>> -> memref<80xi32, #tpu.memory_space<vmem>>
        %dma_start3A_75 = arith.constant 0 : i32
        %dma_start3A_76 = arith.constant 0 : i32
        %dma_start3A_77 = tpu.memref_slice %arg10[%dma_start3A_75, %dma_start3A_76] : memref<10000x128xf32, #tpu.memory_space<vmem_shared>> -> memref<10000x128xf32, #tpu.memory_space<vmem_shared>>
        tpu.enqueue_indirect_dma source(%arg9 : memref<80x128xf32, #tpu.memory_space<vmem>>) target(%dma_start3A_77 : memref<10000x128xf32, #tpu.memory_space<vmem_shared>>) offsets(%dma_start3A_74 : memref<80xi32, #tpu.memory_space<vmem>>) semaphore(%run_scoped3A_71 : memref<!tpu.dma_semaphore, #tpu.memory_space<semaphore_mem>>) {add = true}
        %dma_wait3A_78 = arith.constant 0 : i32
        %dma_wait3A_79 = tpu.memref_slice %arg7[%add3A_61, %dma_wait3A_78] : memref<125x80xi32, #tpu.memory_space<vmem>> -> memref<1x80xi32, #tpu.memory_space<vmem>>
        %dma_wait3A_80 = tpu.memref_squeeze %dma_wait3A_79 : memref<1x80xi32, #tpu.memory_space<vmem>> -> memref<80xi32, #tpu.memory_space<vmem>>
        %dma_wait3A_81 = arith.constant 0 : i32
        %dma_wait3A_82 = arith.constant 0 : i32
        %dma_wait3A_83 = tpu.memref_slice %arg10[%dma_wait3A_81, %dma_wait3A_82] : memref<10000x128xf32, #tpu.memory_space<vmem_shared>> -> memref<10000x128xf32, #tpu.memory_space<vmem_shared>>
        tpu.wait_indirect_dma semaphore(%run_scoped3A_71 : memref<!tpu.dma_semaphore, #tpu.memory_space<semaphore_mem>>) src(%arg9 : memref<80x128xf32, #tpu.memory_space<vmem>>) dst(%dma_wait3A_83 : memref<10000x128xf32, #tpu.memory_space<vmem_shared>>)
        tpu.yield
      }) : () -> ()
      %mul3A_62 = arith.constant 2 : i32
      %mul3A_63 = arith.muli %mul3A_62, %scan3A_39 : i32
      %add3A_64 = arith.constant 3 : i32
      %add3A_65 = arith.addi %mul3A_63, %add3A_64 : i32
      %lt3A_66 = arith.constant 125 : i32
      %lt3A_67 = arith.cmpi slt, %add3A_65, %lt3A_66 : i32
      %convert_element_type3A_68 = arith.extui %lt3A_67 : i1 to i32
      %cond3A_69 = arith.constant 0 : i32
      %cond3A_70 = arith.cmpi ne, %convert_element_type3A_68, %cond3A_69 : i32
      scf.if %cond3A_70 {
        %mul3A_71 = arith.constant 2 : i32
        %mul3A_72 = arith.muli %mul3A_71, %scan3A_39 : i32
        %add3A_73 = arith.constant 3 : i32
        %add3A_74 = arith.addi %mul3A_72, %add3A_73 : i32
        %mul3A_75 = arith.constant 80 : i32
        %mul3A_76 = arith.muli %add3A_74, %mul3A_75 : i32
        %dma_start3A_77 = tpu.memref_slice %arg6[%mul3A_76] : memref<10000xi32, #tpu.memory_space<vmem>> -> memref<80xi32, #tpu.memory_space<vmem>>
        %dma_start3A_78 = arith.constant 0 : i32
        %dma_start3A_79 = arith.constant 0 : i32
        %dma_start3A_80 = tpu.memref_slice %arg2[%dma_start3A_78, %dma_start3A_79] : memref<10000x128xf32, #tpu.memory_space<hbm>> -> memref<10000x128xf32, #tpu.memory_space<hbm>>
        tpu.enqueue_indirect_dma source(%dma_start3A_80 : memref<10000x128xf32, #tpu.memory_space<hbm>>) target(%arg9 : memref<80x128xf32, #tpu.memory_space<vmem>>) offsets(%dma_start3A_77 : memref<80xi32, #tpu.memory_space<vmem>>) semaphore(%arg12 : memref<!tpu.dma_semaphore, #tpu.memory_space<semaphore_mem>>)
      } else {
      }
    }
    %scan3A_27 = arith.constant 62 : i32
    %dma_wait3A = arith.constant 0 : i32
    %dma_wait3A_28 = tpu.memref_slice %arg6[%dma_wait3A] : memref<10000xi32, #tpu.memory_space<vmem>> -> memref<80xi32, #tpu.memory_space<vmem>>
    %dma_wait3A_29 = arith.constant 0 : i32
    %dma_wait3A_30 = arith.constant 0 : i32
    %dma_wait3A_31 = tpu.memref_slice %arg2[%dma_wait3A_29, %dma_wait3A_30] : memref<10000x128xf32, #tpu.memory_space<hbm>> -> memref<10000x128xf32, #tpu.memory_space<hbm>>
    tpu.wait_indirect_dma semaphore(%arg11 : memref<!tpu.dma_semaphore, #tpu.memory_space<semaphore_mem>>) src(%dma_wait3A_31 : memref<10000x128xf32, #tpu.memory_space<hbm>>) dst(%arg8 : memref<80x128xf32, #tpu.memory_space<vmem>>)
    %run_scoped3A = arith.constant 124 : i32
    "tpu.region"() ({
      %run_scoped3A_39 = tpu.sem_alloc : memref<!tpu.dma_semaphore, #tpu.memory_space<semaphore_mem>>
      %dma_start3A_40 = arith.constant 0 : i32
      %dma_start3A_41 = tpu.memref_slice %arg7[%run_scoped3A, %dma_start3A_40] : memref<125x80xi32, #tpu.memory_space<vmem>> -> memref<1x80xi32, #tpu.memory_space<vmem>>
      %dma_start3A_42 = tpu.memref_squeeze %dma_start3A_41 : memref<1x80xi32, #tpu.memory_space<vmem>> -> memref<80xi32, #tpu.memory_space<vmem>>
      %dma_start3A_43 = arith.constant 0 : i32
      %dma_start3A_44 = arith.constant 0 : i32
      %dma_start3A_45 = tpu.memref_slice %arg10[%dma_start3A_43, %dma_start3A_44] : memref<10000x128xf32, #tpu.memory_space<vmem_shared>> -> memref<10000x128xf32, #tpu.memory_space<vmem_shared>>
      tpu.enqueue_indirect_dma source(%arg8 : memref<80x128xf32, #tpu.memory_space<vmem>>) target(%dma_start3A_45 : memref<10000x128xf32, #tpu.memory_space<vmem_shared>>) offsets(%dma_start3A_42 : memref<80xi32, #tpu.memory_space<vmem>>) semaphore(%run_scoped3A_39 : memref<!tpu.dma_semaphore, #tpu.memory_space<semaphore_mem>>) {add = true}
      %dma_wait3A_46 = arith.constant 0 : i32
      %dma_wait3A_47 = tpu.memref_slice %arg7[%run_scoped3A, %dma_wait3A_46] : memref<125x80xi32, #tpu.memory_space<vmem>> -> memref<1x80xi32, #tpu.memory_space<vmem>>
      %dma_wait3A_48 = tpu.memref_squeeze %dma_wait3A_47 : memref<1x80xi32, #tpu.memory_space<vmem>> -> memref<80xi32, #tpu.memory_space<vmem>>
      %dma_wait3A_49 = arith.constant 0 : i32
      %dma_wait3A_50 = arith.constant 0 : i32
      %dma_wait3A_51 = tpu.memref_slice %arg10[%dma_wait3A_49, %dma_wait3A_50] : memref<10000x128xf32, #tpu.memory_space<vmem_shared>> -> memref<10000x128xf32, #tpu.memory_space<vmem_shared>>
      tpu.wait_indirect_dma semaphore(%run_scoped3A_39 : memref<!tpu.dma_semaphore, #tpu.memory_space<semaphore_mem>>) src(%arg8 : memref<80x128xf32, #tpu.memory_space<vmem>>) dst(%dma_wait3A_51 : memref<10000x128xf32, #tpu.memory_space<vmem_shared>>)
      tpu.yield
    }) : () -> ()
    %barrier3A_32 = arith.constant 0 : index
    tpu.barrier barrier_id(%barrier3A_32)
    %scan3A_33 = arith.constant 0 : i32
    %scan3A_34 = arith.constant 0 : i32
    %scan3A_35 = arith.constant 8 : i32
    %scan3A_36 = arith.addi %scan3A_34, %scan3A_35 : i32
    %scan3A_37 = arith.constant 1 : i32
    scf.for %scan3A_39 = %scan3A_34 to %scan3A_36 step %scan3A_37  : i32 {
      %mul3A_40 = arith.constant 16 : i32
      %mul3A_41 = arith.muli %scan3A_39, %mul3A_40 : i32
      %add3A_42 = arith.addi %mul3A_41, %arg1 : i32
      %lt3A = arith.constant 125 : i32
      %lt3A_43 = arith.cmpi slt, %add3A_42, %lt3A : i32
      %convert_element_type3A = arith.extui %lt3A_43 : i1 to i32
      %cond3A = arith.constant 0 : i32
      %cond3A_44 = arith.cmpi ne, %convert_element_type3A, %cond3A : i32
      scf.if %cond3A_44 {
        %mul3A_45 = arith.constant 80 : i32
        %mul3A_46 = arith.muli %add3A_42, %mul3A_45 : i32
        %mul3A_47 = arith.constant 80 : i32
        %mul3A_48 = arith.muli %add3A_42, %mul3A_47 : i32
        "tpu.region"() ({
          %run_scoped3A_49 = tpu.sem_alloc : memref<!tpu.dma_semaphore, #tpu.memory_space<semaphore_mem>>
          %dma_start3A_50 = arith.constant 0 : i32
          %dma_start3A_51 = arith.constant 0 : i32
          %dma_start3A_52 = tpu.memref_slice %arg5[%arg0, %dma_start3A_50, %dma_start3A_51] : memref<2x10000x128xf32, #tpu.memory_space<hbm>> -> memref<1x10000x128xf32, #tpu.memory_space<hbm>>
          %dma_start3A_53 = tpu.memref_squeeze %dma_start3A_52 : memref<1x10000x128xf32, #tpu.memory_space<hbm>> -> memref<10000x128xf32, #tpu.memory_space<hbm>>
          %dma_start3A_54 = arith.constant 0 : i32
          %dma_start3A_55 = tpu.memref_slice %dma_start3A_53[%mul3A_48, %dma_start3A_54] : memref<10000x128xf32, #tpu.memory_space<hbm>> -> memref<80x128xf32, #tpu.memory_space<hbm>>
          %dma_start3A_56 = arith.constant 0 : i32
          %dma_start3A_57 = tpu.memref_slice %arg10[%mul3A_46, %dma_start3A_56] : memref<10000x128xf32, #tpu.memory_space<vmem_shared>> -> memref<80x128xf32, #tpu.memory_space<vmem_shared>>
          tpu.enqueue_dma source(%dma_start3A_57 : memref<80x128xf32, #tpu.memory_space<vmem_shared>>) target(%dma_start3A_55 : memref<80x128xf32, #tpu.memory_space<hbm>>) target_semaphore(%run_scoped3A_49 : memref<!tpu.dma_semaphore, #tpu.memory_space<semaphore_mem>>)
          %dma_wait3A_58 = arith.constant 0 : i32
          %dma_wait3A_59 = arith.constant 0 : i32
          %dma_wait3A_60 = tpu.memref_slice %arg5[%arg0, %dma_wait3A_58, %dma_wait3A_59] : memref<2x10000x128xf32, #tpu.memory_space<hbm>> -> memref<1x10000x128xf32, #tpu.memory_space<hbm>>
          %dma_wait3A_61 = tpu.memref_squeeze %dma_wait3A_60 : memref<1x10000x128xf32, #tpu.memory_space<hbm>> -> memref<10000x128xf32, #tpu.memory_space<hbm>>
          %dma_wait3A_62 = arith.constant 0 : i32
          %dma_wait3A_63 = tpu.memref_slice %dma_wait3A_61[%mul3A_48, %dma_wait3A_62] : memref<10000x128xf32, #tpu.memory_space<hbm>> -> memref<80x128xf32, #tpu.memory_space<hbm>>
          %dma_wait3A_64 = arith.constant 0 : i32
          %dma_wait3A_65 = tpu.memref_slice %arg10[%mul3A_46, %dma_wait3A_64] : memref<10000x128xf32, #tpu.memory_space<vmem_shared>> -> memref<80x128xf32, #tpu.memory_space<vmem_shared>>
          tpu.wait_dma2 semaphore(%run_scoped3A_49 : memref<!tpu.dma_semaphore, #tpu.memory_space<semaphore_mem>>) src(%dma_wait3A_65 : memref<80x128xf32, #tpu.memory_space<vmem_shared>>) dst(%dma_wait3A_63 : memref<80x128xf32, #tpu.memory_space<hbm>>)
          tpu.yield
        }) : () -> ()
      } else {
      }
    }
    %scan3A_38 = arith.constant 8 : i32
    return
  }
}

module attributes {stable_mosaic.version = 14 : i64} {
  func.func @mlp_kernel(%arg0: memref<10000x128xf32, #tpu.memory_space<vmem>>, %arg1: memref<2x10000x128xf32, #tpu.memory_space<vmem>>, %arg2: memref<128x128xf32, #tpu.memory_space<vmem>>, %arg3: memref<1x128xf32, #tpu.memory_space<vmem>>, %arg4: memref<1x128xf32, #tpu.memory_space<vmem>>, %arg5: memref<1x128xf32, #tpu.memory_space<vmem>>, %arg6: memref<128x128xf32, #tpu.memory_space<vmem>>, %arg7: memref<1x128xf32, #tpu.memory_space<vmem>>, %arg8: memref<1x128xf32, #tpu.memory_space<vmem>>, %arg9: memref<1x128xf32, #tpu.memory_space<vmem>>, %arg10: memref<10000x128xf32, #tpu.memory_space<vmem>>) attributes {dimension_semantics = [], scalar_prefetch = 0 : i64, scratch_operands = 0 : i64, tpu.core_type = #tpu.core_type<tc>} {
    %get3A = arith.constant 0 : index
    %get3A_0 = arith.constant 0 : index
    %get3A_1 = vector.load %arg0[%get3A, %get3A_0] : memref<10000x128xf32, #tpu.memory_space<vmem>>, vector<10000x128xf32>
    %get3A_2 = arith.constant 0 : index
    %get3A_3 = arith.constant 0 : index
    %get3A_4 = arith.constant 0 : index
    %get3A_5 = vector.load %arg1[%get3A_2, %get3A_3, %get3A_4] : memref<2x10000x128xf32, #tpu.memory_space<vmem>>, vector<1x10000x128xf32>
    %get3A_6 = vector.shape_cast %get3A_5 : vector<1x10000x128xf32> to vector<10000x128xf32>
    %add3A = arith.addf %get3A_1, %get3A_6 : vector<10000x128xf32>
    %get3A_7 = arith.constant 1 : index
    %get3A_8 = arith.constant 0 : index
    %get3A_9 = arith.constant 0 : index
    %get3A_10 = vector.load %arg1[%get3A_7, %get3A_8, %get3A_9] : memref<2x10000x128xf32, #tpu.memory_space<vmem>>, vector<1x10000x128xf32>
    %get3A_11 = vector.shape_cast %get3A_10 : vector<1x10000x128xf32> to vector<10000x128xf32>
    %add3A_12 = arith.addf %add3A, %get3A_11 : vector<10000x128xf32>
    %get3A_13 = arith.constant 0 : index
    %get3A_14 = arith.constant 0 : index
    %get3A_15 = vector.load %arg2[%get3A_13, %get3A_14] : memref<128x128xf32, #tpu.memory_space<vmem>>, vector<128x128xf32>
    %dot_general3A = arith.constant dense<0.000000e+00> : vector<10000x128xf32>
    %dot_general3A_16 = tpu.matmul %add3A_12, %get3A_15, %dot_general3A {dimension_numbers = #tpu.dot_dimension_numbers<[1], [0], [0], [1], [0, 0, 1, 1], [], []>, transpose_lhs_hint = false} : vector<10000x128xf32>, vector<128x128xf32>, vector<10000x128xf32> -> vector<10000x128xf32>
    %get3A_17 = arith.constant 0 : index
    %get3A_18 = arith.constant 0 : index
    %get3A_19 = vector.load %arg3[%get3A_17, %get3A_18] : memref<1x128xf32, #tpu.memory_space<vmem>>, vector<1x128xf32>
    %add3A_20 = vector.broadcast %get3A_19 : vector<1x128xf32> to vector<10000x128xf32>
    %add3A_21 = arith.addf %dot_general3A_16, %add3A_20 : vector<10000x128xf32>
    %reduce_sum3A = arith.constant dense<0.000000e+00> : vector<128xf32>
    %reduce_sum3A_22 = vector.multi_reduction <add>, %add3A_21, %reduce_sum3A [0] : vector<10000x128xf32> to vector<128xf32>
    %broadcast_in_dim3A = vector.shape_cast %reduce_sum3A_22 : vector<128xf32> to vector<1x128xf32>
    %div3A = arith.constant 1.000000e+04 : f32
    %div3A_23 = vector.broadcast %div3A : f32 to vector<1x128xf32>
    %div3A_24 = arith.divf %broadcast_in_dim3A, %div3A_23 : vector<1x128xf32>
    %sub3A = vector.broadcast %div3A_24 : vector<1x128xf32> to vector<10000x128xf32>
    %sub3A_25 = arith.subf %add3A_21, %sub3A : vector<10000x128xf32>
    %sub3A_26 = vector.broadcast %div3A_24 : vector<1x128xf32> to vector<10000x128xf32>
    %sub3A_27 = arith.subf %add3A_21, %sub3A_26 : vector<10000x128xf32>
    %mul3A = arith.mulf %sub3A_25, %sub3A_27 : vector<10000x128xf32>
    %reduce_sum3A_28 = arith.constant dense<0.000000e+00> : vector<128xf32>
    %reduce_sum3A_29 = vector.multi_reduction <add>, %mul3A, %reduce_sum3A_28 [0] : vector<10000x128xf32> to vector<128xf32>
    %broadcast_in_dim3A_30 = vector.shape_cast %reduce_sum3A_29 : vector<128xf32> to vector<1x128xf32>
    %div3A_31 = arith.constant 1.000000e+04 : f32
    %div3A_32 = vector.broadcast %div3A_31 : f32 to vector<1x128xf32>
    %div3A_33 = arith.divf %broadcast_in_dim3A_30, %div3A_32 : vector<1x128xf32>
    %sub3A_34 = vector.broadcast %div3A_24 : vector<1x128xf32> to vector<10000x128xf32>
    %sub3A_35 = arith.subf %add3A_21, %sub3A_34 : vector<10000x128xf32>
    %add3A_36 = arith.constant 9.99999974E-6 : f32
    %add3A_37 = vector.broadcast %add3A_36 : f32 to vector<1x128xf32>
    %add3A_38 = arith.addf %div3A_33, %add3A_37 : vector<1x128xf32>
    %rsqrt3A = math.rsqrt %add3A_38 : vector<1x128xf32>
    %mul3A_39 = vector.broadcast %rsqrt3A : vector<1x128xf32> to vector<10000x128xf32>
    %mul3A_40 = arith.mulf %sub3A_35, %mul3A_39 : vector<10000x128xf32>
    %get3A_41 = arith.constant 0 : index
    %get3A_42 = arith.constant 0 : index
    %get3A_43 = vector.load %arg4[%get3A_41, %get3A_42] : memref<1x128xf32, #tpu.memory_space<vmem>>, vector<1x128xf32>
    %mul3A_44 = vector.broadcast %get3A_43 : vector<1x128xf32> to vector<10000x128xf32>
    %mul3A_45 = arith.mulf %mul3A_40, %mul3A_44 : vector<10000x128xf32>
    %get3A_46 = arith.constant 0 : index
    %get3A_47 = arith.constant 0 : index
    %get3A_48 = vector.load %arg5[%get3A_46, %get3A_47] : memref<1x128xf32, #tpu.memory_space<vmem>>, vector<1x128xf32>
    %add3A_49 = vector.broadcast %get3A_48 : vector<1x128xf32> to vector<10000x128xf32>
    %add3A_50 = arith.addf %mul3A_45, %add3A_49 : vector<10000x128xf32>
    %max3A = arith.constant 0.000000e+00 : f32
    %max3A_51 = vector.broadcast %max3A : f32 to vector<10000x128xf32>
    %max3A_52 = arith.maximumf %add3A_50, %max3A_51 : vector<10000x128xf32>
    %get3A_53 = arith.constant 0 : index
    %get3A_54 = arith.constant 0 : index
    %get3A_55 = vector.load %arg6[%get3A_53, %get3A_54] : memref<128x128xf32, #tpu.memory_space<vmem>>, vector<128x128xf32>
    %dot_general3A_56 = arith.constant dense<0.000000e+00> : vector<10000x128xf32>
    %dot_general3A_57 = tpu.matmul %max3A_52, %get3A_55, %dot_general3A_56 {dimension_numbers = #tpu.dot_dimension_numbers<[1], [0], [0], [1], [0, 0, 1, 1], [], []>, transpose_lhs_hint = false} : vector<10000x128xf32>, vector<128x128xf32>, vector<10000x128xf32> -> vector<10000x128xf32>
    %get3A_58 = arith.constant 0 : index
    %get3A_59 = arith.constant 0 : index
    %get3A_60 = vector.load %arg7[%get3A_58, %get3A_59] : memref<1x128xf32, #tpu.memory_space<vmem>>, vector<1x128xf32>
    %add3A_61 = vector.broadcast %get3A_60 : vector<1x128xf32> to vector<10000x128xf32>
    %add3A_62 = arith.addf %dot_general3A_57, %add3A_61 : vector<10000x128xf32>
    %reduce_sum3A_63 = arith.constant dense<0.000000e+00> : vector<128xf32>
    %reduce_sum3A_64 = vector.multi_reduction <add>, %add3A_62, %reduce_sum3A_63 [0] : vector<10000x128xf32> to vector<128xf32>
    %broadcast_in_dim3A_65 = vector.shape_cast %reduce_sum3A_64 : vector<128xf32> to vector<1x128xf32>
    %div3A_66 = arith.constant 1.000000e+04 : f32
    %div3A_67 = vector.broadcast %div3A_66 : f32 to vector<1x128xf32>
    %div3A_68 = arith.divf %broadcast_in_dim3A_65, %div3A_67 : vector<1x128xf32>
    %sub3A_69 = vector.broadcast %div3A_68 : vector<1x128xf32> to vector<10000x128xf32>
    %sub3A_70 = arith.subf %add3A_62, %sub3A_69 : vector<10000x128xf32>
    %sub3A_71 = vector.broadcast %div3A_68 : vector<1x128xf32> to vector<10000x128xf32>
    %sub3A_72 = arith.subf %add3A_62, %sub3A_71 : vector<10000x128xf32>
    %mul3A_73 = arith.mulf %sub3A_70, %sub3A_72 : vector<10000x128xf32>
    %reduce_sum3A_74 = arith.constant dense<0.000000e+00> : vector<128xf32>
    %reduce_sum3A_75 = vector.multi_reduction <add>, %mul3A_73, %reduce_sum3A_74 [0] : vector<10000x128xf32> to vector<128xf32>
    %broadcast_in_dim3A_76 = vector.shape_cast %reduce_sum3A_75 : vector<128xf32> to vector<1x128xf32>
    %div3A_77 = arith.constant 1.000000e+04 : f32
    %div3A_78 = vector.broadcast %div3A_77 : f32 to vector<1x128xf32>
    %div3A_79 = arith.divf %broadcast_in_dim3A_76, %div3A_78 : vector<1x128xf32>
    %sub3A_80 = vector.broadcast %div3A_68 : vector<1x128xf32> to vector<10000x128xf32>
    %sub3A_81 = arith.subf %add3A_62, %sub3A_80 : vector<10000x128xf32>
    %add3A_82 = arith.constant 9.99999974E-6 : f32
    %add3A_83 = vector.broadcast %add3A_82 : f32 to vector<1x128xf32>
    %add3A_84 = arith.addf %div3A_79, %add3A_83 : vector<1x128xf32>
    %rsqrt3A_85 = math.rsqrt %add3A_84 : vector<1x128xf32>
    %mul3A_86 = vector.broadcast %rsqrt3A_85 : vector<1x128xf32> to vector<10000x128xf32>
    %mul3A_87 = arith.mulf %sub3A_81, %mul3A_86 : vector<10000x128xf32>
    %get3A_88 = arith.constant 0 : index
    %get3A_89 = arith.constant 0 : index
    %get3A_90 = vector.load %arg8[%get3A_88, %get3A_89] : memref<1x128xf32, #tpu.memory_space<vmem>>, vector<1x128xf32>
    %mul3A_91 = vector.broadcast %get3A_90 : vector<1x128xf32> to vector<10000x128xf32>
    %mul3A_92 = arith.mulf %mul3A_87, %mul3A_91 : vector<10000x128xf32>
    %get3A_93 = arith.constant 0 : index
    %get3A_94 = arith.constant 0 : index
    %get3A_95 = vector.load %arg9[%get3A_93, %get3A_94] : memref<1x128xf32, #tpu.memory_space<vmem>>, vector<1x128xf32>
    %add3A_96 = vector.broadcast %get3A_95 : vector<1x128xf32> to vector<10000x128xf32>
    %add3A_97 = arith.addf %mul3A_92, %add3A_96 : vector<10000x128xf32>
    %max3A_98 = arith.constant 0.000000e+00 : f32
    %max3A_99 = vector.broadcast %max3A_98 : f32 to vector<10000x128xf32>
    %max3A_100 = arith.maximumf %add3A_97, %max3A_99 : vector<10000x128xf32>
    %swap3A = arith.constant 0 : index
    %swap3A_101 = arith.constant 0 : index
    %swap3A_102 = vector.load %arg10[%swap3A, %swap3A_101] : memref<10000x128xf32, #tpu.memory_space<vmem>>, vector<10000x128xf32>
    tpu.vector_store %arg10[%swap3A, %swap3A_101], %max3A_100 {strides = array<i32>} : memref<10000x128xf32, #tpu.memory_space<vmem>>, vector<10000x128xf32>,
    return
  }
}

module attributes {stable_mosaic.version = 14 : i64} {
  func.func @mlp_pool_kernel(%arg0: memref<10000x128xf32, #tpu.memory_space<vmem>>, %arg1: memref<2x10000x128xf32, #tpu.memory_space<vmem>>, %arg2: memref<128x128xf32, #tpu.memory_space<vmem>>, %arg3: memref<1x128xf32, #tpu.memory_space<vmem>>, %arg4: memref<1x128xf32, #tpu.memory_space<vmem>>, %arg5: memref<1x128xf32, #tpu.memory_space<vmem>>, %arg6: memref<128x128xf32, #tpu.memory_space<vmem>>, %arg7: memref<1x128xf32, #tpu.memory_space<vmem>>, %arg8: memref<1x128xf32, #tpu.memory_space<vmem>>, %arg9: memref<1x128xf32, #tpu.memory_space<vmem>>, %arg10: memref<10000x1xi32, #tpu.memory_space<vmem>>, %arg11: memref<1250x8xi32, #tpu.memory_space<vmem>>, %arg12: memref<128x10xf32, #tpu.memory_space<vmem>>, %arg13: memref<1x10xf32, #tpu.memory_space<vmem>>, %arg14: memref<64x10xf32, #tpu.memory_space<vmem>>, %arg15: memref<10000x128xf32, #tpu.memory_space<vmem>>, %arg16: memref<64x128xf32, #tpu.memory_space<vmem>>, %arg17: memref<1250x128xf32, #tpu.memory_space<vmem>>, %arg18: memref<64x1xi32, #tpu.memory_space<vmem>>, %arg19: memref<64x1xi32, #tpu.memory_space<vmem>>) attributes {dimension_semantics = [], scalar_prefetch = 0 : i64, scratch_operands = 5 : i64, tpu.core_type = #tpu.core_type<tc>} {
    %get3A = arith.constant 0 : index
    %get3A_0 = arith.constant 0 : index
    %get3A_1 = vector.load %arg0[%get3A, %get3A_0] : memref<10000x128xf32, #tpu.memory_space<vmem>>, vector<10000x128xf32>
    %get3A_2 = arith.constant 0 : index
    %get3A_3 = arith.constant 0 : index
    %get3A_4 = arith.constant 0 : index
    %get3A_5 = vector.load %arg1[%get3A_2, %get3A_3, %get3A_4] : memref<2x10000x128xf32, #tpu.memory_space<vmem>>, vector<1x10000x128xf32>
    %get3A_6 = vector.shape_cast %get3A_5 : vector<1x10000x128xf32> to vector<10000x128xf32>
    %add3A = arith.addf %get3A_1, %get3A_6 : vector<10000x128xf32>
    %get3A_7 = arith.constant 1 : index
    %get3A_8 = arith.constant 0 : index
    %get3A_9 = arith.constant 0 : index
    %get3A_10 = vector.load %arg1[%get3A_7, %get3A_8, %get3A_9] : memref<2x10000x128xf32, #tpu.memory_space<vmem>>, vector<1x10000x128xf32>
    %get3A_11 = vector.shape_cast %get3A_10 : vector<1x10000x128xf32> to vector<10000x128xf32>
    %add3A_12 = arith.addf %add3A, %get3A_11 : vector<10000x128xf32>
    %get3A_13 = arith.constant 0 : index
    %get3A_14 = arith.constant 0 : index
    %get3A_15 = vector.load %arg2[%get3A_13, %get3A_14] : memref<128x128xf32, #tpu.memory_space<vmem>>, vector<128x128xf32>
    %dot_general3A = arith.constant dense<0.000000e+00> : vector<10000x128xf32>
    %dot_general3A_16 = tpu.matmul %add3A_12, %get3A_15, %dot_general3A {dimension_numbers = #tpu.dot_dimension_numbers<[1], [0], [0], [1], [0, 0, 1, 1], [], []>, transpose_lhs_hint = false} : vector<10000x128xf32>, vector<128x128xf32>, vector<10000x128xf32> -> vector<10000x128xf32>
    %get3A_17 = arith.constant 0 : index
    %get3A_18 = arith.constant 0 : index
    %get3A_19 = vector.load %arg3[%get3A_17, %get3A_18] : memref<1x128xf32, #tpu.memory_space<vmem>>, vector<1x128xf32>
    %add3A_20 = vector.broadcast %get3A_19 : vector<1x128xf32> to vector<10000x128xf32>
    %add3A_21 = arith.addf %dot_general3A_16, %add3A_20 : vector<10000x128xf32>
    %reduce_sum3A = arith.constant dense<0.000000e+00> : vector<128xf32>
    %reduce_sum3A_22 = vector.multi_reduction <add>, %add3A_21, %reduce_sum3A [0] : vector<10000x128xf32> to vector<128xf32>
    %broadcast_in_dim3A = vector.shape_cast %reduce_sum3A_22 : vector<128xf32> to vector<1x128xf32>
    %div3A = arith.constant 1.000000e+04 : f32
    %div3A_23 = vector.broadcast %div3A : f32 to vector<1x128xf32>
    %div3A_24 = arith.divf %broadcast_in_dim3A, %div3A_23 : vector<1x128xf32>
    %sub3A = vector.broadcast %div3A_24 : vector<1x128xf32> to vector<10000x128xf32>
    %sub3A_25 = arith.subf %add3A_21, %sub3A : vector<10000x128xf32>
    %sub3A_26 = vector.broadcast %div3A_24 : vector<1x128xf32> to vector<10000x128xf32>
    %sub3A_27 = arith.subf %add3A_21, %sub3A_26 : vector<10000x128xf32>
    %mul3A = arith.mulf %sub3A_25, %sub3A_27 : vector<10000x128xf32>
    %reduce_sum3A_28 = arith.constant dense<0.000000e+00> : vector<128xf32>
    %reduce_sum3A_29 = vector.multi_reduction <add>, %mul3A, %reduce_sum3A_28 [0] : vector<10000x128xf32> to vector<128xf32>
    %broadcast_in_dim3A_30 = vector.shape_cast %reduce_sum3A_29 : vector<128xf32> to vector<1x128xf32>
    %div3A_31 = arith.constant 1.000000e+04 : f32
    %div3A_32 = vector.broadcast %div3A_31 : f32 to vector<1x128xf32>
    %div3A_33 = arith.divf %broadcast_in_dim3A_30, %div3A_32 : vector<1x128xf32>
    %sub3A_34 = vector.broadcast %div3A_24 : vector<1x128xf32> to vector<10000x128xf32>
    %sub3A_35 = arith.subf %add3A_21, %sub3A_34 : vector<10000x128xf32>
    %add3A_36 = arith.constant 9.99999974E-6 : f32
    %add3A_37 = vector.broadcast %add3A_36 : f32 to vector<1x128xf32>
    %add3A_38 = arith.addf %div3A_33, %add3A_37 : vector<1x128xf32>
    %rsqrt3A = math.rsqrt %add3A_38 : vector<1x128xf32>
    %mul3A_39 = vector.broadcast %rsqrt3A : vector<1x128xf32> to vector<10000x128xf32>
    %mul3A_40 = arith.mulf %sub3A_35, %mul3A_39 : vector<10000x128xf32>
    %get3A_41 = arith.constant 0 : index
    %get3A_42 = arith.constant 0 : index
    %get3A_43 = vector.load %arg4[%get3A_41, %get3A_42] : memref<1x128xf32, #tpu.memory_space<vmem>>, vector<1x128xf32>
    %mul3A_44 = vector.broadcast %get3A_43 : vector<1x128xf32> to vector<10000x128xf32>
    %mul3A_45 = arith.mulf %mul3A_40, %mul3A_44 : vector<10000x128xf32>
    %get3A_46 = arith.constant 0 : index
    %get3A_47 = arith.constant 0 : index
    %get3A_48 = vector.load %arg5[%get3A_46, %get3A_47] : memref<1x128xf32, #tpu.memory_space<vmem>>, vector<1x128xf32>
    %add3A_49 = vector.broadcast %get3A_48 : vector<1x128xf32> to vector<10000x128xf32>
    %add3A_50 = arith.addf %mul3A_45, %add3A_49 : vector<10000x128xf32>
    %max3A = arith.constant 0.000000e+00 : f32
    %max3A_51 = vector.broadcast %max3A : f32 to vector<10000x128xf32>
    %max3A_52 = arith.maximumf %add3A_50, %max3A_51 : vector<10000x128xf32>
    %get3A_53 = arith.constant 0 : index
    %get3A_54 = arith.constant 0 : index
    %get3A_55 = vector.load %arg6[%get3A_53, %get3A_54] : memref<128x128xf32, #tpu.memory_space<vmem>>, vector<128x128xf32>
    %dot_general3A_56 = arith.constant dense<0.000000e+00> : vector<10000x128xf32>
    %dot_general3A_57 = tpu.matmul %max3A_52, %get3A_55, %dot_general3A_56 {dimension_numbers = #tpu.dot_dimension_numbers<[1], [0], [0], [1], [0, 0, 1, 1], [], []>, transpose_lhs_hint = false} : vector<10000x128xf32>, vector<128x128xf32>, vector<10000x128xf32> -> vector<10000x128xf32>
    %get3A_58 = arith.constant 0 : index
    %get3A_59 = arith.constant 0 : index
    %get3A_60 = vector.load %arg7[%get3A_58, %get3A_59] : memref<1x128xf32, #tpu.memory_space<vmem>>, vector<1x128xf32>
    %add3A_61 = vector.broadcast %get3A_60 : vector<1x128xf32> to vector<10000x128xf32>
    %add3A_62 = arith.addf %dot_general3A_57, %add3A_61 : vector<10000x128xf32>
    %reduce_sum3A_63 = arith.constant dense<0.000000e+00> : vector<128xf32>
    %reduce_sum3A_64 = vector.multi_reduction <add>, %add3A_62, %reduce_sum3A_63 [0] : vector<10000x128xf32> to vector<128xf32>
    %broadcast_in_dim3A_65 = vector.shape_cast %reduce_sum3A_64 : vector<128xf32> to vector<1x128xf32>
    %div3A_66 = arith.constant 1.000000e+04 : f32
    %div3A_67 = vector.broadcast %div3A_66 : f32 to vector<1x128xf32>
    %div3A_68 = arith.divf %broadcast_in_dim3A_65, %div3A_67 : vector<1x128xf32>
    %sub3A_69 = vector.broadcast %div3A_68 : vector<1x128xf32> to vector<10000x128xf32>
    %sub3A_70 = arith.subf %add3A_62, %sub3A_69 : vector<10000x128xf32>
    %sub3A_71 = vector.broadcast %div3A_68 : vector<1x128xf32> to vector<10000x128xf32>
    %sub3A_72 = arith.subf %add3A_62, %sub3A_71 : vector<10000x128xf32>
    %mul3A_73 = arith.mulf %sub3A_70, %sub3A_72 : vector<10000x128xf32>
    %reduce_sum3A_74 = arith.constant dense<0.000000e+00> : vector<128xf32>
    %reduce_sum3A_75 = vector.multi_reduction <add>, %mul3A_73, %reduce_sum3A_74 [0] : vector<10000x128xf32> to vector<128xf32>
    %broadcast_in_dim3A_76 = vector.shape_cast %reduce_sum3A_75 : vector<128xf32> to vector<1x128xf32>
    %div3A_77 = arith.constant 1.000000e+04 : f32
    %div3A_78 = vector.broadcast %div3A_77 : f32 to vector<1x128xf32>
    %div3A_79 = arith.divf %broadcast_in_dim3A_76, %div3A_78 : vector<1x128xf32>
    %sub3A_80 = vector.broadcast %div3A_68 : vector<1x128xf32> to vector<10000x128xf32>
    %sub3A_81 = arith.subf %add3A_62, %sub3A_80 : vector<10000x128xf32>
    %add3A_82 = arith.constant 9.99999974E-6 : f32
    %add3A_83 = vector.broadcast %add3A_82 : f32 to vector<1x128xf32>
    %add3A_84 = arith.addf %div3A_79, %add3A_83 : vector<1x128xf32>
    %rsqrt3A_85 = math.rsqrt %add3A_84 : vector<1x128xf32>
    %mul3A_86 = vector.broadcast %rsqrt3A_85 : vector<1x128xf32> to vector<10000x128xf32>
    %mul3A_87 = arith.mulf %sub3A_81, %mul3A_86 : vector<10000x128xf32>
    %get3A_88 = arith.constant 0 : index
    %get3A_89 = arith.constant 0 : index
    %get3A_90 = vector.load %arg8[%get3A_88, %get3A_89] : memref<1x128xf32, #tpu.memory_space<vmem>>, vector<1x128xf32>
    %mul3A_91 = vector.broadcast %get3A_90 : vector<1x128xf32> to vector<10000x128xf32>
    %mul3A_92 = arith.mulf %mul3A_87, %mul3A_91 : vector<10000x128xf32>
    %get3A_93 = arith.constant 0 : index
    %get3A_94 = arith.constant 0 : index
    %get3A_95 = vector.load %arg9[%get3A_93, %get3A_94] : memref<1x128xf32, #tpu.memory_space<vmem>>, vector<1x128xf32>
    %add3A_96 = vector.broadcast %get3A_95 : vector<1x128xf32> to vector<10000x128xf32>
    %add3A_97 = arith.addf %mul3A_92, %add3A_96 : vector<10000x128xf32>
    %max3A_98 = arith.constant 0.000000e+00 : f32
    %max3A_99 = vector.broadcast %max3A_98 : f32 to vector<10000x128xf32>
    %max3A_100 = arith.maximumf %add3A_97, %max3A_99 : vector<10000x128xf32>
    %swap3A = arith.constant 0 : index
    %swap3A_101 = arith.constant 0 : index
    %swap3A_102 = vector.load %arg15[%swap3A, %swap3A_101] : memref<10000x128xf32, #tpu.memory_space<vmem>>, vector<10000x128xf32>
    tpu.vector_store %arg15[%swap3A, %swap3A_101], %max3A_100 {strides = array<i32>} : memref<10000x128xf32, #tpu.memory_space<vmem>>, vector<10000x128xf32>,
    %reshape3A = vector.shape_cast %max3A_100 : vector<10000x128xf32> to vector<1250x8x128xf32>
    %reduce_max3A = arith.constant dense<0xFF800000> : vector<1250x128xf32>
    %reduce_max3A_103 = vector.multi_reduction <maximumf>, %reshape3A, %reduce_max3A [1] : vector<1250x8x128xf32> to vector<1250x128xf32>
    %swap3A_104 = arith.constant 0 : index
    %swap3A_105 = arith.constant 0 : index
    %swap3A_106 = vector.load %arg17[%swap3A_104, %swap3A_105] : memref<1250x128xf32, #tpu.memory_space<vmem>>, vector<1250x128xf32>
    tpu.vector_store %arg17[%swap3A_104, %swap3A_105], %reduce_max3A_103 {strides = array<i32>} : memref<1250x128xf32, #tpu.memory_space<vmem>>, vector<1250x128xf32>,
    %get3A_107 = arith.constant 0 : index
    %get3A_108 = arith.constant 0 : index
    %get3A_109 = vector.load %arg11[%get3A_107, %get3A_108] : memref<1250x8xi32, #tpu.memory_space<vmem>>, vector<1250x1xi32>
    %get3A_110 = arith.constant 0 : index
    %get3A_111 = arith.constant 7 : index
    %get3A_112 = vector.load %arg11[%get3A_110, %get3A_111] : memref<1250x8xi32, #tpu.memory_space<vmem>>, vector<1250x1xi32>
    %get3A_113 = arith.constant 0 : index
    %get3A_114 = arith.constant 0 : index
    %get3A_115 = vector.load %arg10[%get3A_113, %get3A_114] : memref<10000x1xi32, #tpu.memory_space<vmem>>, vector<10000x1xi32>
    %get3A_116 = arith.constant 0 : index
    %get3A_117 = arith.constant 0 : index
    %get3A_118 = vector.load %arg17[%get3A_116, %get3A_117] : memref<1250x128xf32, #tpu.memory_space<vmem>>, vector<1250x128xf32>
    %iota3A = tpu.iota {dimensions = array<i32: 1>} : vector<1x64xi32>
    %eq3A = vector.broadcast %get3A_115 : vector<10000x1xi32> to vector<10000x64xi32>
    %eq3A_119 = vector.broadcast %iota3A : vector<1x64xi32> to vector<10000x64xi32>
    %eq3A_120 = arith.cmpi eq, %eq3A, %eq3A_119 : vector<10000x64xi32>
    %convert_element_type3A = arith.extui %eq3A_120 : vector<10000x64xi1> to vector<10000x64xi32>
    %convert_element_type3A_121 = arith.sitofp %convert_element_type3A : vector<10000x64xi32> to vector<10000x64xf32>
    %reduce_sum3A_122 = arith.constant dense<0.000000e+00> : vector<64xf32>
    %reduce_sum3A_123 = vector.multi_reduction <add>, %convert_element_type3A_121, %reduce_sum3A_122 [0] : vector<10000x64xf32> to vector<64xf32>
    %broadcast_in_dim3A_124 = vector.shape_cast %reduce_sum3A_123 : vector<64xf32> to vector<1x64xf32>
    %iota3A_125 = tpu.iota {dimensions = array<i32: 0>} : vector<64x64xi32>
    %iota3A_126 = tpu.iota {dimensions = array<i32: 1>} : vector<64x64xi32>
    %lt3A = arith.cmpi slt, %iota3A_125, %iota3A_126 : vector<64x64xi32>
    %convert_element_type3A_127 = arith.extui %lt3A : vector<64x64xi1> to vector<64x64xi32>
    %convert_element_type3A_128 = arith.sitofp %convert_element_type3A_127 : vector<64x64xi32> to vector<64x64xf32>
    %eq3A_129 = arith.cmpi eq, %iota3A_125, %iota3A_126 : vector<64x64xi32>
    %convert_element_type3A_130 = arith.extui %eq3A_129 : vector<64x64xi1> to vector<64x64xi32>
    %convert_element_type3A_131 = arith.sitofp %convert_element_type3A_130 : vector<64x64xi32> to vector<64x64xf32>
    %dot_general3A_132 = arith.constant dense<0.000000e+00> : vector<1x64xf32>
    %dot_general3A_133 = tpu.matmul %broadcast_in_dim3A_124, %convert_element_type3A_128, %dot_general3A_132 {dimension_numbers = #tpu.dot_dimension_numbers<[1], [0], [0], [1], [0, 0, 1, 1], [], []>, transpose_lhs_hint = false} : vector<1x64xf32>, vector<64x64xf32>, vector<1x64xf32> -> vector<1x64xf32>
    %add3A_134 = arith.addf %dot_general3A_133, %broadcast_in_dim3A_124 : vector<1x64xf32>
    %dot_general3A_135 = arith.constant dense<0.000000e+00> : vector<64x1xf32>
    %dot_general3A_136 = tpu.matmul %convert_element_type3A_131, %dot_general3A_133, %dot_general3A_135 {dimension_numbers = #tpu.dot_dimension_numbers<[1], [1], [0], [0], [0, 0, 1, 0], [], []>, transpose_lhs_hint = false} : vector<64x64xf32>, vector<1x64xf32>, vector<64x1xf32> -> vector<64x1xf32>
    %dot_general3A_137 = arith.constant dense<0.000000e+00> : vector<64x1xf32>
    %dot_general3A_138 = tpu.matmul %convert_element_type3A_131, %add3A_134, %dot_general3A_137 {dimension_numbers = #tpu.dot_dimension_numbers<[1], [1], [0], [0], [0, 0, 1, 0], [], []>, transpose_lhs_hint = false} : vector<64x64xf32>, vector<1x64xf32>, vector<64x1xf32> -> vector<64x1xf32>
    %min3A = arith.constant 9.999000e+03 : f32
    %min3A_139 = vector.broadcast %min3A : f32 to vector<64x1xf32>
    %min3A_140 = arith.minimumf %dot_general3A_136, %min3A_139 : vector<64x1xf32>
    %convert_element_type3A_141 = arith.fptosi %min3A_140 : vector<64x1xf32> to vector<64x1xi32>
    %jit3A = arith.constant 8 : i32
    %div3A_142 = vector.broadcast %jit3A : i32 to vector<64x1xi32>
    %div3A_143 = arith.divsi %convert_element_type3A_141, %div3A_142 : vector<64x1xi32>
    %sign3A = arith.constant 0 : i32
    %sign3A_144 = vector.broadcast %sign3A : i32 to vector<64x1xi32>
    %sign3A_145 = arith.cmpi sgt, %convert_element_type3A_141, %sign3A_144 : vector<64x1xi32>
    %sign3A_146 = arith.extui %sign3A_145 : vector<64x1xi1> to vector<64x1xi32>
    %sign3A_147 = arith.constant 0 : i32
    %sign3A_148 = vector.broadcast %sign3A_147 : i32 to vector<64x1xi32>
    %sign3A_149 = arith.cmpi slt, %convert_element_type3A_141, %sign3A_148 : vector<64x1xi32>
    %sign3A_150 = arith.extui %sign3A_149 : vector<64x1xi1> to vector<64x1xi32>
    %sign3A_151 = arith.subi %sign3A_146, %sign3A_150 : vector<64x1xi32>
    %sign3A_152 = arith.constant 0 : i32
    %sign3A_153 = arith.cmpi sgt, %jit3A, %sign3A_152 : i32
    %sign3A_154 = arith.extui %sign3A_153 : i1 to i32
    %sign3A_155 = arith.constant 0 : i32
    %sign3A_156 = arith.cmpi slt, %jit3A, %sign3A_155 : i32
    %sign3A_157 = arith.extui %sign3A_156 : i1 to i32
    %sign3A_158 = arith.subi %sign3A_154, %sign3A_157 : i32
    %ne3A = vector.broadcast %sign3A_158 : i32 to vector<64x1xi32>
    %ne3A_159 = arith.cmpi ne, %sign3A_151, %ne3A : vector<64x1xi32>
    %rem3A = vector.broadcast %jit3A : i32 to vector<64x1xi32>
    %rem3A_160 = arith.remsi %convert_element_type3A_141, %rem3A : vector<64x1xi32>
    %ne3A_161 = arith.constant 0 : i32
    %ne3A_162 = vector.broadcast %ne3A_161 : i32 to vector<64x1xi32>
    %ne3A_163 = arith.cmpi ne, %rem3A_160, %ne3A_162 : vector<64x1xi32>
    %and3A = arith.andi %ne3A_159, %ne3A_163 : vector<64x1xi1>
    %sub3A_164 = arith.constant 1 : i32
    %sub3A_165 = vector.broadcast %sub3A_164 : i32 to vector<64x1xi32>
    %sub3A_166 = arith.subi %div3A_143, %sub3A_165 : vector<64x1xi32>
    %select_n3A = arith.select %and3A, %sub3A_166, %div3A_143 : vector<64x1xi1>, vector<64x1xi32>
    %swap3A_167 = arith.constant 0 : index
    %swap3A_168 = arith.constant 0 : index
    %swap3A_169 = vector.load %arg18[%swap3A_167, %swap3A_168] : memref<64x1xi32, #tpu.memory_space<vmem>>, vector<64x1xi32>
    tpu.vector_store %arg18[%swap3A_167, %swap3A_168], %select_n3A {strides = array<i32>} : memref<64x1xi32, #tpu.memory_space<vmem>>, vector<64x1xi32>,
    %sub3A_170 = arith.constant 1.000000e+00 : f32
    %sub3A_171 = vector.broadcast %sub3A_170 : f32 to vector<64x1xf32>
    %sub3A_172 = arith.subf %dot_general3A_138, %sub3A_171 : vector<64x1xf32>
    %max3A_173 = arith.constant 0.000000e+00 : f32
    %max3A_174 = vector.broadcast %max3A_173 : f32 to vector<64x1xf32>
    %max3A_175 = arith.maximumf %sub3A_172, %max3A_174 : vector<64x1xf32>
    %convert_element_type3A_176 = arith.fptosi %max3A_175 : vector<64x1xf32> to vector<64x1xi32>
    %jit3A_177 = arith.constant 8 : i32
    %div3A_178 = vector.broadcast %jit3A_177 : i32 to vector<64x1xi32>
    %div3A_179 = arith.divsi %convert_element_type3A_176, %div3A_178 : vector<64x1xi32>
    %sign3A_180 = arith.constant 0 : i32
    %sign3A_181 = vector.broadcast %sign3A_180 : i32 to vector<64x1xi32>
    %sign3A_182 = arith.cmpi sgt, %convert_element_type3A_176, %sign3A_181 : vector<64x1xi32>
    %sign3A_183 = arith.extui %sign3A_182 : vector<64x1xi1> to vector<64x1xi32>
    %sign3A_184 = arith.constant 0 : i32
    %sign3A_185 = vector.broadcast %sign3A_184 : i32 to vector<64x1xi32>
    %sign3A_186 = arith.cmpi slt, %convert_element_type3A_176, %sign3A_185 : vector<64x1xi32>
    %sign3A_187 = arith.extui %sign3A_186 : vector<64x1xi1> to vector<64x1xi32>
    %sign3A_188 = arith.subi %sign3A_183, %sign3A_187 : vector<64x1xi32>
    %sign3A_189 = arith.constant 0 : i32
    %sign3A_190 = arith.cmpi sgt, %jit3A_177, %sign3A_189 : i32
    %sign3A_191 = arith.extui %sign3A_190 : i1 to i32
    %sign3A_192 = arith.constant 0 : i32
    %sign3A_193 = arith.cmpi slt, %jit3A_177, %sign3A_192 : i32
    %sign3A_194 = arith.extui %sign3A_193 : i1 to i32
    %sign3A_195 = arith.subi %sign3A_191, %sign3A_194 : i32
    %ne3A_196 = vector.broadcast %sign3A_195 : i32 to vector<64x1xi32>
    %ne3A_197 = arith.cmpi ne, %sign3A_188, %ne3A_196 : vector<64x1xi32>
    %rem3A_198 = vector.broadcast %jit3A_177 : i32 to vector<64x1xi32>
    %rem3A_199 = arith.remsi %convert_element_type3A_176, %rem3A_198 : vector<64x1xi32>
    %ne3A_200 = arith.constant 0 : i32
    %ne3A_201 = vector.broadcast %ne3A_200 : i32 to vector<64x1xi32>
    %ne3A_202 = arith.cmpi ne, %rem3A_199, %ne3A_201 : vector<64x1xi32>
    %and3A_203 = arith.andi %ne3A_197, %ne3A_202 : vector<64x1xi1>
    %sub3A_204 = arith.constant 1 : i32
    %sub3A_205 = vector.broadcast %sub3A_204 : i32 to vector<64x1xi32>
    %sub3A_206 = arith.subi %div3A_179, %sub3A_205 : vector<64x1xi32>
    %select_n3A_207 = arith.select %and3A_203, %sub3A_206, %div3A_179 : vector<64x1xi1>, vector<64x1xi32>
    %swap3A_208 = arith.constant 0 : index
    %swap3A_209 = arith.constant 0 : index
    %swap3A_210 = vector.load %arg19[%swap3A_208, %swap3A_209] : memref<64x1xi32, #tpu.memory_space<vmem>>, vector<64x1xi32>
    tpu.vector_store %arg19[%swap3A_208, %swap3A_209], %select_n3A_207 {strides = array<i32>} : memref<64x1xi32, #tpu.memory_space<vmem>>, vector<64x1xi32>,
    %scan3A = arith.constant 0xFF800000 : f32
    %scan3A_211 = arith.constant 0 : i32
    %scan3A_212 = arith.constant 64 : i32
    %scan3A_213 = arith.addi %scan3A_211, %scan3A_212 : i32
    %scan3A_214 = arith.constant 1 : i32
    scf.for %scan3A_232 = %scan3A_211 to %scan3A_213 step %scan3A_214  : i32 {
      %eq3A_233 = vector.broadcast %scan3A_232 : i32 to vector<1250x1xi32>
      %eq3A_234 = arith.cmpi eq, %get3A_109, %eq3A_233 : vector<1250x1xi32>
      %eq3A_235 = vector.broadcast %scan3A_232 : i32 to vector<1250x1xi32>
      %eq3A_236 = arith.cmpi eq, %get3A_112, %eq3A_235 : vector<1250x1xi32>
      %and3A_237 = arith.andi %eq3A_234, %eq3A_236 : vector<1250x1xi1>
      %broadcast_in_dim3A_238 = vector.shape_cast %and3A_237 : vector<1250x1xi1> to vector<1250x1xi1>
      %broadcast_in_dim3A_239 = vector.broadcast %broadcast_in_dim3A_238 : vector<1250x1xi1> to vector<1250x128xi1>
      %broadcast_in_dim3A_240 = vector.broadcast %scan3A : f32 to vector<1250x128xf32>
      %select_n3A_241 = arith.select %broadcast_in_dim3A_239, %get3A_118, %broadcast_in_dim3A_240 : vector<1250x128xi1>, vector<1250x128xf32>
      %reduce_max3A_242 = arith.constant dense<0xFF800000> : vector<128xf32>
      %reduce_max3A_243 = vector.multi_reduction <maximumf>, %select_n3A_241, %reduce_max3A_242 [0] : vector<1250x128xf32> to vector<128xf32>
      %get3A_244 = arith.index_cast %scan3A_232 : i32 to index
      %get3A_245 = arith.constant 0 : index
      %get3A_246 = vector.load %arg18[%get3A_244, %get3A_245] : memref<64x1xi32, #tpu.memory_space<vmem>>, vector<1x1xi32>
      %reduce_sum3A_247 = vector.shape_cast %get3A_246 : vector<1x1xi32> to vector<1x1x1xi32>
      %reduce_sum3A_248 = arith.constant dense<0> : vector<1xi32>
      %reduce_sum3A_249 = vector.multi_reduction <add>, %reduce_sum3A_247, %reduce_sum3A_248 [1, 2] : vector<1x1x1xi32> to vector<1xi32>
      %reduce_sum3A_250 = vector.shape_cast %reduce_sum3A_249 : vector<1xi32> to vector<1x1x1xi32>
      %reduce_sum3A_251 = vector.extract %reduce_sum3A_250[0, 0, 0] : i32 from vector<1x1x1xi32>
      %get3A_252 = arith.index_cast %scan3A_232 : i32 to index
      %get3A_253 = arith.constant 0 : index
      %get3A_254 = vector.load %arg19[%get3A_252, %get3A_253] : memref<64x1xi32, #tpu.memory_space<vmem>>, vector<1x1xi32>
      %reduce_sum3A_255 = vector.shape_cast %get3A_254 : vector<1x1xi32> to vector<1x1x1xi32>
      %reduce_sum3A_256 = arith.constant dense<0> : vector<1xi32>
      %reduce_sum3A_257 = vector.multi_reduction <add>, %reduce_sum3A_255, %reduce_sum3A_256 [1, 2] : vector<1x1x1xi32> to vector<1xi32>
      %reduce_sum3A_258 = vector.shape_cast %reduce_sum3A_257 : vector<1xi32> to vector<1x1x1xi32>
      %reduce_sum3A_259 = vector.extract %reduce_sum3A_258[0, 0, 0] : i32 from vector<1x1x1xi32>
      %mul3A_260 = arith.constant 8 : i32
      %mul3A_261 = arith.muli %reduce_sum3A_251, %mul3A_260 : i32
      %get3A_262 = arith.index_cast %mul3A_261 : i32 to index
      %get3A_263 = arith.constant 0 : index
      %get3A_264 = vector.load %arg15[%get3A_262, %get3A_263] : memref<10000x128xf32, #tpu.memory_space<vmem>>, vector<8x128xf32>
      %mul3A_265 = arith.constant 8 : i32
      %mul3A_266 = arith.muli %reduce_sum3A_251, %mul3A_265 : i32
      %get3A_267 = arith.index_cast %mul3A_266 : i32 to index
      %get3A_268 = arith.constant 0 : index
      %get3A_269 = vector.load %arg10[%get3A_267, %get3A_268] : memref<10000x1xi32, #tpu.memory_space<vmem>>, vector<8x1xi32>
      %eq3A_270 = vector.broadcast %scan3A_232 : i32 to vector<8x1xi32>
      %eq3A_271 = arith.cmpi eq, %get3A_269, %eq3A_270 : vector<8x1xi32>
      %broadcast_in_dim3A_272 = vector.shape_cast %eq3A_271 : vector<8x1xi1> to vector<8x1xi1>
      %broadcast_in_dim3A_273 = vector.broadcast %broadcast_in_dim3A_272 : vector<8x1xi1> to vector<8x128xi1>
      %broadcast_in_dim3A_274 = vector.broadcast %scan3A : f32 to vector<8x128xf32>
      %select_n3A_275 = arith.select %broadcast_in_dim3A_273, %get3A_264, %broadcast_in_dim3A_274 : vector<8x128xi1>, vector<8x128xf32>
      %reduce_max3A_276 = arith.constant dense<0xFF800000> : vector<128xf32>
      %reduce_max3A_277 = vector.multi_reduction <maximumf>, %select_n3A_275, %reduce_max3A_276 [0] : vector<8x128xf32> to vector<128xf32>
      %mul3A_278 = arith.constant 8 : i32
      %mul3A_279 = arith.muli %reduce_sum3A_259, %mul3A_278 : i32
      %get3A_280 = arith.index_cast %mul3A_279 : i32 to index
      %get3A_281 = arith.constant 0 : index
      %get3A_282 = vector.load %arg15[%get3A_280, %get3A_281] : memref<10000x128xf32, #tpu.memory_space<vmem>>, vector<8x128xf32>
      %mul3A_283 = arith.constant 8 : i32
      %mul3A_284 = arith.muli %reduce_sum3A_259, %mul3A_283 : i32
      %get3A_285 = arith.index_cast %mul3A_284 : i32 to index
      %get3A_286 = arith.constant 0 : index
      %get3A_287 = vector.load %arg10[%get3A_285, %get3A_286] : memref<10000x1xi32, #tpu.memory_space<vmem>>, vector<8x1xi32>
      %eq3A_288 = vector.broadcast %scan3A_232 : i32 to vector<8x1xi32>
      %eq3A_289 = arith.cmpi eq, %get3A_287, %eq3A_288 : vector<8x1xi32>
      %broadcast_in_dim3A_290 = vector.shape_cast %eq3A_289 : vector<8x1xi1> to vector<8x1xi1>
      %broadcast_in_dim3A_291 = vector.broadcast %broadcast_in_dim3A_290 : vector<8x1xi1> to vector<8x128xi1>
      %broadcast_in_dim3A_292 = vector.broadcast %scan3A : f32 to vector<8x128xf32>
      %select_n3A_293 = arith.select %broadcast_in_dim3A_291, %get3A_282, %broadcast_in_dim3A_292 : vector<8x128xi1>, vector<8x128xf32>
      %reduce_max3A_294 = arith.constant dense<0xFF800000> : vector<128xf32>
      %reduce_max3A_295 = vector.multi_reduction <maximumf>, %select_n3A_293, %reduce_max3A_294 [0] : vector<8x128xf32> to vector<128xf32>
      %max3A_296 = arith.maximumf %reduce_max3A_277, %reduce_max3A_295 : vector<128xf32>
      %max3A_297 = arith.maximumf %reduce_max3A_243, %max3A_296 : vector<128xf32>
      %reshape3A_298 = vector.shape_cast %max3A_297 : vector<128xf32> to vector<1x128xf32>
      %swap3A_299 = arith.index_cast %scan3A_232 : i32 to index
      %swap3A_300 = arith.constant 0 : index
      %swap3A_301 = vector.load %arg16[%swap3A_299, %swap3A_300] : memref<64x128xf32, #tpu.memory_space<vmem>>, vector<1x128xf32>
      tpu.vector_store %arg16[%swap3A_299, %swap3A_300], %reshape3A_298 {strides = array<i32>} : memref<64x128xf32, #tpu.memory_space<vmem>>, vector<1x128xf32>,
    }
    %scan3A_215 = arith.constant 64 : i32
    %get3A_216 = arith.constant 0 : index
    %get3A_217 = arith.constant 0 : index
    %get3A_218 = vector.load %arg16[%get3A_216, %get3A_217] : memref<64x128xf32, #tpu.memory_space<vmem>>, vector<64x128xf32>
    %get3A_219 = arith.constant 0 : index
    %get3A_220 = arith.constant 0 : index
    %get3A_221 = vector.load %arg12[%get3A_219, %get3A_220] : memref<128x10xf32, #tpu.memory_space<vmem>>, vector<128x10xf32>
    %dot_general3A_222 = arith.constant dense<0.000000e+00> : vector<64x10xf32>
    %dot_general3A_223 = tpu.matmul %get3A_218, %get3A_221, %dot_general3A_222 {dimension_numbers = #tpu.dot_dimension_numbers<[1], [0], [0], [1], [0, 0, 1, 1], [], []>, transpose_lhs_hint = false} : vector<64x128xf32>, vector<128x10xf32>, vector<64x10xf32> -> vector<64x10xf32>
    %get3A_224 = arith.constant 0 : index
    %get3A_225 = arith.constant 0 : index
    %get3A_226 = vector.load %arg13[%get3A_224, %get3A_225] : memref<1x10xf32, #tpu.memory_space<vmem>>, vector<1x10xf32>
    %add3A_227 = vector.broadcast %get3A_226 : vector<1x10xf32> to vector<64x10xf32>
    %add3A_228 = arith.addf %dot_general3A_223, %add3A_227 : vector<64x10xf32>
    %swap3A_229 = arith.constant 0 : index
    %swap3A_230 = arith.constant 0 : index
    %swap3A_231 = vector.load %arg14[%swap3A_229, %swap3A_230] : memref<64x10xf32, #tpu.memory_space<vmem>>, vector<64x10xf32>
    tpu.vector_store %arg14[%swap3A_229, %swap3A_230], %add3A_228 {strides = array<i32>} : memref<64x10xf32, #tpu.memory_space<vmem>>, vector<64x10xf32>,
    return
  }
}

</mosaic_0001>

<sc_bundles>
// kernel: kernel.11.cloned.1.call-start
scs
__scs_entry_jumppad:
0x0: {  	(pc) =	sbr.rel $0x88, $3  }
0x1: {  	(tag) =	ssettag $0x0;
	lr =	simm.s32 $0x1  }
0x2: {  	[smem:$0x3F94] =	sst lr;
	_ =	strace $0xD0000000  }
0x3: {  	_ = 	snop  }
0x4: {  	_ = 	snop  }
0x5: {  	_ = 	snop  }
0x6: {  	_ = 	snop  }
0x7: {  	_ = 	snop  }
__scs_overlays_trampoline_lowered:
0x8: {  	[smem:$0x3FA3] =	sst s0  }
0x9: {  	[smem:$0x3FA4] =	sst s1  }
0xa: {  	[smem:$0x3FA5] =	sst s2  }
0xb: {  	[smem:$0x3FA6] =	sst s3  }
0xc: {  	[smem:$0x3FA7] =	sst s4  }
0xd: {  	[smem:$0x3FA8] =	sst s5  }
0xe: {  	[smem:$0x3FA9] =	sst s6  }
0xf: {  	[smem:$0x3FAA] =	sst s7  }
0x10: {  	[smem:$0x3FAB] =	sst s8  }
0x11: {  	[smem:$0x3FAC] =	sst s9;
	s0 =	simm.s32 @!p0 $0x0  }
0x12: {  	s1 =	sld [smem:$0x3F92];
	s0 =	simm.s32 @p0 $0x1  }
0x13: {  	[smem:$0x3FAD] =	sst s0;
	s0 =	simm.s32 @!p1 $0x0  }
0x14: {  	s2 =	sld [smem:$0x3F91];
	s0 =	simm.s32 @p1 $0x1  }
0x15: {  	[smem:$0x3FAE] =	sst s0;
	s0 =	simm.s32 @!p2 $0x0  }
0x16: {  	s3 =	sld [smem:$0x3FDB];
	s0 =	simm.s32 @p2 $0x1  }
0x17: {  	s4 =	simm.s32 $0x1BF5;
	[smem:$0x3FB0] =	sst s0  }
0x18: {  	s0 =	sld [smem:$0x3F93];
	_ =	swait.ge [sflag:s4], $0x0  }
0x19: {  	s7 =	sld [smem:$0x3F94]  }
0x1a: {  	s8 =	sadd.s32 $0xFFFFE003, lr  }
0x1b: {  	s9 =	sadd.s32 $0xFFFFFEF7, lr;
	s5 =	simm.s32 $0xFFFFFFFF;
	p2 =	slt.u32 s8, $0xFFFFF086  }
0x1c: {  	p1 =	slt.u32 s9, $0xF7A;
	s5 =	simm.s32 @!p2 $0x0  }
0x1d: {  	s5 =	simm.s32 @p1 $0x1;
	p0 =	seq.s32 s7, s2  }
0x1e: {  	s7 =	smul.u32 @!p0 $0xF7A, s2;
	p2 =	seq.s32 @!p0 s5, $0x0  }
0x1f: {  	s9 =	smul.u32 $0xF7A, s1;
	s8 =	simm.s32 @!p0 $0x1BF5;
	p2 =	por !p2, p0  }
0x20: {  	[sflag:s8] =	ssyncset.s32 @!p0 $0xFFFFF086;
	s6 =	sadd.s32 @!p0 s3, s7;
	s7 =	simm.s32 @!p0 $0x108  }
0x21: {  	s3 =	sadd.s32 s3, s9;
	s6 =	sadd.s32 @!p0 $0x88, s6;
	s7 =	simm.s32 @p2 $0x1082  }
0x22: {  	[simem:s7], [sflag:s8] =	dma.local @!p0 [hbm:s6], $0xF7A  }
0x23: {  	s9 =	sor.u32 $0xD0000000, s2;
	s6 =	simm.s32 $0x108;
	_ =	swait.ge @!p0 [sflag:s8], $0x0  }
0x24: {  	s3 =	sadd.s32 $0x88, s3;
	s6 =	simm.s32 @!p1 $0x1082;
	[sflag:s4] =	ssyncset.s32 $0xFFFFF086  }
0x25: {  	[simem:s6], [sflag:s4] =	dma.local [hbm:s3], $0xF7A  }
0x26: {  	[smem:$0x3F94] =	sst s1;
	(tag) =	ssettag s2;
	_ =	strace s9  }
0x27: {  	s1 =	sld [smem:$0x3FA4]  }
0x28: {  	s2 =	sld [smem:$0x3FA5]  }
0x29: {  	s4 =	sld [smem:$0x3FA7]  }
0x2a: {  	p0 =	seq.s32 s5, $0x0;
	s5 =	sld [smem:$0x3FA8]  }
0x2b: {  	s6 =	sld [smem:$0x3FA9]  }
0x2c: {  	s7 =	sld [smem:$0x3FAA]  }
0x2d: {  	s3 =	simm.s32 $0x108;
	s8 =	sld [smem:$0x3FAB]  }
0x2e: {  	s3 =	simm.s32 @!p0 $0x1082;
	s9 =	sld [smem:$0x3FAC]  }
0x2f: {  	lr =	sadd.s32 s0, s3;
	s0 =	sld [smem:$0x3FA3]  }
0x30: {  	s3 =	sld [smem:$0x3FA6]  }
0x31: {  	[smem:$0x3FAF] =	sst s10  }
0x32: {  	s10 =	sld [smem:$0x3FAD];
	_ =	sdelay $0x3  }
0x33: {  	p0 =	seq.s32 s10, $0x1;
	s10 =	sld [smem:$0x3FAF];
	_ =	sdelay $0x3  }
0x34: {  	[smem:$0x3FAF] =	sst s10  }
0x35: {  	s10 =	sld [smem:$0x3FAE];
	_ =	sdelay $0x3  }
0x36: {  	p1 =	seq.s32 s10, $0x1;
	s10 =	sld [smem:$0x3FAF];
	_ =	sdelay $0x3  }
0x37: {  	[smem:$0x3FAF] =	sst s10  }
0x38: {  	s10 =	sld [smem:$0x3FB0]  }
0x39: {  	_ = 	snop;
	(pc) =	sbr.ind lr, $3  }
0x3a: {  	_ = 	snop  }
0x3b: {  	_ = 	snop  }
0x3c: {  	p2 =	seq.s32 s10, $0x1;
	s10 =	sld [smem:$0x3FAF]  }
0x3d: {  	_ =	shalt  }
0x3e: {  	_ =	shalt  }
0x3f: {  	_ =	shalt  }
0x40: {  	_ =	shalt  }
0x41: {  	_ =	shalt  }
0x42: {  	_ =	shalt  }
0x43: {  	_ =	shalt  }
0x44: {  	_ =	shalt  }
0x45: {  	_ =	shalt  }
0x46: {  	_ =	shalt  }
0x47: {  	_ =	shalt  }
0x48: {  	_ =	shalt  }
0x49: {  	_ =	shalt  }
0x4a: {  	_ =	shalt  }
0x4b: {  	_ =	shalt  }
0x4c: {  	_ =	shalt  }
0x4d: {  	_ =	shalt  }
0x4e: {  	_ =	shalt  }
0x4f: {  	_ =	shalt  }
0x50: {  	_ =	shalt  }
0x51: {  	_ =	shalt  }
0x52: {  	_ =	shalt  }
0x53: {  	_ =	shalt  }
0x54: {  	_ =	shalt  }
0x55: {  	_ =	shalt  }
0x56: {  	_ =	shalt  }
0x57: {  	_ =	shalt  }
0x58: {  	_ =	shalt  }
0x59: {  	_ =	shalt  }
0x5a: {  	_ =	shalt  }
0x5b: {  	_ =	shalt  }
0x5c: {  	_ =	shalt  }
0x5d: {  	_ =	shalt  }
0x5e: {  	_ =	shalt  }
0x5f: {  	_ =	shalt  }
0x60: {  	_ =	shalt  }
0x61: {  	_ =	shalt  }
0x62: {  	_ =	shalt  }
0x63: {  	_ =	shalt  }
0x64: {  	_ =	shalt  }
0x65: {  	_ =	shalt  }
0x66: {  	_ =	shalt  }
0x67: {  	_ =	shalt  }
0x68: {  	_ =	shalt  }
0x69: {  	_ =	shalt  }
0x6a: {  	_ =	shalt  }
0x6b: {  	_ =	shalt  }
0x6c: {  	_ =	shalt  }
0x6d: {  	_ =	shalt  }
0x6e: {  	_ =	shalt  }
0x6f: {  	_ =	shalt  }
0x70: {  	_ =	shalt  }
0x71: {  	_ =	shalt  }
0x72: {  	_ =	shalt  }
0x73: {  	_ =	shalt  }
0x74: {  	_ =	shalt  }
0x75: {  	_ =	shalt  }
0x76: {  	_ =	shalt  }
0x77: {  	_ =	shalt  }
0x78: {  	_ =	shalt  }
0x79: {  	_ =	shalt  }
0x7a: {  	_ =	shalt  }
0x7b: {  	_ =	shalt  }
0x7c: {  	_ =	shalt  }
0x7d: {  	_ =	shalt  }
0x7e: {  	_ =	shalt  }
0x7f: {  	_ =	shalt  }
0x80: {  	_ =	shalt  }
0x81: {  	_ =	shalt  }
0x82: {  	_ =	shalt  }
0x83: {  	_ =	shalt  }
0x84: {  	_ =	shalt  }
0x85: {  	_ =	shalt  }
0x86: {  	_ =	shalt  }
0x87: {  	_ =	shalt  }
.Lfunc_end0:
.L_simem_size_0:
called_computation.1_lowered:
.L_overlay_start_0:
0x88: {  	s2 =	sld [smem:$0x3FD9]  }
0x89: {  	s3 =	sld [smem:$0x3FFE];
	_ =	sdelay $0x1  }
0x8a: {  	s1 =	srdreg.scid  }
0x8b: {  	s0 =	sand.u32 $0x1, s1  }
0x8c: {  	s16 =	sshll.u32 s0, $0xA;
	s2 =	sadd.s32 s3, s2  }
0x8d: {  	s2 =	sadd.s32 s2, s16  }
0x8e: {  	[smem:$0x3FBB] =	sst s2  }
0x8f: {  	_ = 	snop  }
0x90: {  	(tm) =	ssettm $0x1  }
0x91: {  	s17 =	sld [smem:$0x3FFB];
	_ =	sdelay $0x3  }
0x92: {  	_ =	strace s17  }
0x93: {  	s2 =	sld [smem:$0x3FFC];
	_ =	sdelay $0x3  }
0x94: {  	_ =	strace s2  }
0x95: {  	s2 =	sld [smem:$0x3FFD];
	_ =	sdelay $0x3  }
0x96: {  	_ =	strace s2  }
0x97: {  	_ =	strace $0x8FFFFFFF  }
0x98: {  	s18 =	sld [smem:$0x3FDB];
	_ =	sdelay $0x1  }
0x99: {  	s19 =	simm.s32 $_scs_section_size  }
0x9a: {  	s4 =	simm.s32 $_size__tile_overlayer_lowered;
	s5 =	simm.s32 $_tile_overlayer_lowered  }
0x9b: {  	s22 =	simm.s32 $0x1BFF;
	s21 =	sshll.u32 s5, $0x1;
	s2 =	sadd.s32 s19, s18  }
0x9c: {  	s6 =	simm.s32 $0x0;
	s20 =	sshll.u32 s4, $0x1;
	s4 =	sadd.s32 s21, s2  }
0x9d: {  	[timem:s6], [sflag:s22] =	dma.local [hbm:s4], s20  }
0x9e: {  	_ =	swait.ge [sflag:s22], s20  }
0x9f: {  	s3 =	ssub.s32 $0x0, s20;
	[sflag:s22] =	ssyncset.done $0x0  }
0xa0: {  	[sflag:s22] =	ssyncadd.s32 s3;
	_ =	sdelay $0x1  }
0xa1: {  	s23 =	simm.s32 $0x1B8B  }
0xa2: {  	_ =	swait.ge [sflag:s23], $0x1  }
0xa3: {  	[sflag:s23] =	ssyncset.done $0x0  }
0xa4: {  	s25 =	simm.s32 $0x1B8E;
	s24 =	sld [smem:$0x3FFE];
	[sflag:s23] =	ssyncadd.s32 $0xFFFFFFFF  }
0xa5: {  	s26 =	simm.s32 $execute0_lowered;
	[smem:$0x3FD2] =	sst s25  }
0xa6: {  	s4 =	sshll.u32 s26, $0x1;
	_ =	strace $0x80000049;
	[dreg:$0x1] =	wrdreg $0xFFFFFFFF  }
0xa7: {  	s28 =	simm.s32 $_size_execute0_lowered;
	s2 =	sadd.s32 s2, s4;
	[dreg:$0x0] =	wrdreg $0x0  }
0xa8: {  	s4 =	sshll.u32 s28, $0x1;
	[dreg:$0x2] =	wrdreg s2  }
0xa9: {  	[dreg:$0x3] =	wrdreg s4  }
0xaa: {  	[dreg:$0x4] =	wrdreg $0xC0  }
0xab: {  	_ =	task [dreg:s6], $0x5FFFF  }
0xac: {  	[dreg:$0x1] =	wrdreg $0xFFFFFFFF  }
0xad: {  	[dreg:$0x0] =	wrdreg $0x60  }
0xae: {  	[dreg:$0x2] =	wrdreg s24  }
0xaf: {  	[dreg:$0x3] =	wrdreg $0xB7800  }
0xb0: {  	[dreg:$0x4] =	wrdreg $0x9  }
0xb1: {  	_ =	task.clear_ibuf [dreg:s6], $0x5FFFF;
	_ =	strace $0x90000049  }
0xb2: {  	s29 =	simm.s32 $0x9;
	_ =	strace $0x8000004B  }
0xb3: {  	_ =	swait.ge [sflag:s29], $0x1  }
0xb4: {  	[sflag:s29] =	ssyncadd.s32 $0xFFFFFFFF  }
0xb5: {  	_ =	strace $0x9000004B  }
0xb6: {  	_ =	sfence  }
0xb7: {  	s30 =	sld [smem:$0x0];
	_ =	sdelay $0x2  }
0xb8: {  	s31 =	sshll.u32 s1, $0xD;
	s1 =	sshrl.u32 s1, $0x2  }
0xb9: {  	s3 =	sand.u32 $0x4000, s31;
	s1 =	sadd.s32 s1, s30  }
0xba: {  	s0 =	sor.u32 s3, s0;
	s1 =	sshll.u32 s1, $0x11  }
0xbb: {  	s0 =	sor.u32 s1, s0  }
0xbc: {  	s0 =	sadd.s32 $0x8F2B, s0  }
0xbd: {  	[sflag:s0] =	ssyncadd.remote.s32 $0x1  }
0xbe: {  	_ =	sfence.sel $0xFFFF  }
0xbf: {  	[dreg:$0x0] =	wrdreg $0xFFFFFFFF;
	(pc) =	sbr.abs _section_cstart, $3  }
0xc0: {  	[dreg:$0x1] =	wrdreg $0xFFFFFFFF  }
0xc1: {  	_ =	task.clear_ibuf [dreg:s6], $0x2FFFF;
	_ =	strace $0x9FFFFFFF  }
0xc2: {  	(tm) =	ssettm $0x7FFFFFFF  }
0xc3: {  	_ =	shalt  }
tec
execute0_lowered:
.L_overlay_start_1:
0x0: {  	(tag) =	ssettag $0x1  }
0x1: {  	s0 =	srdreg.scid;
	s23 =	stileid.u32  }
0x2: {  	s0 =	sand.u32 $0x1, s0;
	s8 =	smul.u32 $0xA000, s23  }
0x3: {  	s10 =	sor.u32 $0x10, s23;
	s7 =	smul.u32 $0x27100, s0  }
0x4: {  	s11 =	sor.u32 $0x20, s23;
	s9 =	smul.u32 $0xA000, s10  }
0x5: {  	s13 =	sor.u32 $0x30, s23;
	s12 =	smul.u32 $0xA000, s11  }
0x6: {  	s15 =	sor.u32 $0x40, s23;
	s14 =	smul.u32 $0xA000, s13  }
0x7: {  	s17 =	sor.u32 $0x50, s23;
	s16 =	smul.u32 $0xA000, s15  }
0x8: {  	s19 =	sor.u32 $0x60, s23;
	s18 =	smul.u32 $0xA000, s17  }
0x9: {  	s21 =	sor.u32 $0x70, s23;
	s20 =	smul.u32 $0xA000, s19  }
0xa: {  	s1 =	rddreg [dreg:$0x0];
	s22 =	smul.u32 $0xA000, s21  }
0xb: {  	s2 =	rddreg [dreg:$0x1];
	s24 =	smul.u32 $0x500, s10  }
0xc: {  	s31 =	simm.s32 $0x8F80;
	s6 =	sshll.u32 s23, $0x7;
	s25 =	smul.u32 $0x500, s11  }
0xd: {  	s3 =	sshll.u32 s0, $0x4;
	s6 =	sand.u32 $0x380, s6;
	s26 =	smul.u32 $0x500, s13  }
0xe: {  	s0 =	ssub.s32 $0x2, s0;
	s30 =	smul.u32 $0x500, s19;
	p0 =	sgt.u32 s21, $0x7C  }
0xf: {  	s4 =	sor.u32 s23, s3;
	s3 =	simm.s32 $0x0;
	s29 =	sshrl.u32 s0, $0x1  }
0x10: {  	s8 =	sshrl.u32 s8, $0x2;
	s23 =	smul.u32 $0x500, s23;
	s5 =	sshrl.u32 s4, $0x3  }
0x11: {  	[smem:$0x7FF] =	sst s3;
	s28 =	sshll.u32 s4, $0xB;
	s4 =	sadd.s32 $0x1D600, s1  }
0x12: {  	s0 =	ssub.s32 s0, s29;
	s8 =	sadd.s32 s8, s2;
	s9 =	sshrl.u32 s9, $0x2  }
0x13: {  	s12 =	sshrl.u32 s12, $0x2;
	s14 =	sshrl.u32 s14, $0x2;
	s16 =	sshrl.u32 s16, $0x2  }
0x14: {  	s18 =	sshrl.u32 s18, $0x2;
	s20 =	sshrl.u32 s20, $0x2;
	s29 =	smul.u32 $0x500, s17  }
0x15: {  	s22 =	sshrl.u32 s22, $0x2;
	s5 =	smul.u32 $0x13C00, s5;
	_ =	strace $0x8000004A  }
0x16: {  	s9 =	sadd.s32 s9, s2;
	s10 =	sadd.s32 s12, s2;
	s11 =	sadd.s32 s14, s2  }
0x17: {  	s12 =	sadd.s32 s16, s2;
	s13 =	sadd.s32 s18, s2;
	s14 =	sadd.s32 s20, s2  }
0x18: {  	s16 =	simm.s32 $0x6780;
	s5 =	sor.u32 s6, s5;
	s6 =	sadd.s32 s28, s1  }
0x19: {  	s28 =	smul.u32 $0x500, s15;
	s15 =	sadd.s32 s22, s2;
	s5 =	sshrl.u32 s5, $0x3  }
0x1a: {  	s5 =	sadd.s32 s5, s1;
	s1 =	sadd.s32 s7, s1;
	s7 =	sadd.s32 $0x3800, s6  }
0x1b: {  	s5 =	sadd.s32 $0x13800, s5;
	[dreg:$0x4] =	wrdreg s7;
	s1 =	sadd.s32 $0x44800, s1  }
0x1c: {  	s7 =	smax.u32 s0, $0x1;
	s0 =	smul.u32 $0x500, s21;
	[dreg:$0x3] =	wrdreg s5  }
0x1d: {  	s17 =	sadd.s32 s23, s1;
	s18 =	sadd.s32 s24, s1;
	s19 =	sadd.s32 s25, s1  }
0x1e: {  	s20 =	sadd.s32 s26, s1;
	s21 =	sadd.s32 s28, s1;
	s22 =	sadd.s32 s29, s1  }
0x1f: {  	s23 =	sadd.s32 s30, s1;
	s25 =	simm.s32 $0x3;
	s30 =	simm.s32 $0x50  }
0x20: {  	v0 =	vimm.f32 $0.0e+00;
	s26 =	simm.s32 $0x2;
	s24 =	sadd.s32 @!p0 s0, s1;
	s1 =	simm.s32 $0x1  }
.LBB2_1:
0x21: {  	s0 =	simm.s32 $0x70;
	s28 =	simm.s32 $0x3C0  }
.LBB2_2:
0x22: {  	p1 =	sne.s32 s28, $0x9FC0;
	[tilespmem:s0+$0x6780] =	vst v0  }
0x23: {  	[tilespmem:s0+$0x6710] =	vst v0  }
0x24: {  	[tilespmem:s0+$0x6720] =	vst v0  }
.Ltmp0:
0x25: {  	[tilespmem:s0+$0x6730] =	vst v0;
	(pc) =	sbr.rel @p1 .LBB2_2-.Ltmp0, $4  }
0x26: {  	[tilespmem:s0+$0x6740] =	vst v0  }
0x27: {  	[tilespmem:s0+$0x6750] =	vst v0  }
0x28: {  	[tilespmem:s0+$0x6760] =	vst v0  }
0x29: {  	[tilespmem:s0+$0x6770] =	vst v0;
	s0 =	sshra.s32 s28, $0x2;
	s28 =	sadd.s32 $0x200, s28  }
0x2a: {  	[tilespmem:s0+$0x6780] =	vst v0  }
0x2b: {  	[tilespmem:s0+$0x6710] =	vst v0  }
0x2c: {  	[tilespmem:s0+$0x6720] =	vst v0  }
0x2d: {  	[tilespmem:s0+$0x6730] =	vst v0  }
0x2e: {  	[tilespmem:s0+$0x6740] =	vst v0  }
0x2f: {  	[tilespmem:s0+$0x6750] =	vst v0  }
0x30: {  	[tilespmem:s0+$0x6760] =	vst v0  }
0x31: {  	[tilespmem:s0+$0x6770] =	vst v0  }
0x32: {  	[spmem:s8] =	stream.linear.scatter [tilespmem:s16], [sflag:$0x3], $0x2800, $0x38;
	[tilespmem:$0x1F000] =	vst v63  }
0x33: {  	_ =	swait.ge [sflag:s25], $0x2800  }
0x34: {  	[sflag:s25] =	ssyncset.done $0x0  }
0x35: {  	[sflag:s25] =	ssyncadd.s32 $0xFFFFD800  }
0x36: {  	[spmem:s9] =	stream.linear.scatter [tilespmem:s16], [sflag:$0x3], $0x2800, $0x38;
	[tilespmem:$0x1F000] =	vst v63  }
0x37: {  	_ =	swait.ge [sflag:s25], $0x2800  }
0x38: {  	[sflag:s25] =	ssyncset.done $0x0  }
0x39: {  	[sflag:s25] =	ssyncadd.s32 $0xFFFFD800  }
0x3a: {  	[spmem:s10] =	stream.linear.scatter [tilespmem:s16], [sflag:$0x3], $0x2800, $0x38;
	[tilespmem:$0x1F000] =	vst v63  }
0x3b: {  	_ =	swait.ge [sflag:s25], $0x2800  }
0x3c: {  	[sflag:s25] =	ssyncset.done $0x0  }
0x3d: {  	[sflag:s25] =	ssyncadd.s32 $0xFFFFD800  }
0x3e: {  	[spmem:s11] =	stream.linear.scatter [tilespmem:s16], [sflag:$0x3], $0x2800, $0x38;
	[tilespmem:$0x1F000] =	vst v63  }
0x3f: {  	_ =	swait.ge [sflag:s25], $0x2800  }
0x40: {  	[sflag:s25] =	ssyncset.done $0x0  }
0x41: {  	[sflag:s25] =	ssyncadd.s32 $0xFFFFD800  }
0x42: {  	[spmem:s12] =	stream.linear.scatter [tilespmem:s16], [sflag:$0x3], $0x2800, $0x38;
	[tilespmem:$0x1F000] =	vst v63  }
0x43: {  	_ =	swait.ge [sflag:s25], $0x2800  }
0x44: {  	[sflag:s25] =	ssyncset.done $0x0  }
0x45: {  	[sflag:s25] =	ssyncadd.s32 $0xFFFFD800  }
0x46: {  	[spmem:s13] =	stream.linear.scatter [tilespmem:s16], [sflag:$0x3], $0x2800, $0x38;
	[tilespmem:$0x1F000] =	vst v63  }
0x47: {  	_ =	swait.ge [sflag:s25], $0x2800  }
0x48: {  	[sflag:s25] =	ssyncset.done $0x0  }
0x49: {  	[sflag:s25] =	ssyncadd.s32 $0xFFFFD800  }
0x4a: {  	[spmem:s14] =	stream.linear.scatter [tilespmem:s16], [sflag:$0x3], $0x2800, $0x38;
	[tilespmem:$0x1F000] =	vst v63  }
0x4b: {  	_ =	swait.ge [sflag:s25], $0x2800  }
0x4c: {  	[sflag:s25] =	ssyncset.done $0x0  }
0x4d: {  	s0 =	simm.s32 @!p0 $0x6780;
	[sflag:s25] =	ssyncadd.s32 $0xFFFFD800  }
0x4e: {  	[spmem:s15] =	stream.linear.scatter @!p0 [tilespmem:s0], [sflag:$0x3], $0x2800, $0x38;
	[tilespmem:$0x1F000] =	vst v63  }
0x4f: {  	s0 =	simm.s32 @!p0 $0x3  }
0x50: {  	_ =	swait.ge @!p0 [sflag:s0], $0x2800  }
0x51: {  	s6 =	simm.s32 $0x80;
	s28 =	simm.s32 $0x400;
	[sflag:s0] =	ssyncset.done @!p0 $0x0  }
0x52: {  	s5 =	rddreg [dreg:$0x3];
	[sflag:s0] =	ssyncadd.s32 @!p0 $0xFFFFD800;
	s0 =	simm.s32 $0x0  }
0x53: {  	[tilespmem:s0], [sflag:$0x3] =	stream.strided.gather [hbm4b:s5+s6], $0x2780, s28, s6, $0x38;
	[tilespmem:$0x1F000] =	vst v63  }
0x54: {  	_ =	swait.ge [sflag:s25], $0x2780  }
0x55: {  	[sflag:s25] =	ssyncset.done $0x0  }
0x56: {  	s6 =	simm.s32 $0x2780;
	s5 =	rddreg [dreg:$0x4];
	[sflag:s25] =	ssyncadd.s32 $0xFFFFD880  }
0x57: {  	[tilespmem:s6], [sflag:$0x3] =	stream.linear.gather [hbm4b:s5+s0], $0x3E80, $0x38;
	[tilespmem:$0x1F000] =	vst v63  }
0x58: {  	_ =	swait.ge [sflag:s25], $0x3E80  }
0x59: {  	[sflag:s25] =	ssyncset.done $0x0  }
0x5a: {  	[sflag:s25] =	ssyncadd.s32 $0xFFFFC180  }
0x5b: {  	[bflag:$0x0] =	sbarrier.arrive $0xFFFF  }
0x5c: {  	[tilespmem:s16], [sflag:$0x1] =	stream.indirect.gather [hbm4b:s4+s30], $0x80, s0, s30, $0xb8;
	[tilespmem:$0x1F000] =	vst v63  }
0x5d: {  	_ = 	snop  }
0x5e: {  	[tilespmem:s31], [sflag:$0x2] =	stream.indirect.gather [hbm4b:s4+s30], $0x80, s30, s30, $0xb8;
	[tilespmem:$0x1F000] =	vst v63  }
0x5f: {  	_ =	swait.ge [sflag:s1], $0x2800  }
0x60: {  	[sflag:s1] =	ssyncset.done $0x0  }
0x61: {  	s6 =	simm.s32 $0x2780;
	[sflag:s1] =	ssyncadd.s32 $0xFFFFD800  }
0x62: {  	[spmem:s2] =	stream.indirect.scatter.add.f32 [tilespmem:s16], [sflag:$0x3], $0x80, s6, s30, $0xb8;
	[tilespmem:$0x1F000] =	vst v63  }
0x63: {  	_ =	swait.ge [sflag:s25], $0x2800  }
0x64: {  	[sflag:s25] =	ssyncset.done $0x0  }
0x65: {  	s5 =	simm.s32 $0xA0;
	[sflag:s25] =	ssyncadd.s32 $0xFFFFD800  }
0x66: {  	[tilespmem:s16], [sflag:$0x1] =	stream.indirect.gather [hbm4b:s4+s30], $0x80, s5, s30, $0xb8;
	[tilespmem:$0x1F000] =	vst v63  }
0x67: {  	_ =	swait.ge [sflag:s26], $0x2800  }
0x68: {  	[sflag:s26] =	ssyncset.done $0x0  }
0x69: {  	s6 =	simm.s32 $0x2800;
	[sflag:s26] =	ssyncadd.s32 $0xFFFFD800  }
0x6a: {  	[spmem:s2] =	stream.indirect.scatter.add.f32 [tilespmem:s31], [sflag:$0x3], $0x80, s6, s30, $0xb8;
	[tilespmem:$0x1F000] =	vst v63  }
0x6b: {  	_ =	swait.ge [sflag:s25], $0x2800  }
0x6c: {  	s29 =	simm.s32 $0xF0;
	[sflag:s25] =	ssyncset.done $0x0  }
0x6d: {  	s28 =	simm.s32 $0x400;
	s0 =	simm.s32 $0x190;
	[sflag:s25] =	ssyncadd.s32 $0xFFFFD800  }
.LBB2_4:
0x6e: {  	[tilespmem:s31], [sflag:$0x2] =	stream.indirect.gather [hbm4b:s4+s30], $0x80, s29, s30, $0xb8;
	[tilespmem:$0x1F000] =	vst v63  }
0x6f: {  	s5 =	smov.u32 s28;
	s29 =	smov.u32 s0  }
0x70: {  	p1 =	sne.s32 s28, $0xF000;
	s28 =	sadd.s32 $0x400, s28;
	_ =	swait.ge [sflag:s1], $0x2800  }
0x71: {  	s5 =	sshra.s32 s5, $0x2;
	[sflag:s1] =	ssyncset.done $0x0  }
0x72: {  	s6 =	sadd.s32 $0x2780, s5;
	[sflag:s1] =	ssyncadd.s32 $0xFFFFD800  }
0x73: {  	[spmem:s2] =	stream.indirect.scatter.add.f32 [tilespmem:s16], [sflag:$0x3], $0x80, s6, s30, $0xb8;
	[tilespmem:$0x1F000] =	vst v63  }
0x74: {  	_ =	swait.ge [sflag:s25], $0x2800  }
0x75: {  	[sflag:s25] =	ssyncset.done $0x0  }
0x76: {  	s6 =	sadd.s32 $0xFFFFFFB0, s0;
	[sflag:s25] =	ssyncadd.s32 $0xFFFFD800  }
0x77: {  	[tilespmem:s16], [sflag:$0x1] =	stream.indirect.gather [hbm4b:s4+s30], $0x80, s6, s30, $0xb8;
	[tilespmem:$0x1F000] =	vst v63  }
0x78: {  	_ =	swait.ge [sflag:s26], $0x2800  }
0x79: {  	[sflag:s26] =	ssyncset.done $0x0  }
.Ltmp1:
0x7a: {  	s5 =	sadd.s32 $0x2800, s5;
	[sflag:s26] =	ssyncadd.s32 $0xFFFFD800;
	(pc) =	sbr.rel @p1 .LBB2_4-.Ltmp1, $4  }
0x7b: {  	[spmem:s2] =	stream.indirect.scatter.add.f32 [tilespmem:s31], [sflag:$0x3], $0x80, s5, s30, $0xb8;
	[tilespmem:$0x1F000] =	vst v63  }
0x7c: {  	_ =	swait.ge [sflag:s25], $0x2800  }
0x7d: {  	[sflag:s25] =	ssyncset.done $0x0  }
0x7e: {  	s0 =	sadd.s32 $0xA0, s0;
	[sflag:s25] =	ssyncadd.s32 $0xFFFFD800  }
0x7f: {  	[tilespmem:s31], [sflag:$0x2] =	stream.indirect.gather [hbm4b:s4+s30], $0x80, s29, s30, $0xb8;
	[tilespmem:$0x1F000] =	vst v63  }
0x80: {  	_ =	swait.ge [sflag:s1], $0x2800  }
0x81: {  	[sflag:s1] =	ssyncset.done $0x0  }
0x82: {  	s0 =	simm.s32 $0x6480;
	[sflag:s1] =	ssyncadd.s32 $0xFFFFD800  }
0x83: {  	[spmem:s2] =	stream.indirect.scatter.add.f32 [tilespmem:s16], [sflag:$0x3], $0x80, s0, s30, $0xb8;
	[tilespmem:$0x1F000] =	vst v63  }
0x84: {  	_ =	swait.ge [sflag:s25], $0x2800  }
0x85: {  	[sflag:s25] =	ssyncset.done $0x0  }
0x86: {  	s6 =	simm.s32 $0x26C0;
	[sflag:s25] =	ssyncadd.s32 $0xFFFFD800  }
0x87: {  	[tilespmem:s16], [sflag:$0x1] =	stream.indirect.gather [hbm4b:s4+s30], $0x80, s6, s30, $0xb8;
	[tilespmem:$0x1F000] =	vst v63  }
0x88: {  	_ =	swait.ge [sflag:s26], $0x2800  }
0x89: {  	[sflag:s26] =	ssyncset.done $0x0  }
0x8a: {  	s28 =	simm.s32 $0x6500;
	[sflag:s26] =	ssyncadd.s32 $0xFFFFD800  }
0x8b: {  	[spmem:s2] =	stream.indirect.scatter.add.f32 [tilespmem:s31], [sflag:$0x3], $0x80, s28, s30, $0xb8;
	[tilespmem:$0x1F000] =	vst v63  }
0x8c: {  	_ =	swait.ge [sflag:s25], $0x2800  }
0x8d: {  	[sflag:s25] =	ssyncset.done $0x0  }
0x8e: {  	[sflag:s25] =	ssyncadd.s32 $0xFFFFD800  }
0x8f: {  	_ =	swait.ge [sflag:s1], $0x2800  }
0x90: {  	[sflag:s1] =	ssyncset.done $0x0  }
0x91: {  	s29 =	simm.s32 $0x6580;
	[sflag:s1] =	ssyncadd.s32 $0xFFFFD800  }
0x92: {  	[spmem:s2] =	stream.indirect.scatter.add.f32 [tilespmem:s16], [sflag:$0x3], $0x80, s29, s30, $0xb8;
	[tilespmem:$0x1F000] =	vst v63  }
0x93: {  	_ =	swait.ge [sflag:s25], $0x2800  }
0x94: {  	s5 =	stileid.u32;
	[sflag:s25] =	ssyncset.done $0x0  }
0x95: {  	s0 =	sshll.u32 s5, $0x6;
	[sflag:s25] =	ssyncadd.s32 $0xFFFFD800  }
0x96: {  	s5 =	sshrl.u32 s8, $0x3;
	s0 =	sor.u32 $0x1C03, s0;
	[bflag:$0x0] =	sbarrier.arrive $0xFFFF  }
0x97: {  	[hbm:s17], [sflag:s0] =	dma.local [spmem:s5], $0x500  }
0x98: {  	_ =	swait.ge [sflag:s25], $0x500  }
0x99: {  	[sflag:s25] =	ssyncset.done $0x0  }
0x9a: {  	s6 =	sshrl.u32 s9, $0x3;
	[sflag:s25] =	ssyncadd.s32 $0xFFFFFB00  }
0x9b: {  	[hbm:s18], [sflag:s0] =	dma.local [spmem:s6], $0x500  }
0x9c: {  	_ =	swait.ge [sflag:s25], $0x500  }
0x9d: {  	[sflag:s25] =	ssyncset.done $0x0  }
0x9e: {  	s28 =	sshrl.u32 s10, $0x3;
	[sflag:s25] =	ssyncadd.s32 $0xFFFFFB00  }
0x9f: {  	[hbm:s19], [sflag:s0] =	dma.local [spmem:s28], $0x500  }
0xa0: {  	_ =	swait.ge [sflag:s25], $0x500  }
0xa1: {  	[sflag:s25] =	ssyncset.done $0x0  }
0xa2: {  	s29 =	sshrl.u32 s11, $0x3;
	[sflag:s25] =	ssyncadd.s32 $0xFFFFFB00  }
0xa3: {  	[hbm:s20], [sflag:s0] =	dma.local [spmem:s29], $0x500  }
0xa4: {  	_ =	swait.ge [sflag:s25], $0x500  }
0xa5: {  	[sflag:s25] =	ssyncset.done $0x0  }
0xa6: {  	s6 =	sshrl.u32 s12, $0x3;
	[sflag:s25] =	ssyncadd.s32 $0xFFFFFB00  }
0xa7: {  	[hbm:s21], [sflag:s0] =	dma.local [spmem:s6], $0x500  }
0xa8: {  	_ =	swait.ge [sflag:s25], $0x500  }
0xa9: {  	[sflag:s25] =	ssyncset.done $0x0  }
0xaa: {  	s28 =	sshrl.u32 s13, $0x3;
	[sflag:s25] =	ssyncadd.s32 $0xFFFFFB00  }
0xab: {  	[hbm:s22], [sflag:s0] =	dma.local [spmem:s28], $0x500  }
0xac: {  	_ =	swait.ge [sflag:s25], $0x500  }
0xad: {  	[sflag:s25] =	ssyncset.done $0x0  }
0xae: {  	s29 =	sshrl.u32 s14, $0x3;
	[sflag:s25] =	ssyncadd.s32 $0xFFFFFB00  }
0xaf: {  	[hbm:s23], [sflag:s0] =	dma.local [spmem:s29], $0x500  }
0xb0: {  	_ =	swait.ge [sflag:s25], $0x500  }
0xb1: {  	s3 =	sadd.s32 $0x1, s3;
	[sflag:s25] =	ssyncset.done $0x0  }
0xb2: {  	p1 =	sne.s32 s3, s7;
	s5 =	sshrl.u32 @!p0 s15, $0x3;
	[sflag:s25] =	ssyncadd.s32 $0xFFFFFB00  }
0xb3: {  	[hbm:s24], [sflag:s0] =	dma.local @!p0 [spmem:s5], $0x500  }
.Ltmp2:
0xb4: {  	_ = 	snop;
	(pc) =	sbr.rel @p1 .LBB2_1-.Ltmp2, $4  }
0xb5: {  	s0 =	simm.s32 @!p0 $0x3  }
0xb6: {  	_ =	swait.ge @!p0 [sflag:s0], $0x500  }
0xb7: {  	[sflag:s0] =	ssyncset.done @!p0 $0x0  }
0xb8: {  	[sflag:s0] =	ssyncadd.s32 @!p0 $0xFFFFFB00  }
0xb9: {  	_ =	sfence.sel $0x180000  }
0xba: {  	[bflag:$0x0] =	sbarrier.arrive $0xFFFF  }
0xbb: {  	_ =	strace $0x9000004A  }
0xbc: {  	s0 =	stileid.u32;
	[bflag:$0x2] =	sbarrier.arrive $0xFFFF  }
0xbd: {  	p0 =	sne.s32 s0, $0x0;
	s0 =	rddreg [dreg:$0x2]  }
0xbe: {  	s0 =	sadd.s32 @!p0 $0x100000, s0  }
0xbf: {  	[sflag:s0] =	ssyncadd.tile.s32 @!p0 $0x1;
	_ =	shalt  }
.Lfunc_end2:
_tile_overlayer_lowered:
.L_overlay_start_2:
0xc0: {  	(tag) =	ssettag $0x2  }
0xc1: {  	s0 =	rddreg [dreg:$0x0];
	s2 =	stileid.u32  }
0xc2: {  	s1 =	rddreg [dreg:$0x1];
	p0 =	sne.s32 s2, $0x0  }
0xc3: {  	s3 =	rddreg [dreg:$0x2];
	[bflag:$0x3] =	sbarrier.arrive $0xFFFF;
	s2 =	simm.s32 @!p0 $0x1C03  }
0xc4: {  	[timem:s3], [sflag:s2] =	dma.local @!p0 [hbm:s0], s1  }
0xc5: {  	s0 =	simm.s32 @!p0 $0x3  }
0xc6: {  	_ =	swait.ge @!p0 [sflag:s0], s1  }
0xc7: {  	s1 =	ssub.s32 @!p0 $0x0, s1;
	[sflag:s0] =	ssyncset.done @!p0 $0x0  }
0xc8: {  	[sflag:s0] =	ssyncadd.s32 @!p0 s1  }
0xc9: {  	[bflag:$0x3] =	sbarrier.arrive $0xFFFF  }
0xca: {  	_ =	shalt  }

// kernel: kernel.14.cloned.1.call-start
scs
__scs_entry_jumppad:
0x0: {  	(pc) =	sbr.rel $0x88, $3  }
0x1: {  	(tag) =	ssettag $0x0;
	lr =	simm.s32 $0x1  }
0x2: {  	[smem:$0x3F94] =	sst lr;
	_ =	strace $0xD0000000  }
0x3: {  	_ = 	snop  }
0x4: {  	_ = 	snop  }
0x5: {  	_ = 	snop  }
0x6: {  	_ = 	snop  }
0x7: {  	_ = 	snop  }
__scs_overlays_trampoline_lowered:
0x8: {  	[smem:$0x3FA3] =	sst s0  }
0x9: {  	[smem:$0x3FA4] =	sst s1  }
0xa: {  	[smem:$0x3FA5] =	sst s2  }
0xb: {  	[smem:$0x3FA6] =	sst s3  }
0xc: {  	[smem:$0x3FA7] =	sst s4  }
0xd: {  	[smem:$0x3FA8] =	sst s5  }
0xe: {  	[smem:$0x3FA9] =	sst s6  }
0xf: {  	[smem:$0x3FAA] =	sst s7  }
0x10: {  	[smem:$0x3FAB] =	sst s8  }
0x11: {  	[smem:$0x3FAC] =	sst s9;
	s0 =	simm.s32 @!p0 $0x0  }
0x12: {  	s1 =	sld [smem:$0x3F92];
	s0 =	simm.s32 @p0 $0x1  }
0x13: {  	[smem:$0x3FAD] =	sst s0;
	s0 =	simm.s32 @!p1 $0x0  }
0x14: {  	s2 =	sld [smem:$0x3F91];
	s0 =	simm.s32 @p1 $0x1  }
0x15: {  	[smem:$0x3FAE] =	sst s0;
	s0 =	simm.s32 @!p2 $0x0  }
0x16: {  	s3 =	sld [smem:$0x3FDB];
	s0 =	simm.s32 @p2 $0x1  }
0x17: {  	s4 =	simm.s32 $0x1BF5;
	[smem:$0x3FB0] =	sst s0  }
0x18: {  	s0 =	sld [smem:$0x3F93];
	_ =	swait.ge [sflag:s4], $0x0  }
0x19: {  	s7 =	sld [smem:$0x3F94]  }
0x1a: {  	s8 =	sadd.s32 $0xFFFFE003, lr  }
0x1b: {  	s9 =	sadd.s32 $0xFFFFFEF7, lr;
	s5 =	simm.s32 $0xFFFFFFFF;
	p2 =	slt.u32 s8, $0xFFFFF086  }
0x1c: {  	p1 =	slt.u32 s9, $0xF7A;
	s5 =	simm.s32 @!p2 $0x0  }
0x1d: {  	s5 =	simm.s32 @p1 $0x1;
	p0 =	seq.s32 s7, s2  }
0x1e: {  	s7 =	smul.u32 @!p0 $0xF7A, s2;
	p2 =	seq.s32 @!p0 s5, $0x0  }
0x1f: {  	s9 =	smul.u32 $0xF7A, s1;
	s8 =	simm.s32 @!p0 $0x1BF5;
	p2 =	por !p2, p0  }
0x20: {  	[sflag:s8] =	ssyncset.s32 @!p0 $0xFFFFF086;
	s6 =	sadd.s32 @!p0 s3, s7;
	s7 =	simm.s32 @!p0 $0x108  }
0x21: {  	s3 =	sadd.s32 s3, s9;
	s6 =	sadd.s32 @!p0 $0x88, s6;
	s7 =	simm.s32 @p2 $0x1082  }
0x22: {  	[simem:s7], [sflag:s8] =	dma.local @!p0 [hbm:s6], $0xF7A  }
0x23: {  	s9 =	sor.u32 $0xD0000000, s2;
	s6 =	simm.s32 $0x108;
	_ =	swait.ge @!p0 [sflag:s8], $0x0  }
0x24: {  	s3 =	sadd.s32 $0x88, s3;
	s6 =	simm.s32 @!p1 $0x1082;
	[sflag:s4] =	ssyncset.s32 $0xFFFFF086  }
0x25: {  	[simem:s6], [sflag:s4] =	dma.local [hbm:s3], $0xF7A  }
0x26: {  	[smem:$0x3F94] =	sst s1;
	(tag) =	ssettag s2;
	_ =	strace s9  }
0x27: {  	s1 =	sld [smem:$0x3FA4]  }
0x28: {  	s2 =	sld [smem:$0x3FA5]  }
0x29: {  	s4 =	sld [smem:$0x3FA7]  }
0x2a: {  	p0 =	seq.s32 s5, $0x0;
	s5 =	sld [smem:$0x3FA8]  }
0x2b: {  	s6 =	sld [smem:$0x3FA9]  }
0x2c: {  	s7 =	sld [smem:$0x3FAA]  }
0x2d: {  	s3 =	simm.s32 $0x108;
	s8 =	sld [smem:$0x3FAB]  }
0x2e: {  	s3 =	simm.s32 @!p0 $0x1082;
	s9 =	sld [smem:$0x3FAC]  }
0x2f: {  	lr =	sadd.s32 s0, s3;
	s0 =	sld [smem:$0x3FA3]  }
0x30: {  	s3 =	sld [smem:$0x3FA6]  }
0x31: {  	[smem:$0x3FAF] =	sst s10  }
0x32: {  	s10 =	sld [smem:$0x3FAD];
	_ =	sdelay $0x3  }
0x33: {  	p0 =	seq.s32 s10, $0x1;
	s10 =	sld [smem:$0x3FAF];
	_ =	sdelay $0x3  }
0x34: {  	[smem:$0x3FAF] =	sst s10  }
0x35: {  	s10 =	sld [smem:$0x3FAE];
	_ =	sdelay $0x3  }
0x36: {  	p1 =	seq.s32 s10, $0x1;
	s10 =	sld [smem:$0x3FAF];
	_ =	sdelay $0x3  }
0x37: {  	[smem:$0x3FAF] =	sst s10  }
0x38: {  	s10 =	sld [smem:$0x3FB0]  }
0x39: {  	_ = 	snop;
	(pc) =	sbr.ind lr, $3  }
0x3a: {  	_ = 	snop  }
0x3b: {  	_ = 	snop  }
0x3c: {  	p2 =	seq.s32 s10, $0x1;
	s10 =	sld [smem:$0x3FAF]  }
0x3d: {  	_ =	shalt  }
0x3e: {  	_ =	shalt  }
0x3f: {  	_ =	shalt  }
0x40: {  	_ =	shalt  }
0x41: {  	_ =	shalt  }
0x42: {  	_ =	shalt  }
0x43: {  	_ =	shalt  }
0x44: {  	_ =	shalt  }
0x45: {  	_ =	shalt  }
0x46: {  	_ =	shalt  }
0x47: {  	_ =	shalt  }
0x48: {  	_ =	shalt  }
0x49: {  	_ =	shalt  }
0x4a: {  	_ =	shalt  }
0x4b: {  	_ =	shalt  }
0x4c: {  	_ =	shalt  }
0x4d: {  	_ =	shalt  }
0x4e: {  	_ =	shalt  }
0x4f: {  	_ =	shalt  }
0x50: {  	_ =	shalt  }
0x51: {  	_ =	shalt  }
0x52: {  	_ =	shalt  }
0x53: {  	_ =	shalt  }
0x54: {  	_ =	shalt  }
0x55: {  	_ =	shalt  }
0x56: {  	_ =	shalt  }
0x57: {  	_ =	shalt  }
0x58: {  	_ =	shalt  }
0x59: {  	_ =	shalt  }
0x5a: {  	_ =	shalt  }
0x5b: {  	_ =	shalt  }
0x5c: {  	_ =	shalt  }
0x5d: {  	_ =	shalt  }
0x5e: {  	_ =	shalt  }
0x5f: {  	_ =	shalt  }
0x60: {  	_ =	shalt  }
0x61: {  	_ =	shalt  }
0x62: {  	_ =	shalt  }
0x63: {  	_ =	shalt  }
0x64: {  	_ =	shalt  }
0x65: {  	_ =	shalt  }
0x66: {  	_ =	shalt  }
0x67: {  	_ =	shalt  }
0x68: {  	_ =	shalt  }
0x69: {  	_ =	shalt  }
0x6a: {  	_ =	shalt  }
0x6b: {  	_ =	shalt  }
0x6c: {  	_ =	shalt  }
0x6d: {  	_ =	shalt  }
0x6e: {  	_ =	shalt  }
0x6f: {  	_ =	shalt  }
0x70: {  	_ =	shalt  }
0x71: {  	_ =	shalt  }
0x72: {  	_ =	shalt  }
0x73: {  	_ =	shalt  }
0x74: {  	_ =	shalt  }
0x75: {  	_ =	shalt  }
0x76: {  	_ =	shalt  }
0x77: {  	_ =	shalt  }
0x78: {  	_ =	shalt  }
0x79: {  	_ =	shalt  }
0x7a: {  	_ =	shalt  }
0x7b: {  	_ =	shalt  }
0x7c: {  	_ =	shalt  }
0x7d: {  	_ =	shalt  }
0x7e: {  	_ =	shalt  }
0x7f: {  	_ =	shalt  }
0x80: {  	_ =	shalt  }
0x81: {  	_ =	shalt  }
0x82: {  	_ =	shalt  }
0x83: {  	_ =	shalt  }
0x84: {  	_ =	shalt  }
0x85: {  	_ =	shalt  }
0x86: {  	_ =	shalt  }
0x87: {  	_ =	shalt  }
.Lfunc_end0:
.L_simem_size_0:
called_computation.2_lowered:
.L_overlay_start_0:
0x88: {  	s2 =	sld [smem:$0x3FD9]  }
0x89: {  	s3 =	sld [smem:$0x3FFE];
	_ =	sdelay $0x1  }
0x8a: {  	s1 =	srdreg.scid  }
0x8b: {  	s0 =	sand.u32 $0x1, s1  }
0x8c: {  	s16 =	sshll.u32 s0, $0xA;
	s2 =	sadd.s32 s3, s2  }
0x8d: {  	s2 =	sadd.s32 s2, s16  }
0x8e: {  	[smem:$0x3FBB] =	sst s2  }
0x8f: {  	_ = 	snop  }
0x90: {  	(tm) =	ssettm $0x1  }
0x91: {  	s17 =	sld [smem:$0x3FFB];
	_ =	sdelay $0x3  }
0x92: {  	_ =	strace s17  }
0x93: {  	s2 =	sld [smem:$0x3FFC];
	_ =	sdelay $0x3  }
0x94: {  	_ =	strace s2  }
0x95: {  	s2 =	sld [smem:$0x3FFD];
	_ =	sdelay $0x3  }
0x96: {  	_ =	strace s2  }
0x97: {  	_ =	strace $0x8FFFFFFF  }
0x98: {  	s18 =	sld [smem:$0x3FDB];
	_ =	sdelay $0x1  }
0x99: {  	s19 =	simm.s32 $_scs_section_size  }
0x9a: {  	s4 =	simm.s32 $_size__tile_overlayer_lowered;
	s5 =	simm.s32 $_tile_overlayer_lowered  }
0x9b: {  	s22 =	simm.s32 $0x1BFF;
	s21 =	sshll.u32 s5, $0x1;
	s2 =	sadd.s32 s19, s18  }
0x9c: {  	s6 =	simm.s32 $0x0;
	s20 =	sshll.u32 s4, $0x1;
	s4 =	sadd.s32 s21, s2  }
0x9d: {  	[timem:s6], [sflag:s22] =	dma.local [hbm:s4], s20  }
0x9e: {  	_ =	swait.ge [sflag:s22], s20  }
0x9f: {  	s3 =	ssub.s32 $0x0, s20;
	[sflag:s22] =	ssyncset.done $0x0  }
0xa0: {  	[sflag:s22] =	ssyncadd.s32 s3;
	_ =	sdelay $0x1  }
0xa1: {  	s23 =	simm.s32 $0x1B8B  }
0xa2: {  	_ =	swait.ge [sflag:s23], $0x1  }
0xa3: {  	[sflag:s23] =	ssyncset.done $0x0  }
0xa4: {  	s25 =	simm.s32 $0x1B8E;
	s24 =	sld [smem:$0x3FFE];
	[sflag:s23] =	ssyncadd.s32 $0xFFFFFFFF  }
0xa5: {  	s26 =	simm.s32 $execute0_lowered;
	[smem:$0x3FD2] =	sst s25  }
0xa6: {  	s4 =	sshll.u32 s26, $0x1;
	_ =	strace $0x8000004C;
	[dreg:$0x1] =	wrdreg $0xFFFFFFFF  }
0xa7: {  	s28 =	simm.s32 $_size_execute0_lowered;
	s2 =	sadd.s32 s2, s4;
	[dreg:$0x0] =	wrdreg $0x0  }
0xa8: {  	s4 =	sshll.u32 s28, $0x1;
	[dreg:$0x2] =	wrdreg s2  }
0xa9: {  	[dreg:$0x3] =	wrdreg s4  }
0xaa: {  	[dreg:$0x4] =	wrdreg $0xC0  }
0xab: {  	_ =	task [dreg:s6], $0x5FFFF  }
0xac: {  	[dreg:$0x1] =	wrdreg $0xFFFFFFFF  }
0xad: {  	[dreg:$0x0] =	wrdreg $0x60  }
0xae: {  	[dreg:$0x2] =	wrdreg s24  }
0xaf: {  	[dreg:$0x3] =	wrdreg $0xB7800  }
0xb0: {  	[dreg:$0x4] =	wrdreg $0x9  }
0xb1: {  	_ =	task.clear_ibuf [dreg:s6], $0x5FFFF;
	_ =	strace $0x9000004C  }
0xb2: {  	s29 =	simm.s32 $0x9;
	_ =	strace $0x8000004E  }
0xb3: {  	_ =	swait.ge [sflag:s29], $0x1  }
0xb4: {  	[sflag:s29] =	ssyncadd.s32 $0xFFFFFFFF  }
0xb5: {  	_ =	strace $0x9000004E  }
0xb6: {  	_ =	sfence  }
0xb7: {  	s30 =	sld [smem:$0x0];
	_ =	sdelay $0x2  }
0xb8: {  	s31 =	sshll.u32 s1, $0xD;
	s1 =	sshrl.u32 s1, $0x2  }
0xb9: {  	s3 =	sand.u32 $0x4000, s31;
	s1 =	sadd.s32 s1, s30  }
0xba: {  	s0 =	sor.u32 s3, s0;
	s1 =	sshll.u32 s1, $0x11  }
0xbb: {  	s0 =	sor.u32 s1, s0  }
0xbc: {  	s0 =	sadd.s32 $0x8F2B, s0  }
0xbd: {  	[sflag:s0] =	ssyncadd.remote.s32 $0x1  }
0xbe: {  	_ =	sfence.sel $0xFFFF  }
0xbf: {  	[dreg:$0x0] =	wrdreg $0xFFFFFFFF;
	(pc) =	sbr.abs _section_cstart, $3  }
0xc0: {  	[dreg:$0x1] =	wrdreg $0xFFFFFFFF  }
0xc1: {  	_ =	task.clear_ibuf [dreg:s6], $0x2FFFF;
	_ =	strace $0x9FFFFFFF  }
0xc2: {  	(tm) =	ssettm $0x7FFFFFFF  }
0xc3: {  	_ =	shalt  }
tec
execute0_lowered:
.L_overlay_start_1:
0x0: {  	(tag) =	ssettag $0x1  }
0x1: {  	s0 =	srdreg.scid;
	s23 =	stileid.u32  }
0x2: {  	s0 =	sand.u32 $0x1, s0;
	s8 =	smul.u32 $0xA000, s23  }
0x3: {  	s10 =	sor.u32 $0x10, s23;
	s7 =	smul.u32 $0x27100, s0  }
0x4: {  	s11 =	sor.u32 $0x20, s23;
	s9 =	smul.u32 $0xA000, s10  }
0x5: {  	s13 =	sor.u32 $0x30, s23;
	s12 =	smul.u32 $0xA000, s11  }
0x6: {  	s15 =	sor.u32 $0x40, s23;
	s14 =	smul.u32 $0xA000, s13  }
0x7: {  	s17 =	sor.u32 $0x50, s23;
	s16 =	smul.u32 $0xA000, s15  }
0x8: {  	s19 =	sor.u32 $0x60, s23;
	s18 =	smul.u32 $0xA000, s17  }
0x9: {  	s21 =	sor.u32 $0x70, s23;
	s20 =	smul.u32 $0xA000, s19  }
0xa: {  	s1 =	rddreg [dreg:$0x0];
	s22 =	smul.u32 $0xA000, s21  }
0xb: {  	s2 =	rddreg [dreg:$0x1];
	s24 =	smul.u32 $0x500, s10  }
0xc: {  	s31 =	simm.s32 $0x8F80;
	s6 =	sshll.u32 s23, $0x7;
	s25 =	smul.u32 $0x500, s11  }
0xd: {  	s3 =	sshll.u32 s0, $0x4;
	s6 =	sand.u32 $0x380, s6;
	s26 =	smul.u32 $0x500, s13  }
0xe: {  	s0 =	ssub.s32 $0x2, s0;
	s30 =	smul.u32 $0x500, s19;
	p0 =	sgt.u32 s21, $0x7C  }
0xf: {  	s4 =	sor.u32 s23, s3;
	s3 =	simm.s32 $0x0;
	s29 =	sshrl.u32 s0, $0x1  }
0x10: {  	s8 =	sshrl.u32 s8, $0x2;
	s23 =	smul.u32 $0x500, s23;
	s5 =	sshrl.u32 s4, $0x3  }
0x11: {  	[smem:$0x7FF] =	sst s3;
	s28 =	sshll.u32 s4, $0xB;
	s4 =	sadd.s32 $0x1D600, s1  }
0x12: {  	s0 =	ssub.s32 s0, s29;
	s8 =	sadd.s32 s8, s2;
	s9 =	sshrl.u32 s9, $0x2  }
0x13: {  	s12 =	sshrl.u32 s12, $0x2;
	s14 =	sshrl.u32 s14, $0x2;
	s16 =	sshrl.u32 s16, $0x2  }
0x14: {  	s18 =	sshrl.u32 s18, $0x2;
	s20 =	sshrl.u32 s20, $0x2;
	s29 =	smul.u32 $0x500, s17  }
0x15: {  	s22 =	sshrl.u32 s22, $0x2;
	s5 =	smul.u32 $0x13C00, s5;
	_ =	strace $0x8000004D  }
0x16: {  	s9 =	sadd.s32 s9, s2;
	s10 =	sadd.s32 s12, s2;
	s11 =	sadd.s32 s14, s2  }
0x17: {  	s12 =	sadd.s32 s16, s2;
	s13 =	sadd.s32 s18, s2;
	s14 =	sadd.s32 s20, s2  }
0x18: {  	s16 =	simm.s32 $0x6780;
	s5 =	sor.u32 s6, s5;
	s6 =	sadd.s32 s28, s1  }
0x19: {  	s28 =	smul.u32 $0x500, s15;
	s15 =	sadd.s32 s22, s2;
	s5 =	sshrl.u32 s5, $0x3  }
0x1a: {  	s5 =	sadd.s32 s5, s1;
	s1 =	sadd.s32 s7, s1;
	s7 =	sadd.s32 $0x3800, s6  }
0x1b: {  	s5 =	sadd.s32 $0x13800, s5;
	[dreg:$0x4] =	wrdreg s7;
	s1 =	sadd.s32 $0x44800, s1  }
0x1c: {  	s7 =	smax.u32 s0, $0x1;
	s0 =	smul.u32 $0x500, s21;
	[dreg:$0x3] =	wrdreg s5  }
0x1d: {  	s17 =	sadd.s32 s23, s1;
	s18 =	sadd.s32 s24, s1;
	s19 =	sadd.s32 s25, s1  }
0x1e: {  	s20 =	sadd.s32 s26, s1;
	s21 =	sadd.s32 s28, s1;
	s22 =	sadd.s32 s29, s1  }
0x1f: {  	s23 =	sadd.s32 s30, s1;
	s25 =	simm.s32 $0x3;
	s30 =	simm.s32 $0x50  }
0x20: {  	v0 =	vimm.f32 $0.0e+00;
	s26 =	simm.s32 $0x2;
	s24 =	sadd.s32 @!p0 s0, s1;
	s1 =	simm.s32 $0x1  }
.LBB2_1:
0x21: {  	s0 =	simm.s32 $0x70;
	s28 =	simm.s32 $0x3C0  }
.LBB2_2:
0x22: {  	p1 =	sne.s32 s28, $0x9FC0;
	[tilespmem:s0+$0x6780] =	vst v0  }
0x23: {  	[tilespmem:s0+$0x6710] =	vst v0  }
0x24: {  	[tilespmem:s0+$0x6720] =	vst v0  }
.Ltmp0:
0x25: {  	[tilespmem:s0+$0x6730] =	vst v0;
	(pc) =	sbr.rel @p1 .LBB2_2-.Ltmp0, $4  }
0x26: {  	[tilespmem:s0+$0x6740] =	vst v0  }
0x27: {  	[tilespmem:s0+$0x6750] =	vst v0  }
0x28: {  	[tilespmem:s0+$0x6760] =	vst v0  }
0x29: {  	[tilespmem:s0+$0x6770] =	vst v0;
	s0 =	sshra.s32 s28, $0x2;
	s28 =	sadd.s32 $0x200, s28  }
0x2a: {  	[tilespmem:s0+$0x6780] =	vst v0  }
0x2b: {  	[tilespmem:s0+$0x6710] =	vst v0  }
0x2c: {  	[tilespmem:s0+$0x6720] =	vst v0  }
0x2d: {  	[tilespmem:s0+$0x6730] =	vst v0  }
0x2e: {  	[tilespmem:s0+$0x6740] =	vst v0  }
0x2f: {  	[tilespmem:s0+$0x6750] =	vst v0  }
0x30: {  	[tilespmem:s0+$0x6760] =	vst v0  }
0x31: {  	[tilespmem:s0+$0x6770] =	vst v0  }
0x32: {  	[spmem:s8] =	stream.linear.scatter [tilespmem:s16], [sflag:$0x3], $0x2800, $0x38;
	[tilespmem:$0x1F000] =	vst v63  }
0x33: {  	_ =	swait.ge [sflag:s25], $0x2800  }
0x34: {  	[sflag:s25] =	ssyncset.done $0x0  }
0x35: {  	[sflag:s25] =	ssyncadd.s32 $0xFFFFD800  }
0x36: {  	[spmem:s9] =	stream.linear.scatter [tilespmem:s16], [sflag:$0x3], $0x2800, $0x38;
	[tilespmem:$0x1F000] =	vst v63  }
0x37: {  	_ =	swait.ge [sflag:s25], $0x2800  }
0x38: {  	[sflag:s25] =	ssyncset.done $0x0  }
0x39: {  	[sflag:s25] =	ssyncadd.s32 $0xFFFFD800  }
0x3a: {  	[spmem:s10] =	stream.linear.scatter [tilespmem:s16], [sflag:$0x3], $0x2800, $0x38;
	[tilespmem:$0x1F000] =	vst v63  }
0x3b: {  	_ =	swait.ge [sflag:s25], $0x2800  }
0x3c: {  	[sflag:s25] =	ssyncset.done $0x0  }
0x3d: {  	[sflag:s25] =	ssyncadd.s32 $0xFFFFD800  }
0x3e: {  	[spmem:s11] =	stream.linear.scatter [tilespmem:s16], [sflag:$0x3], $0x2800, $0x38;
	[tilespmem:$0x1F000] =	vst v63  }
0x3f: {  	_ =	swait.ge [sflag:s25], $0x2800  }
0x40: {  	[sflag:s25] =	ssyncset.done $0x0  }
0x41: {  	[sflag:s25] =	ssyncadd.s32 $0xFFFFD800  }
0x42: {  	[spmem:s12] =	stream.linear.scatter [tilespmem:s16], [sflag:$0x3], $0x2800, $0x38;
	[tilespmem:$0x1F000] =	vst v63  }
0x43: {  	_ =	swait.ge [sflag:s25], $0x2800  }
0x44: {  	[sflag:s25] =	ssyncset.done $0x0  }
0x45: {  	[sflag:s25] =	ssyncadd.s32 $0xFFFFD800  }
0x46: {  	[spmem:s13] =	stream.linear.scatter [tilespmem:s16], [sflag:$0x3], $0x2800, $0x38;
	[tilespmem:$0x1F000] =	vst v63  }
0x47: {  	_ =	swait.ge [sflag:s25], $0x2800  }
0x48: {  	[sflag:s25] =	ssyncset.done $0x0  }
0x49: {  	[sflag:s25] =	ssyncadd.s32 $0xFFFFD800  }
0x4a: {  	[spmem:s14] =	stream.linear.scatter [tilespmem:s16], [sflag:$0x3], $0x2800, $0x38;
	[tilespmem:$0x1F000] =	vst v63  }
0x4b: {  	_ =	swait.ge [sflag:s25], $0x2800  }
0x4c: {  	[sflag:s25] =	ssyncset.done $0x0  }
0x4d: {  	s0 =	simm.s32 @!p0 $0x6780;
	[sflag:s25] =	ssyncadd.s32 $0xFFFFD800  }
0x4e: {  	[spmem:s15] =	stream.linear.scatter @!p0 [tilespmem:s0], [sflag:$0x3], $0x2800, $0x38;
	[tilespmem:$0x1F000] =	vst v63  }
0x4f: {  	s0 =	simm.s32 @!p0 $0x3  }
0x50: {  	_ =	swait.ge @!p0 [sflag:s0], $0x2800  }
0x51: {  	s6 =	simm.s32 $0x80;
	s28 =	simm.s32 $0x400;
	[sflag:s0] =	ssyncset.done @!p0 $0x0  }
0x52: {  	s5 =	rddreg [dreg:$0x3];
	[sflag:s0] =	ssyncadd.s32 @!p0 $0xFFFFD800;
	s0 =	simm.s32 $0x0  }
0x53: {  	[tilespmem:s0], [sflag:$0x3] =	stream.strided.gather [hbm4b:s5+s6], $0x2780, s28, s6, $0x38;
	[tilespmem:$0x1F000] =	vst v63  }
0x54: {  	_ =	swait.ge [sflag:s25], $0x2780  }
0x55: {  	[sflag:s25] =	ssyncset.done $0x0  }
0x56: {  	s6 =	simm.s32 $0x2780;
	s5 =	rddreg [dreg:$0x4];
	[sflag:s25] =	ssyncadd.s32 $0xFFFFD880  }
0x57: {  	[tilespmem:s6], [sflag:$0x3] =	stream.linear.gather [hbm4b:s5+s0], $0x3E80, $0x38;
	[tilespmem:$0x1F000] =	vst v63  }
0x58: {  	_ =	swait.ge [sflag:s25], $0x3E80  }
0x59: {  	[sflag:s25] =	ssyncset.done $0x0  }
0x5a: {  	[sflag:s25] =	ssyncadd.s32 $0xFFFFC180  }
0x5b: {  	[bflag:$0x0] =	sbarrier.arrive $0xFFFF  }
0x5c: {  	[tilespmem:s16], [sflag:$0x1] =	stream.indirect.gather [hbm4b:s4+s30], $0x80, s0, s30, $0xb8;
	[tilespmem:$0x1F000] =	vst v63  }
0x5d: {  	_ = 	snop  }
0x5e: {  	[tilespmem:s31], [sflag:$0x2] =	stream.indirect.gather [hbm4b:s4+s30], $0x80, s30, s30, $0xb8;
	[tilespmem:$0x1F000] =	vst v63  }
0x5f: {  	_ =	swait.ge [sflag:s1], $0x2800  }
0x60: {  	[sflag:s1] =	ssyncset.done $0x0  }
0x61: {  	s6 =	simm.s32 $0x2780;
	[sflag:s1] =	ssyncadd.s32 $0xFFFFD800  }
0x62: {  	[spmem:s2] =	stream.indirect.scatter.add.f32 [tilespmem:s16], [sflag:$0x3], $0x80, s6, s30, $0xb8;
	[tilespmem:$0x1F000] =	vst v63  }
0x63: {  	_ =	swait.ge [sflag:s25], $0x2800  }
0x64: {  	[sflag:s25] =	ssyncset.done $0x0  }
0x65: {  	s5 =	simm.s32 $0xA0;
	[sflag:s25] =	ssyncadd.s32 $0xFFFFD800  }
0x66: {  	[tilespmem:s16], [sflag:$0x1] =	stream.indirect.gather [hbm4b:s4+s30], $0x80, s5, s30, $0xb8;
	[tilespmem:$0x1F000] =	vst v63  }
0x67: {  	_ =	swait.ge [sflag:s26], $0x2800  }
0x68: {  	[sflag:s26] =	ssyncset.done $0x0  }
0x69: {  	s6 =	simm.s32 $0x2800;
	[sflag:s26] =	ssyncadd.s32 $0xFFFFD800  }
0x6a: {  	[spmem:s2] =	stream.indirect.scatter.add.f32 [tilespmem:s31], [sflag:$0x3], $0x80, s6, s30, $0xb8;
	[tilespmem:$0x1F000] =	vst v63  }
0x6b: {  	_ =	swait.ge [sflag:s25], $0x2800  }
0x6c: {  	s29 =	simm.s32 $0xF0;
	[sflag:s25] =	ssyncset.done $0x0  }
0x6d: {  	s28 =	simm.s32 $0x400;
	s0 =	simm.s32 $0x190;
	[sflag:s25] =	ssyncadd.s32 $0xFFFFD800  }
.LBB2_4:
0x6e: {  	[tilespmem:s31], [sflag:$0x2] =	stream.indirect.gather [hbm4b:s4+s30], $0x80, s29, s30, $0xb8;
	[tilespmem:$0x1F000] =	vst v63  }
0x6f: {  	s5 =	smov.u32 s28;
	s29 =	smov.u32 s0  }
0x70: {  	p1 =	sne.s32 s28, $0xF000;
	s28 =	sadd.s32 $0x400, s28;
	_ =	swait.ge [sflag:s1], $0x2800  }
0x71: {  	s5 =	sshra.s32 s5, $0x2;
	[sflag:s1] =	ssyncset.done $0x0  }
0x72: {  	s6 =	sadd.s32 $0x2780, s5;
	[sflag:s1] =	ssyncadd.s32 $0xFFFFD800  }
0x73: {  	[spmem:s2] =	stream.indirect.scatter.add.f32 [tilespmem:s16], [sflag:$0x3], $0x80, s6, s30, $0xb8;
	[tilespmem:$0x1F000] =	vst v63  }
0x74: {  	_ =	swait.ge [sflag:s25], $0x2800  }
0x75: {  	[sflag:s25] =	ssyncset.done $0x0  }
0x76: {  	s6 =	sadd.s32 $0xFFFFFFB0, s0;
	[sflag:s25] =	ssyncadd.s32 $0xFFFFD800  }
0x77: {  	[tilespmem:s16], [sflag:$0x1] =	stream.indirect.gather [hbm4b:s4+s30], $0x80, s6, s30, $0xb8;
	[tilespmem:$0x1F000] =	vst v63  }
0x78: {  	_ =	swait.ge [sflag:s26], $0x2800  }
0x79: {  	[sflag:s26] =	ssyncset.done $0x0  }
.Ltmp1:
0x7a: {  	s5 =	sadd.s32 $0x2800, s5;
	[sflag:s26] =	ssyncadd.s32 $0xFFFFD800;
	(pc) =	sbr.rel @p1 .LBB2_4-.Ltmp1, $4  }
0x7b: {  	[spmem:s2] =	stream.indirect.scatter.add.f32 [tilespmem:s31], [sflag:$0x3], $0x80, s5, s30, $0xb8;
	[tilespmem:$0x1F000] =	vst v63  }
0x7c: {  	_ =	swait.ge [sflag:s25], $0x2800  }
0x7d: {  	[sflag:s25] =	ssyncset.done $0x0  }
0x7e: {  	s0 =	sadd.s32 $0xA0, s0;
	[sflag:s25] =	ssyncadd.s32 $0xFFFFD800  }
0x7f: {  	[tilespmem:s31], [sflag:$0x2] =	stream.indirect.gather [hbm4b:s4+s30], $0x80, s29, s30, $0xb8;
	[tilespmem:$0x1F000] =	vst v63  }
0x80: {  	_ =	swait.ge [sflag:s1], $0x2800  }
0x81: {  	[sflag:s1] =	ssyncset.done $0x0  }
0x82: {  	s0 =	simm.s32 $0x6480;
	[sflag:s1] =	ssyncadd.s32 $0xFFFFD800  }
0x83: {  	[spmem:s2] =	stream.indirect.scatter.add.f32 [tilespmem:s16], [sflag:$0x3], $0x80, s0, s30, $0xb8;
	[tilespmem:$0x1F000] =	vst v63  }
0x84: {  	_ =	swait.ge [sflag:s25], $0x2800  }
0x85: {  	[sflag:s25] =	ssyncset.done $0x0  }
0x86: {  	s6 =	simm.s32 $0x26C0;
	[sflag:s25] =	ssyncadd.s32 $0xFFFFD800  }
0x87: {  	[tilespmem:s16], [sflag:$0x1] =	stream.indirect.gather [hbm4b:s4+s30], $0x80, s6, s30, $0xb8;
	[tilespmem:$0x1F000] =	vst v63  }
0x88: {  	_ =	swait.ge [sflag:s26], $0x2800  }
0x89: {  	[sflag:s26] =	ssyncset.done $0x0  }
0x8a: {  	s28 =	simm.s32 $0x6500;
	[sflag:s26] =	ssyncadd.s32 $0xFFFFD800  }
0x8b: {  	[spmem:s2] =	stream.indirect.scatter.add.f32 [tilespmem:s31], [sflag:$0x3], $0x80, s28, s30, $0xb8;
	[tilespmem:$0x1F000] =	vst v63  }
0x8c: {  	_ =	swait.ge [sflag:s25], $0x2800  }
0x8d: {  	[sflag:s25] =	ssyncset.done $0x0  }
0x8e: {  	[sflag:s25] =	ssyncadd.s32 $0xFFFFD800  }
0x8f: {  	_ =	swait.ge [sflag:s1], $0x2800  }
0x90: {  	[sflag:s1] =	ssyncset.done $0x0  }
0x91: {  	s29 =	simm.s32 $0x6580;
	[sflag:s1] =	ssyncadd.s32 $0xFFFFD800  }
0x92: {  	[spmem:s2] =	stream.indirect.scatter.add.f32 [tilespmem:s16], [sflag:$0x3], $0x80, s29, s30, $0xb8;
	[tilespmem:$0x1F000] =	vst v63  }
0x93: {  	_ =	swait.ge [sflag:s25], $0x2800  }
0x94: {  	s5 =	stileid.u32;
	[sflag:s25] =	ssyncset.done $0x0  }
0x95: {  	s0 =	sshll.u32 s5, $0x6;
	[sflag:s25] =	ssyncadd.s32 $0xFFFFD800  }
0x96: {  	s5 =	sshrl.u32 s8, $0x3;
	s0 =	sor.u32 $0x1C03, s0;
	[bflag:$0x0] =	sbarrier.arrive $0xFFFF  }
0x97: {  	[hbm:s17], [sflag:s0] =	dma.local [spmem:s5], $0x500  }
0x98: {  	_ =	swait.ge [sflag:s25], $0x500  }
0x99: {  	[sflag:s25] =	ssyncset.done $0x0  }
0x9a: {  	s6 =	sshrl.u32 s9, $0x3;
	[sflag:s25] =	ssyncadd.s32 $0xFFFFFB00  }
0x9b: {  	[hbm:s18], [sflag:s0] =	dma.local [spmem:s6], $0x500  }
0x9c: {  	_ =	swait.ge [sflag:s25], $0x500  }
0x9d: {  	[sflag:s25] =	ssyncset.done $0x0  }
0x9e: {  	s28 =	sshrl.u32 s10, $0x3;
	[sflag:s25] =	ssyncadd.s32 $0xFFFFFB00  }
0x9f: {  	[hbm:s19], [sflag:s0] =	dma.local [spmem:s28], $0x500  }
0xa0: {  	_ =	swait.ge [sflag:s25], $0x500  }
0xa1: {  	[sflag:s25] =	ssyncset.done $0x0  }
0xa2: {  	s29 =	sshrl.u32 s11, $0x3;
	[sflag:s25] =	ssyncadd.s32 $0xFFFFFB00  }
0xa3: {  	[hbm:s20], [sflag:s0] =	dma.local [spmem:s29], $0x500  }
0xa4: {  	_ =	swait.ge [sflag:s25], $0x500  }
0xa5: {  	[sflag:s25] =	ssyncset.done $0x0  }
0xa6: {  	s6 =	sshrl.u32 s12, $0x3;
	[sflag:s25] =	ssyncadd.s32 $0xFFFFFB00  }
0xa7: {  	[hbm:s21], [sflag:s0] =	dma.local [spmem:s6], $0x500  }
0xa8: {  	_ =	swait.ge [sflag:s25], $0x500  }
0xa9: {  	[sflag:s25] =	ssyncset.done $0x0  }
0xaa: {  	s28 =	sshrl.u32 s13, $0x3;
	[sflag:s25] =	ssyncadd.s32 $0xFFFFFB00  }
0xab: {  	[hbm:s22], [sflag:s0] =	dma.local [spmem:s28], $0x500  }
0xac: {  	_ =	swait.ge [sflag:s25], $0x500  }
0xad: {  	[sflag:s25] =	ssyncset.done $0x0  }
0xae: {  	s29 =	sshrl.u32 s14, $0x3;
	[sflag:s25] =	ssyncadd.s32 $0xFFFFFB00  }
0xaf: {  	[hbm:s23], [sflag:s0] =	dma.local [spmem:s29], $0x500  }
0xb0: {  	_ =	swait.ge [sflag:s25], $0x500  }
0xb1: {  	s3 =	sadd.s32 $0x1, s3;
	[sflag:s25] =	ssyncset.done $0x0  }
0xb2: {  	p1 =	sne.s32 s3, s7;
	s5 =	sshrl.u32 @!p0 s15, $0x3;
	[sflag:s25] =	ssyncadd.s32 $0xFFFFFB00  }
0xb3: {  	[hbm:s24], [sflag:s0] =	dma.local @!p0 [spmem:s5], $0x500  }
.Ltmp2:
0xb4: {  	_ = 	snop;
	(pc) =	sbr.rel @p1 .LBB2_1-.Ltmp2, $4  }
0xb5: {  	s0 =	simm.s32 @!p0 $0x3  }
0xb6: {  	_ =	swait.ge @!p0 [sflag:s0], $0x500  }
0xb7: {  	[sflag:s0] =	ssyncset.done @!p0 $0x0  }
0xb8: {  	[sflag:s0] =	ssyncadd.s32 @!p0 $0xFFFFFB00  }
0xb9: {  	_ =	sfence.sel $0x180000  }
0xba: {  	[bflag:$0x0] =	sbarrier.arrive $0xFFFF  }
0xbb: {  	_ =	strace $0x9000004D  }
0xbc: {  	s0 =	stileid.u32;
	[bflag:$0x2] =	sbarrier.arrive $0xFFFF  }
0xbd: {  	p0 =	sne.s32 s0, $0x0;
	s0 =	rddreg [dreg:$0x2]  }
0xbe: {  	s0 =	sadd.s32 @!p0 $0x100000, s0  }
0xbf: {  	[sflag:s0] =	ssyncadd.tile.s32 @!p0 $0x1;
	_ =	shalt  }
.Lfunc_end2:
_tile_overlayer_lowered:
.L_overlay_start_2:
0xc0: {  	(tag) =	ssettag $0x2  }
0xc1: {  	s0 =	rddreg [dreg:$0x0];
	s2 =	stileid.u32  }
0xc2: {  	s1 =	rddreg [dreg:$0x1];
	p0 =	sne.s32 s2, $0x0  }
0xc3: {  	s3 =	rddreg [dreg:$0x2];
	[bflag:$0x3] =	sbarrier.arrive $0xFFFF;
	s2 =	simm.s32 @!p0 $0x1C03  }
0xc4: {  	[timem:s3], [sflag:s2] =	dma.local @!p0 [hbm:s0], s1  }
0xc5: {  	s0 =	simm.s32 @!p0 $0x3  }
0xc6: {  	_ =	swait.ge @!p0 [sflag:s0], s1  }
0xc7: {  	s1 =	ssub.s32 @!p0 $0x0, s1;
	[sflag:s0] =	ssyncset.done @!p0 $0x0  }
0xc8: {  	[sflag:s0] =	ssyncadd.s32 @!p0 s1  }
0xc9: {  	[bflag:$0x3] =	sbarrier.arrive $0xFFFF  }
0xca: {  	_ =	shalt  }

// kernel: kernel.8.cloned.1.call-start
scs
__scs_entry_jumppad:
0x0: {  	(pc) =	sbr.rel $0x88, $3  }
0x1: {  	(tag) =	ssettag $0x0;
	lr =	simm.s32 $0x1  }
0x2: {  	[smem:$0x3F94] =	sst lr;
	_ =	strace $0xD0000000  }
0x3: {  	_ = 	snop  }
0x4: {  	_ = 	snop  }
0x5: {  	_ = 	snop  }
0x6: {  	_ = 	snop  }
0x7: {  	_ = 	snop  }
__scs_overlays_trampoline_lowered:
0x8: {  	[smem:$0x3FA3] =	sst s0  }
0x9: {  	[smem:$0x3FA4] =	sst s1  }
0xa: {  	[smem:$0x3FA5] =	sst s2  }
0xb: {  	[smem:$0x3FA6] =	sst s3  }
0xc: {  	[smem:$0x3FA7] =	sst s4  }
0xd: {  	[smem:$0x3FA8] =	sst s5  }
0xe: {  	[smem:$0x3FA9] =	sst s6  }
0xf: {  	[smem:$0x3FAA] =	sst s7  }
0x10: {  	[smem:$0x3FAB] =	sst s8  }
0x11: {  	[smem:$0x3FAC] =	sst s9;
	s0 =	simm.s32 @!p0 $0x0  }
0x12: {  	s1 =	sld [smem:$0x3F92];
	s0 =	simm.s32 @p0 $0x1  }
0x13: {  	[smem:$0x3FAD] =	sst s0;
	s0 =	simm.s32 @!p1 $0x0  }
0x14: {  	s2 =	sld [smem:$0x3F91];
	s0 =	simm.s32 @p1 $0x1  }
0x15: {  	[smem:$0x3FAE] =	sst s0;
	s0 =	simm.s32 @!p2 $0x0  }
0x16: {  	s3 =	sld [smem:$0x3FDB];
	s0 =	simm.s32 @p2 $0x1  }
0x17: {  	s4 =	simm.s32 $0x1BF5;
	[smem:$0x3FB0] =	sst s0  }
0x18: {  	s0 =	sld [smem:$0x3F93];
	_ =	swait.ge [sflag:s4], $0x0  }
0x19: {  	s7 =	sld [smem:$0x3F94]  }
0x1a: {  	s8 =	sadd.s32 $0xFFFFE003, lr  }
0x1b: {  	s9 =	sadd.s32 $0xFFFFFEF7, lr;
	s5 =	simm.s32 $0xFFFFFFFF;
	p2 =	slt.u32 s8, $0xFFFFF086  }
0x1c: {  	p1 =	slt.u32 s9, $0xF7A;
	s5 =	simm.s32 @!p2 $0x0  }
0x1d: {  	s5 =	simm.s32 @p1 $0x1;
	p0 =	seq.s32 s7, s2  }
0x1e: {  	s7 =	smul.u32 @!p0 $0xF7A, s2;
	p2 =	seq.s32 @!p0 s5, $0x0  }
0x1f: {  	s9 =	smul.u32 $0xF7A, s1;
	s8 =	simm.s32 @!p0 $0x1BF5;
	p2 =	por !p2, p0  }
0x20: {  	[sflag:s8] =	ssyncset.s32 @!p0 $0xFFFFF086;
	s6 =	sadd.s32 @!p0 s3, s7;
	s7 =	simm.s32 @!p0 $0x108  }
0x21: {  	s3 =	sadd.s32 s3, s9;
	s6 =	sadd.s32 @!p0 $0x88, s6;
	s7 =	simm.s32 @p2 $0x1082  }
0x22: {  	[simem:s7], [sflag:s8] =	dma.local @!p0 [hbm:s6], $0xF7A  }
0x23: {  	s9 =	sor.u32 $0xD0000000, s2;
	s6 =	simm.s32 $0x108;
	_ =	swait.ge @!p0 [sflag:s8], $0x0  }
0x24: {  	s3 =	sadd.s32 $0x88, s3;
	s6 =	simm.s32 @!p1 $0x1082;
	[sflag:s4] =	ssyncset.s32 $0xFFFFF086  }
0x25: {  	[simem:s6], [sflag:s4] =	dma.local [hbm:s3], $0xF7A  }
0x26: {  	[smem:$0x3F94] =	sst s1;
	(tag) =	ssettag s2;
	_ =	strace s9  }
0x27: {  	s1 =	sld [smem:$0x3FA4]  }
0x28: {  	s2 =	sld [smem:$0x3FA5]  }
0x29: {  	s4 =	sld [smem:$0x3FA7]  }
0x2a: {  	p0 =	seq.s32 s5, $0x0;
	s5 =	sld [smem:$0x3FA8]  }
0x2b: {  	s6 =	sld [smem:$0x3FA9]  }
0x2c: {  	s7 =	sld [smem:$0x3FAA]  }
0x2d: {  	s3 =	simm.s32 $0x108;
	s8 =	sld [smem:$0x3FAB]  }
0x2e: {  	s3 =	simm.s32 @!p0 $0x1082;
	s9 =	sld [smem:$0x3FAC]  }
0x2f: {  	lr =	sadd.s32 s0, s3;
	s0 =	sld [smem:$0x3FA3]  }
0x30: {  	s3 =	sld [smem:$0x3FA6]  }
0x31: {  	[smem:$0x3FAF] =	sst s10  }
0x32: {  	s10 =	sld [smem:$0x3FAD];
	_ =	sdelay $0x3  }
0x33: {  	p0 =	seq.s32 s10, $0x1;
	s10 =	sld [smem:$0x3FAF];
	_ =	sdelay $0x3  }
0x34: {  	[smem:$0x3FAF] =	sst s10  }
0x35: {  	s10 =	sld [smem:$0x3FAE];
	_ =	sdelay $0x3  }
0x36: {  	p1 =	seq.s32 s10, $0x1;
	s10 =	sld [smem:$0x3FAF];
	_ =	sdelay $0x3  }
0x37: {  	[smem:$0x3FAF] =	sst s10  }
0x38: {  	s10 =	sld [smem:$0x3FB0]  }
0x39: {  	_ = 	snop;
	(pc) =	sbr.ind lr, $3  }
0x3a: {  	_ = 	snop  }
0x3b: {  	_ = 	snop  }
0x3c: {  	p2 =	seq.s32 s10, $0x1;
	s10 =	sld [smem:$0x3FAF]  }
0x3d: {  	_ =	shalt  }
0x3e: {  	_ =	shalt  }
0x3f: {  	_ =	shalt  }
0x40: {  	_ =	shalt  }
0x41: {  	_ =	shalt  }
0x42: {  	_ =	shalt  }
0x43: {  	_ =	shalt  }
0x44: {  	_ =	shalt  }
0x45: {  	_ =	shalt  }
0x46: {  	_ =	shalt  }
0x47: {  	_ =	shalt  }
0x48: {  	_ =	shalt  }
0x49: {  	_ =	shalt  }
0x4a: {  	_ =	shalt  }
0x4b: {  	_ =	shalt  }
0x4c: {  	_ =	shalt  }
0x4d: {  	_ =	shalt  }
0x4e: {  	_ =	shalt  }
0x4f: {  	_ =	shalt  }
0x50: {  	_ =	shalt  }
0x51: {  	_ =	shalt  }
0x52: {  	_ =	shalt  }
0x53: {  	_ =	shalt  }
0x54: {  	_ =	shalt  }
0x55: {  	_ =	shalt  }
0x56: {  	_ =	shalt  }
0x57: {  	_ =	shalt  }
0x58: {  	_ =	shalt  }
0x59: {  	_ =	shalt  }
0x5a: {  	_ =	shalt  }
0x5b: {  	_ =	shalt  }
0x5c: {  	_ =	shalt  }
0x5d: {  	_ =	shalt  }
0x5e: {  	_ =	shalt  }
0x5f: {  	_ =	shalt  }
0x60: {  	_ =	shalt  }
0x61: {  	_ =	shalt  }
0x62: {  	_ =	shalt  }
0x63: {  	_ =	shalt  }
0x64: {  	_ =	shalt  }
0x65: {  	_ =	shalt  }
0x66: {  	_ =	shalt  }
0x67: {  	_ =	shalt  }
0x68: {  	_ =	shalt  }
0x69: {  	_ =	shalt  }
0x6a: {  	_ =	shalt  }
0x6b: {  	_ =	shalt  }
0x6c: {  	_ =	shalt  }
0x6d: {  	_ =	shalt  }
0x6e: {  	_ =	shalt  }
0x6f: {  	_ =	shalt  }
0x70: {  	_ =	shalt  }
0x71: {  	_ =	shalt  }
0x72: {  	_ =	shalt  }
0x73: {  	_ =	shalt  }
0x74: {  	_ =	shalt  }
0x75: {  	_ =	shalt  }
0x76: {  	_ =	shalt  }
0x77: {  	_ =	shalt  }
0x78: {  	_ =	shalt  }
0x79: {  	_ =	shalt  }
0x7a: {  	_ =	shalt  }
0x7b: {  	_ =	shalt  }
0x7c: {  	_ =	shalt  }
0x7d: {  	_ =	shalt  }
0x7e: {  	_ =	shalt  }
0x7f: {  	_ =	shalt  }
0x80: {  	_ =	shalt  }
0x81: {  	_ =	shalt  }
0x82: {  	_ =	shalt  }
0x83: {  	_ =	shalt  }
0x84: {  	_ =	shalt  }
0x85: {  	_ =	shalt  }
0x86: {  	_ =	shalt  }
0x87: {  	_ =	shalt  }
.Lfunc_end0:
.L_simem_size_0:
called_computation_lowered:
.L_overlay_start_0:
0x88: {  	s2 =	sld [smem:$0x3FD9]  }
0x89: {  	s3 =	sld [smem:$0x3FFE];
	_ =	sdelay $0x1  }
0x8a: {  	s1 =	srdreg.scid  }
0x8b: {  	s0 =	sand.u32 $0x1, s1  }
0x8c: {  	s17 =	sshll.u32 s0, $0xA;
	s2 =	sadd.s32 s3, s2  }
0x8d: {  	s2 =	sadd.s32 s2, s17  }
0x8e: {  	[smem:$0x3FBB] =	sst s2  }
0x8f: {  	_ = 	snop  }
0x90: {  	s2 =	sld [smem:$0x3FC9];
	(tm) =	ssettm $0x1  }
0x91: {  	s18 =	sld [smem:$0x3FFB];
	_ =	sdelay $0x3  }
0x92: {  	_ =	strace s18  }
0x93: {  	s3 =	sld [smem:$0x3FFC];
	_ =	sdelay $0x3  }
0x94: {  	_ =	strace s3  }
0x95: {  	s3 =	sld [smem:$0x3FFD];
	_ =	sdelay $0x3  }
0x96: {  	_ =	strace s3  }
0x97: {  	_ =	strace $0x8FFFFFFF  }
0x98: {  	s19 =	sld [smem:$0x3FDB];
	_ =	sdelay $0x1  }
0x99: {  	s4 =	simm.s32 $_scs_section_size  }
0x9a: {  	s5 =	simm.s32 $_size__tile_overlayer_lowered;
	s6 =	simm.s32 $_tile_overlayer_lowered  }
0x9b: {  	s22 =	simm.s32 $0x1BFF;
	s21 =	sshll.u32 s6, $0x1;
	s3 =	sadd.s32 s4, s19  }
0x9c: {  	s7 =	simm.s32 $0x0;
	s20 =	sshll.u32 s5, $0x1;
	s5 =	sadd.s32 s21, s3  }
0x9d: {  	[timem:s7], [sflag:s22] =	dma.local [hbm:s5], s20  }
0x9e: {  	_ =	swait.ge [sflag:s22], s20  }
0x9f: {  	s4 =	ssub.s32 $0x0, s20;
	[sflag:s22] =	ssyncset.done $0x0  }
0xa0: {  	[sflag:s22] =	ssyncadd.s32 s4;
	_ =	sdelay $0x1  }
0xa1: {  	s23 =	simm.s32 $0x1B8B  }
0xa2: {  	_ =	swait.ge [sflag:s23], $0x1  }
0xa3: {  	[sflag:s23] =	ssyncset.done $0x0  }
0xa4: {  	s25 =	simm.s32 $0x1B8E;
	s24 =	sld [smem:$0x3FFE];
	[sflag:s23] =	ssyncadd.s32 $0xFFFFFFFF  }
0xa5: {  	s26 =	simm.s32 $execute0_lowered;
	[smem:$0x3FD2] =	sst s25  }
0xa6: {  	s5 =	sshll.u32 s26, $0x1;
	_ =	strace $0x80000046;
	[dreg:$0x1] =	wrdreg $0xFFFFFFFF  }
0xa7: {  	s28 =	simm.s32 $_size_execute0_lowered;
	s3 =	sadd.s32 s3, s5;
	[dreg:$0x0] =	wrdreg $0x0  }
0xa8: {  	s5 =	sshll.u32 s28, $0x1;
	[dreg:$0x2] =	wrdreg s3  }
0xa9: {  	[dreg:$0x3] =	wrdreg s5  }
0xaa: {  	[dreg:$0x4] =	wrdreg $0xC0  }
0xab: {  	_ =	task [dreg:s7], $0x5FFFF  }
0xac: {  	[dreg:$0x1] =	wrdreg $0xFFFFFFFF  }
0xad: {  	[dreg:$0x0] =	wrdreg $0x60  }
0xae: {  	[dreg:$0x2] =	wrdreg s2  }
0xaf: {  	[dreg:$0x3] =	wrdreg s24  }
0xb0: {  	[dreg:$0x4] =	wrdreg $0xB7800  }
0xb1: {  	[dreg:$0x5] =	wrdreg $0x9  }
0xb2: {  	_ =	task.clear_ibuf [dreg:s7], $0x6FFFF;
	_ =	strace $0x90000046  }
0xb3: {  	s29 =	simm.s32 $0x9;
	_ =	strace $0x80000048  }
0xb4: {  	_ =	swait.ge [sflag:s29], $0x1  }
0xb5: {  	[sflag:s29] =	ssyncadd.s32 $0xFFFFFFFF  }
0xb6: {  	_ =	strace $0x90000048  }
0xb7: {  	_ =	sfence  }
0xb8: {  	s30 =	sld [smem:$0x0];
	_ =	sdelay $0x2  }
0xb9: {  	s31 =	sshll.u32 s1, $0xD;
	s1 =	sshrl.u32 s1, $0x2  }
0xba: {  	s3 =	sand.u32 $0x4000, s31;
	s1 =	sadd.s32 s1, s30  }
0xbb: {  	s0 =	sor.u32 s3, s0;
	s1 =	sshll.u32 s1, $0x11  }
0xbc: {  	s0 =	sor.u32 s1, s0  }
0xbd: {  	s0 =	sadd.s32 $0x8F2B, s0  }
0xbe: {  	[sflag:s0] =	ssyncadd.remote.s32 $0x1  }
0xbf: {  	_ =	sfence.sel $0xFFFF  }
0xc0: {  	[dreg:$0x0] =	wrdreg $0xFFFFFFFF;
	(pc) =	sbr.abs _section_cstart, $3  }
0xc1: {  	[dreg:$0x1] =	wrdreg $0xFFFFFFFF  }
0xc2: {  	_ =	task.clear_ibuf [dreg:s7], $0x2FFFF;
	_ =	strace $0x9FFFFFFF  }
0xc3: {  	(tm) =	ssettm $0x7FFFFFFF  }
tec
execute0_lowered:
.L_overlay_start_1:
0x0: {  	(tag) =	ssettag $0x1  }
0x1: {  	s0 =	srdreg.scid;
	s1 =	rddreg [dreg:$0x0]  }
0x2: {  	s22 =	stileid.u32;
	s5 =	rddreg [dreg:$0x1]  }
0x3: {  	s3 =	rddreg [dreg:$0x2];
	s0 =	sand.u32 $0x1, s0;
	s8 =	smul.u32 $0xA000, s22  }
0x4: {  	s30 =	simm.s32 $0x50;
	s10 =	sor.u32 $0x10, s22;
	s26 =	smul.u32 $0x27100, s0  }
0x5: {  	s31 =	simm.s32 $0x8F80;
	s11 =	sor.u32 $0x20, s22;
	s9 =	smul.u32 $0xA000, s10  }
0x6: {  	s7 =	sshll.u32 s22, $0x7;
	s13 =	sor.u32 $0x30, s22;
	s12 =	smul.u32 $0xA000, s11  }
0x7: {  	s15 =	sor.u32 $0x40, s22;
	s17 =	sor.u32 $0x50, s22;
	s14 =	smul.u32 $0xA000, s13  }
0x8: {  	s18 =	sor.u32 $0x60, s22;
	s20 =	sor.u32 $0x70, s22;
	s16 =	smul.u32 $0xA000, s15  }
0x9: {  	s2 =	sshll.u32 s0, $0x4;
	s7 =	sand.u32 $0x380, s7;
	s19 =	smul.u32 $0xA000, s18  }
0xa: {  	s0 =	ssub.s32 $0x2, s0;
	s21 =	smul.u32 $0xA000, s20;
	p0 =	sgt.u32 s20, $0x7C  }
0xb: {  	s2 =	sor.u32 s22, s2;
	s28 =	sshrl.u32 s0, $0x1;
	s23 =	sshrl.u32 s8, $0x2  }
0xc: {  	s22 =	smul.u32 $0x500, s22;
	s4 =	sshrl.u32 s2, $0x3;
	s2 =	sshll.u32 s2, $0xB  }
0xd: {  	s0 =	ssub.s32 s0, s28;
	s8 =	sadd.s32 s23, s3;
	s25 =	sshrl.u32 s9, $0x2  }
0xe: {  	s23 =	smul.u32 $0x500, s10;
	s28 =	sshrl.u32 s14, $0x2;
	s19 =	sshrl.u32 s19, $0x2  }
0xf: {  	s21 =	sshrl.u32 s21, $0x2;
	s6 =	smul.u32 $0x13C00, s4;
	s4 =	simm.s32 $0x0  }
0x10: {  	s2 =	sadd.s32 s2, s5;
	s9 =	sadd.s32 s25, s3;
	s25 =	smul.u32 $0x500, s11  }
0x11: {  	s11 =	sadd.s32 s28, s3;
	s28 =	smul.u32 $0x500, s17;
	s14 =	sadd.s32 s19, s3  }
0x12: {  	[smem:$0x7FF] =	sst s4;
	s2 =	sadd.s32 $0x3800, s2;
	s6 =	sor.u32 s7, s6  }
0x13: {  	_ =	strace $0x80000047;
	s7 =	sadd.s32 s26, s5;
	[dreg:$0x5] =	wrdreg s2  }
0x14: {  	s26 =	sshrl.u32 s12, $0x2;
	s2 =	simm.s32 $0x1;
	s6 =	sshrl.u32 s6, $0x3  }
0x15: {  	s24 =	sadd.s32 $0x1D600, s7;
	s10 =	sadd.s32 s26, s3;
	s26 =	smul.u32 $0x500, s13  }
0x16: {  	s7 =	smax.u32 s0, $0x1;
	s0 =	smul.u32 $0x500, s20;
	s6 =	sadd.s32 s6, s5  }
0x17: {  	s19 =	sadd.s32 s25, s24;
	s25 =	simm.s32 $0x3;
	s29 =	sadd.s32 $0x13800, s6  }
0x18: {  	s6 =	smul.u32 $0xA000, s17;
	s17 =	sadd.s32 s22, s24;
	s20 =	sadd.s32 s26, s24  }
0x19: {  	s22 =	sadd.s32 s28, s24;
	s26 =	simm.s32 $0x2;
	[dreg:$0x4] =	wrdreg s29  }
0x1a: {  	s29 =	sshrl.u32 s16, $0x2;
	s5 =	sshrl.u32 s6, $0x2;
	s6 =	smul.u32 $0x500, s15  }
0x1b: {  	s16 =	simm.s32 $0x6780;
	s12 =	sadd.s32 s29, s3;
	s29 =	smul.u32 $0x500, s18  }
0x1c: {  	s15 =	sadd.s32 s21, s3;
	s18 =	sadd.s32 s23, s24;
	s13 =	sadd.s32 s5, s3  }
0x1d: {  	v0 =	vimm.f32 $0.0e+00;
	s21 =	sadd.s32 s6, s24;
	s23 =	sadd.s32 s29, s24;
	s24 =	sadd.s32 @!p0 s0, s24  }
.LBB2_1:
0x1e: {  	s0 =	simm.s32 $0x70;
	s28 =	simm.s32 $0x3C0  }
.LBB2_2:
0x1f: {  	p1 =	sne.s32 s28, $0x9FC0;
	[tilespmem:s0+$0x6780] =	vst v0  }
0x20: {  	[tilespmem:s0+$0x6710] =	vst v0  }
0x21: {  	[tilespmem:s0+$0x6720] =	vst v0  }
.Ltmp0:
0x22: {  	[tilespmem:s0+$0x6730] =	vst v0;
	(pc) =	sbr.rel @p1 .LBB2_2-.Ltmp0, $4  }
0x23: {  	[tilespmem:s0+$0x6740] =	vst v0  }
0x24: {  	[tilespmem:s0+$0x6750] =	vst v0  }
0x25: {  	[tilespmem:s0+$0x6760] =	vst v0  }
0x26: {  	[tilespmem:s0+$0x6770] =	vst v0;
	s0 =	sshra.s32 s28, $0x2;
	s28 =	sadd.s32 $0x200, s28  }
0x27: {  	[tilespmem:s0+$0x6780] =	vst v0  }
0x28: {  	[tilespmem:s0+$0x6710] =	vst v0  }
0x29: {  	[tilespmem:s0+$0x6720] =	vst v0  }
0x2a: {  	[tilespmem:s0+$0x6730] =	vst v0  }
0x2b: {  	[tilespmem:s0+$0x6740] =	vst v0  }
0x2c: {  	[tilespmem:s0+$0x6750] =	vst v0  }
0x2d: {  	[tilespmem:s0+$0x6760] =	vst v0  }
0x2e: {  	[tilespmem:s0+$0x6770] =	vst v0  }
0x2f: {  	[spmem:s8] =	stream.linear.scatter [tilespmem:s16], [sflag:$0x3], $0x2800, $0x38;
	[tilespmem:$0x1F000] =	vst v63  }
0x30: {  	_ =	swait.ge [sflag:s25], $0x2800  }
0x31: {  	[sflag:s25] =	ssyncset.done $0x0  }
0x32: {  	[sflag:s25] =	ssyncadd.s32 $0xFFFFD800  }
0x33: {  	[spmem:s9] =	stream.linear.scatter [tilespmem:s16], [sflag:$0x3], $0x2800, $0x38;
	[tilespmem:$0x1F000] =	vst v63  }
0x34: {  	_ =	swait.ge [sflag:s25], $0x2800  }
0x35: {  	[sflag:s25] =	ssyncset.done $0x0  }
0x36: {  	[sflag:s25] =	ssyncadd.s32 $0xFFFFD800  }
0x37: {  	[spmem:s10] =	stream.linear.scatter [tilespmem:s16], [sflag:$0x3], $0x2800, $0x38;
	[tilespmem:$0x1F000] =	vst v63  }
0x38: {  	_ =	swait.ge [sflag:s25], $0x2800  }
0x39: {  	[sflag:s25] =	ssyncset.done $0x0  }
0x3a: {  	[sflag:s25] =	ssyncadd.s32 $0xFFFFD800  }
0x3b: {  	[spmem:s11] =	stream.linear.scatter [tilespmem:s16], [sflag:$0x3], $0x2800, $0x38;
	[tilespmem:$0x1F000] =	vst v63  }
0x3c: {  	_ =	swait.ge [sflag:s25], $0x2800  }
0x3d: {  	[sflag:s25] =	ssyncset.done $0x0  }
0x3e: {  	[sflag:s25] =	ssyncadd.s32 $0xFFFFD800  }
0x3f: {  	[spmem:s12] =	stream.linear.scatter [tilespmem:s16], [sflag:$0x3], $0x2800, $0x38;
	[tilespmem:$0x1F000] =	vst v63  }
0x40: {  	_ =	swait.ge [sflag:s25], $0x2800  }
0x41: {  	[sflag:s25] =	ssyncset.done $0x0  }
0x42: {  	[sflag:s25] =	ssyncadd.s32 $0xFFFFD800  }
0x43: {  	[spmem:s13] =	stream.linear.scatter [tilespmem:s16], [sflag:$0x3], $0x2800, $0x38;
	[tilespmem:$0x1F000] =	vst v63  }
0x44: {  	_ =	swait.ge [sflag:s25], $0x2800  }
0x45: {  	[sflag:s25] =	ssyncset.done $0x0  }
0x46: {  	[sflag:s25] =	ssyncadd.s32 $0xFFFFD800  }
0x47: {  	[spmem:s14] =	stream.linear.scatter [tilespmem:s16], [sflag:$0x3], $0x2800, $0x38;
	[tilespmem:$0x1F000] =	vst v63  }
0x48: {  	_ =	swait.ge [sflag:s25], $0x2800  }
0x49: {  	[sflag:s25] =	ssyncset.done $0x0  }
0x4a: {  	s0 =	simm.s32 @!p0 $0x6780;
	[sflag:s25] =	ssyncadd.s32 $0xFFFFD800  }
0x4b: {  	[spmem:s15] =	stream.linear.scatter @!p0 [tilespmem:s0], [sflag:$0x3], $0x2800, $0x38;
	[tilespmem:$0x1F000] =	vst v63  }
0x4c: {  	s0 =	simm.s32 @!p0 $0x3  }
0x4d: {  	_ =	swait.ge @!p0 [sflag:s0], $0x2800  }
0x4e: {  	s6 =	simm.s32 $0x80;
	s28 =	simm.s32 $0x400;
	[sflag:s0] =	ssyncset.done @!p0 $0x0  }
0x4f: {  	s5 =	rddreg [dreg:$0x4];
	[sflag:s0] =	ssyncadd.s32 @!p0 $0xFFFFD800;
	s0 =	simm.s32 $0x0  }
0x50: {  	[tilespmem:s0], [sflag:$0x3] =	stream.strided.gather [hbm4b:s5+s6], $0x2780, s28, s6, $0x38;
	[tilespmem:$0x1F000] =	vst v63  }
0x51: {  	_ =	swait.ge [sflag:s25], $0x2780  }
0x52: {  	[sflag:s25] =	ssyncset.done $0x0  }
0x53: {  	s6 =	simm.s32 $0x2780;
	s5 =	rddreg [dreg:$0x5];
	[sflag:s25] =	ssyncadd.s32 $0xFFFFD880  }
0x54: {  	[tilespmem:s6], [sflag:$0x3] =	stream.linear.gather [hbm4b:s5+s0], $0x3E80, $0x38;
	[tilespmem:$0x1F000] =	vst v63  }
0x55: {  	_ =	swait.ge [sflag:s25], $0x3E80  }
0x56: {  	[sflag:s25] =	ssyncset.done $0x0  }
0x57: {  	[sflag:s25] =	ssyncadd.s32 $0xFFFFC180  }
0x58: {  	[bflag:$0x0] =	sbarrier.arrive $0xFFFF  }
0x59: {  	[tilespmem:s16], [sflag:$0x1] =	stream.indirect.gather [hbm4b:s1+s30], $0x80, s0, s30, $0xb8;
	[tilespmem:$0x1F000] =	vst v63  }
0x5a: {  	_ = 	snop  }
0x5b: {  	[tilespmem:s31], [sflag:$0x2] =	stream.indirect.gather [hbm4b:s1+s30], $0x80, s30, s30, $0xb8;
	[tilespmem:$0x1F000] =	vst v63  }
0x5c: {  	_ =	swait.ge [sflag:s2], $0x2800  }
0x5d: {  	[sflag:s2] =	ssyncset.done $0x0  }
0x5e: {  	s6 =	simm.s32 $0x2780;
	[sflag:s2] =	ssyncadd.s32 $0xFFFFD800  }
0x5f: {  	[spmem:s3] =	stream.indirect.scatter.add.f32 [tilespmem:s16], [sflag:$0x3], $0x80, s6, s30, $0xb8;
	[tilespmem:$0x1F000] =	vst v63  }
0x60: {  	_ =	swait.ge [sflag:s25], $0x2800  }
0x61: {  	[sflag:s25] =	ssyncset.done $0x0  }
0x62: {  	s5 =	simm.s32 $0xA0;
	[sflag:s25] =	ssyncadd.s32 $0xFFFFD800  }
0x63: {  	[tilespmem:s16], [sflag:$0x1] =	stream.indirect.gather [hbm4b:s1+s30], $0x80, s5, s30, $0xb8;
	[tilespmem:$0x1F000] =	vst v63  }
0x64: {  	_ =	swait.ge [sflag:s26], $0x2800  }
0x65: {  	[sflag:s26] =	ssyncset.done $0x0  }
0x66: {  	s6 =	simm.s32 $0x2800;
	[sflag:s26] =	ssyncadd.s32 $0xFFFFD800  }
0x67: {  	[spmem:s3] =	stream.indirect.scatter.add.f32 [tilespmem:s31], [sflag:$0x3], $0x80, s6, s30, $0xb8;
	[tilespmem:$0x1F000] =	vst v63  }
0x68: {  	_ =	swait.ge [sflag:s25], $0x2800  }
0x69: {  	s29 =	simm.s32 $0xF0;
	[sflag:s25] =	ssyncset.done $0x0  }
0x6a: {  	s28 =	simm.s32 $0x400;
	s0 =	simm.s32 $0x190;
	[sflag:s25] =	ssyncadd.s32 $0xFFFFD800  }
.LBB2_4:
0x6b: {  	[tilespmem:s31], [sflag:$0x2] =	stream.indirect.gather [hbm4b:s1+s30], $0x80, s29, s30, $0xb8;
	[tilespmem:$0x1F000] =	vst v63  }
0x6c: {  	s5 =	smov.u32 s28;
	s29 =	smov.u32 s0  }
0x6d: {  	p1 =	sne.s32 s28, $0xF000;
	s28 =	sadd.s32 $0x400, s28;
	_ =	swait.ge [sflag:s2], $0x2800  }
0x6e: {  	s5 =	sshra.s32 s5, $0x2;
	[sflag:s2] =	ssyncset.done $0x0  }
0x6f: {  	s6 =	sadd.s32 $0x2780, s5;
	[sflag:s2] =	ssyncadd.s32 $0xFFFFD800  }
0x70: {  	[spmem:s3] =	stream.indirect.scatter.add.f32 [tilespmem:s16], [sflag:$0x3], $0x80, s6, s30, $0xb8;
	[tilespmem:$0x1F000] =	vst v63  }
0x71: {  	_ =	swait.ge [sflag:s25], $0x2800  }
0x72: {  	[sflag:s25] =	ssyncset.done $0x0  }
0x73: {  	s6 =	sadd.s32 $0xFFFFFFB0, s0;
	[sflag:s25] =	ssyncadd.s32 $0xFFFFD800  }
0x74: {  	[tilespmem:s16], [sflag:$0x1] =	stream.indirect.gather [hbm4b:s1+s30], $0x80, s6, s30, $0xb8;
	[tilespmem:$0x1F000] =	vst v63  }
0x75: {  	_ =	swait.ge [sflag:s26], $0x2800  }
0x76: {  	[sflag:s26] =	ssyncset.done $0x0  }
.Ltmp1:
0x77: {  	s5 =	sadd.s32 $0x2800, s5;
	[sflag:s26] =	ssyncadd.s32 $0xFFFFD800;
	(pc) =	sbr.rel @p1 .LBB2_4-.Ltmp1, $4  }
0x78: {  	[spmem:s3] =	stream.indirect.scatter.add.f32 [tilespmem:s31], [sflag:$0x3], $0x80, s5, s30, $0xb8;
	[tilespmem:$0x1F000] =	vst v63  }
0x79: {  	_ =	swait.ge [sflag:s25], $0x2800  }
0x7a: {  	[sflag:s25] =	ssyncset.done $0x0  }
0x7b: {  	s0 =	sadd.s32 $0xA0, s0;
	[sflag:s25] =	ssyncadd.s32 $0xFFFFD800  }
0x7c: {  	[tilespmem:s31], [sflag:$0x2] =	stream.indirect.gather [hbm4b:s1+s30], $0x80, s29, s30, $0xb8;
	[tilespmem:$0x1F000] =	vst v63  }
0x7d: {  	_ =	swait.ge [sflag:s2], $0x2800  }
0x7e: {  	[sflag:s2] =	ssyncset.done $0x0  }
0x7f: {  	s0 =	simm.s32 $0x6480;
	[sflag:s2] =	ssyncadd.s32 $0xFFFFD800  }
0x80: {  	[spmem:s3] =	stream.indirect.scatter.add.f32 [tilespmem:s16], [sflag:$0x3], $0x80, s0, s30, $0xb8;
	[tilespmem:$0x1F000] =	vst v63  }
0x81: {  	_ =	swait.ge [sflag:s25], $0x2800  }
0x82: {  	[sflag:s25] =	ssyncset.done $0x0  }
0x83: {  	s6 =	simm.s32 $0x26C0;
	[sflag:s25] =	ssyncadd.s32 $0xFFFFD800  }
0x84: {  	[tilespmem:s16], [sflag:$0x1] =	stream.indirect.gather [hbm4b:s1+s30], $0x80, s6, s30, $0xb8;
	[tilespmem:$0x1F000] =	vst v63  }
0x85: {  	_ =	swait.ge [sflag:s26], $0x2800  }
0x86: {  	[sflag:s26] =	ssyncset.done $0x0  }
0x87: {  	s28 =	simm.s32 $0x6500;
	[sflag:s26] =	ssyncadd.s32 $0xFFFFD800  }
0x88: {  	[spmem:s3] =	stream.indirect.scatter.add.f32 [tilespmem:s31], [sflag:$0x3], $0x80, s28, s30, $0xb8;
	[tilespmem:$0x1F000] =	vst v63  }
0x89: {  	_ =	swait.ge [sflag:s25], $0x2800  }
0x8a: {  	[sflag:s25] =	ssyncset.done $0x0  }
0x8b: {  	[sflag:s25] =	ssyncadd.s32 $0xFFFFD800  }
0x8c: {  	_ =	swait.ge [sflag:s2], $0x2800  }
0x8d: {  	[sflag:s2] =	ssyncset.done $0x0  }
0x8e: {  	s29 =	simm.s32 $0x6580;
	[sflag:s2] =	ssyncadd.s32 $0xFFFFD800  }
0x8f: {  	[spmem:s3] =	stream.indirect.scatter.add.f32 [tilespmem:s16], [sflag:$0x3], $0x80, s29, s30, $0xb8;
	[tilespmem:$0x1F000] =	vst v63  }
0x90: {  	_ =	swait.ge [sflag:s25], $0x2800  }
0x91: {  	s5 =	stileid.u32;
	[sflag:s25] =	ssyncset.done $0x0  }
0x92: {  	s0 =	sshll.u32 s5, $0x6;
	[sflag:s25] =	ssyncadd.s32 $0xFFFFD800  }
0x93: {  	s5 =	sshrl.u32 s8, $0x3;
	s0 =	sor.u32 $0x1C03, s0;
	[bflag:$0x0] =	sbarrier.arrive $0xFFFF  }
0x94: {  	[hbm:s17], [sflag:s0] =	dma.local [spmem:s5], $0x500  }
0x95: {  	_ =	swait.ge [sflag:s25], $0x500  }
0x96: {  	[sflag:s25] =	ssyncset.done $0x0  }
0x97: {  	s6 =	sshrl.u32 s9, $0x3;
	[sflag:s25] =	ssyncadd.s32 $0xFFFFFB00  }
0x98: {  	[hbm:s18], [sflag:s0] =	dma.local [spmem:s6], $0x500  }
0x99: {  	_ =	swait.ge [sflag:s25], $0x500  }
0x9a: {  	[sflag:s25] =	ssyncset.done $0x0  }
0x9b: {  	s28 =	sshrl.u32 s10, $0x3;
	[sflag:s25] =	ssyncadd.s32 $0xFFFFFB00  }
0x9c: {  	[hbm:s19], [sflag:s0] =	dma.local [spmem:s28], $0x500  }
0x9d: {  	_ =	swait.ge [sflag:s25], $0x500  }
0x9e: {  	[sflag:s25] =	ssyncset.done $0x0  }
0x9f: {  	s29 =	sshrl.u32 s11, $0x3;
	[sflag:s25] =	ssyncadd.s32 $0xFFFFFB00  }
0xa0: {  	[hbm:s20], [sflag:s0] =	dma.local [spmem:s29], $0x500  }
0xa1: {  	_ =	swait.ge [sflag:s25], $0x500  }
0xa2: {  	[sflag:s25] =	ssyncset.done $0x0  }
0xa3: {  	s6 =	sshrl.u32 s12, $0x3;
	[sflag:s25] =	ssyncadd.s32 $0xFFFFFB00  }
0xa4: {  	[hbm:s21], [sflag:s0] =	dma.local [spmem:s6], $0x500  }
0xa5: {  	_ =	swait.ge [sflag:s25], $0x500  }
0xa6: {  	[sflag:s25] =	ssyncset.done $0x0  }
0xa7: {  	s28 =	sshrl.u32 s13, $0x3;
	[sflag:s25] =	ssyncadd.s32 $0xFFFFFB00  }
0xa8: {  	[hbm:s22], [sflag:s0] =	dma.local [spmem:s28], $0x500  }
0xa9: {  	_ =	swait.ge [sflag:s25], $0x500  }
0xaa: {  	[sflag:s25] =	ssyncset.done $0x0  }
0xab: {  	s29 =	sshrl.u32 s14, $0x3;
	[sflag:s25] =	ssyncadd.s32 $0xFFFFFB00  }
0xac: {  	[hbm:s23], [sflag:s0] =	dma.local [spmem:s29], $0x500  }
0xad: {  	_ =	swait.ge [sflag:s25], $0x500  }
0xae: {  	s4 =	sadd.s32 $0x1, s4;
	[sflag:s25] =	ssyncset.done $0x0  }
0xaf: {  	p1 =	sne.s32 s4, s7;
	s5 =	sshrl.u32 @!p0 s15, $0x3;
	[sflag:s25] =	ssyncadd.s32 $0xFFFFFB00  }
0xb0: {  	[hbm:s24], [sflag:s0] =	dma.local @!p0 [spmem:s5], $0x500  }
.Ltmp2:
0xb1: {  	_ = 	snop;
	(pc) =	sbr.rel @p1 .LBB2_1-.Ltmp2, $4  }
0xb2: {  	s0 =	simm.s32 @!p0 $0x3  }
0xb3: {  	_ =	swait.ge @!p0 [sflag:s0], $0x500  }
0xb4: {  	[sflag:s0] =	ssyncset.done @!p0 $0x0  }
0xb5: {  	[sflag:s0] =	ssyncadd.s32 @!p0 $0xFFFFFB00  }
0xb6: {  	_ =	sfence.sel $0x180000  }
0xb7: {  	[bflag:$0x0] =	sbarrier.arrive $0xFFFF  }
0xb8: {  	_ =	strace $0x90000047  }
0xb9: {  	s0 =	stileid.u32;
	[bflag:$0x2] =	sbarrier.arrive $0xFFFF  }
0xba: {  	p0 =	sne.s32 s0, $0x0;
	s0 =	rddreg [dreg:$0x3]  }
0xbb: {  	s0 =	sadd.s32 @!p0 $0x100000, s0  }
0xbc: {  	[sflag:s0] =	ssyncadd.tile.s32 @!p0 $0x1;
	_ =	shalt  }
.Lfunc_end2:
_tile_overlayer_lowered:
.L_overlay_start_2:
0xbd: {  	(tag) =	ssettag $0x2  }
0xbe: {  	s0 =	rddreg [dreg:$0x0];
	s2 =	stileid.u32  }
0xbf: {  	s1 =	rddreg [dreg:$0x1];
	p0 =	sne.s32 s2, $0x0  }
0xc0: {  	s3 =	rddreg [dreg:$0x2];
	[bflag:$0x3] =	sbarrier.arrive $0xFFFF;
	s2 =	simm.s32 @!p0 $0x1C03  }
0xc1: {  	[timem:s3], [sflag:s2] =	dma.local @!p0 [hbm:s0], s1  }
0xc2: {  	s0 =	simm.s32 @!p0 $0x3  }
0xc3: {  	_ =	swait.ge @!p0 [sflag:s0], s1  }
0xc4: {  	s1 =	ssub.s32 @!p0 $0x0, s1;
	[sflag:s0] =	ssyncset.done @!p0 $0x0  }
0xc5: {  	[sflag:s0] =	ssyncadd.s32 @!p0 s1  }
0xc6: {  	[bflag:$0x3] =	sbarrier.arrive $0xFFFF  }
0xc7: {  	_ =	shalt  }

</sc_bundles>
